<compile_context>
chip_gen: v7x
topology: tpu7x:2x2x1
jax: 0.10.2.dev20260603
libtpu: 0.0.44.dev20260713+nightly
codegen_flags: <defaults>
</compile_context>

<pallas_src>
import dataclasses
import functools

import jax
import jax.numpy as jnp
from jax import lax
from jax.experimental import pallas as pl
from jax.experimental.pallas import tpu as pltpu
from jax.experimental.pallas import tpu_sc as plsc

_NC = 2
_NS = 16
_NW = _NC * _NS
_K = 128
_H = 64
_RB = 5000


def _ceil_to(a, m):
    return (a + m - 1) // m * m


def _sc_mesh():
    return plsc.VectorSubcoreMesh(core_axis_name="c", subcore_axis_name="s")


def _sc_params():
    return pltpu.CompilerParams(use_tc_tiling_on_sc=False)


def _sc_degree(edge3, acc_rows, nb, k):
    rows_per_sub = acc_rows // _NS
    chunk = 8

    @functools.partial(
        pl.kernel,
        out_type=jax.ShapeDtypeStruct((_NC, acc_rows, _H), jnp.float32),
        mesh=_sc_mesh(),
        compiler_params=_sc_params(),
        scratch_types=[
            pltpu.VMEM((nb, k), jnp.int32),
            pltpu.VMEM((k, 16), jnp.float32),
            pltpu.VMEM((128, 16), jnp.float32),
            pltpu.SemaphoreType.DMA,
            pltpu.VMEM_SHARED((acc_rows, 16), jnp.float32),
        ],
    )
    def deg_kernel(edge_hbm, out_hbm, didx, ones_v, zero_v, sem, acc):
        c = lax.axis_index("c")
        s = lax.axis_index("s")
        wid = s * _NC + c

        pltpu.sync_copy(edge_hbm.at[1].at[pl.ds(wid * nb, nb)], didx)

        @pl.loop(0, k)
        def _(r):
            ones_v[r, pl.ds(0, 16)] = jnp.full((16,), 1.0, jnp.float32)

        @pl.loop(0, 128)
        def _(r):
            zero_v[r, pl.ds(0, 16)] = jnp.zeros((16,), jnp.float32)

        base_rows = s * rows_per_sub

        @pl.loop(0, rows_per_sub // 128)
        def _(b):
            pltpu.sync_copy(zero_v, acc.at[pl.ds(base_rows + b * 128, 128)])

        plsc.subcore_barrier()

        @pl.loop(0, nb, step=chunk)
        def _(b):
            @pl.loop(0, chunk)
            def _(j):
                pltpu.async_copy(ones_v, acc.at[didx.at[b + j]], sem,
                                 add=True)

            @pl.loop(0, chunk)
            def _(j):
                pltpu.make_async_copy(ones_v, acc.at[didx.at[b + j]],
                                      sem).wait()

        plsc.subcore_barrier()
        for j in range(_H // 16):
            pltpu.sync_copy(
                acc.at[pl.ds(base_rows, rows_per_sub)],
                out_hbm.at[c].at[pl.ds(base_rows, rows_per_sub),
                                 pl.ds(16 * j, 16)],
            )

    return deg_kernel(edge3)


_NBUF = 4


def _sc_edge_pass(p, edge3, acc_rows, nb, k):
    rows_per_sub = acc_rows // _NS
    nfull = rows_per_sub // k
    nrem = rows_per_sub - nfull * k

    @functools.partial(
        pl.kernel,
        out_type=jax.ShapeDtypeStruct((_NC, acc_rows, _H), jnp.float32),
        mesh=_sc_mesh(),
        compiler_params=_sc_params(),
        scratch_types=[
            pltpu.VMEM((nb, k), jnp.int32),
            pltpu.VMEM((nb, k), jnp.int32),
            [pltpu.VMEM((k, _H), jnp.float32) for _ in range(_NBUF)],
            [pltpu.SemaphoreType.DMA for _ in range(_NBUF)],
            pltpu.VMEM_SHARED((acc_rows, _H), jnp.float32),
        ],
    )
    def edge_kernel(p_hbm, edge_hbm, out_hbm, sidx, didx, rows, gsem,
                    acc):
        c = lax.axis_index("c")
        s = lax.axis_index("s")
        wid = s * _NC + c

        pltpu.sync_copy(edge_hbm.at[0].at[pl.ds(wid * nb, nb)], sidx)
        pltpu.sync_copy(edge_hbm.at[1].at[pl.ds(wid * nb, nb)], didx)

        @pl.loop(0, k)
        def _(r):
            @pl.loop(0, _H, step=16)
            def _(j):
                rows[0][r, pl.ds(j, 16)] = jnp.zeros((16,), jnp.float32)

        base_rows = s * rows_per_sub

        @pl.loop(0, nfull)
        def _(b):
            pltpu.sync_copy(rows[0], acc.at[pl.ds(base_rows + b * k, k)])

        if nrem:
            pltpu.sync_copy(
                rows[0].at[pl.ds(0, nrem)],
                acc.at[pl.ds(base_rows + nfull * k, nrem)])

        for j in range(_NBUF):
            pltpu.async_copy(p_hbm.at[sidx.at[j]], rows[j], gsem[j])

        plsc.subcore_barrier()

        @pl.loop(0, nb, step=_NBUF)
        def _(b):
            for j in range(_NBUF):
                blk = b + j
                pltpu.make_async_copy(p_hbm.at[sidx.at[blk]], rows[j],
                                      gsem[j]).wait()
                pltpu.sync_copy(rows[j], acc.at[didx.at[blk]], add=True)

                @pl.when(blk + _NBUF < nb)
                def _():
                    pltpu.async_copy(p_hbm.at[sidx.at[blk + _NBUF]], rows[j],
                                     gsem[j])

        plsc.subcore_barrier()
        pltpu.sync_copy(
            acc.at[pl.ds(base_rows, rows_per_sub)],
            out_hbm.at[c].at[pl.ds(base_rows, rows_per_sub)],
        )

    return edge_kernel(p, edge3)


def _embed_body(xf_ref, wef_ref, bef_ref, hf_ref):
    hf = jnp.dot(xf_ref[...], wef_ref[...], preferred_element_type=jnp.float32)
    hf_ref[...] = jnp.maximum(hf + bef_ref[...], 0.0)


def _p0_body(deg_ref, hf_ref, w0_ref, dinvf_ref, pf_ref):
    nf = hf_ref.shape[0]
    degf = deg_ref[0, :nf, :] + deg_ref[1, :nf, :]
    dinvf = 1.0 / jnp.sqrt(1.0 + degf)
    dinvf_ref[...] = dinvf
    pf_ref[...] = dinvf * jnp.dot(hf_ref[...], w0_ref[...],
                                  preferred_element_type=jnp.float32)


def _combine_body(part_ref, pf_ref, hf_ref, dinvf_ref, cb_ref, g_ref, be_ref,
                  mu_ref, var_ref, wn_ref, hn_ref, pn_ref):
    nf = pf_ref.shape[0]
    dinvf = dinvf_ref[...]
    aggf = part_ref[0, :nf, :] + part_ref[1, :nf, :] + pf_ref[...]
    t = dinvf * aggf + cb_ref[...]
    inv = 1.0 / jnp.sqrt(var_ref[...] + 1e-5)
    t = (t - mu_ref[...]) * inv * g_ref[...] + be_ref[...]
    hn = jnp.maximum(t, 0.0) + hf_ref[...]
    hn_ref[...] = hn
    pn_ref[...] = dinvf * jnp.dot(hn, wn_ref[...],
                                  preferred_element_type=jnp.float32)


def kernel(x, edge_index, W_embed, b_embed, conv_W, conv_b, bn_gamma, bn_beta,
           bn_mean, bn_var):
    N, F_in = x.shape
    E = edge_index.shape[1]
    L = conv_W.shape[0]

    acc_rows = _ceil_to(N + 1, _NS * 128)
    e_per_w = E // _NW
    k = next(kk for kk in range(128, 0, -1)
             if e_per_w % (kk * _NBUF) == 0)
    nb = e_per_w // k
    edge3 = edge_index.reshape(2, E // k, k)

    nf = N // 2
    foldr_spec = pl.BlockSpec((nf, 128), lambda: (0, 0))
    vec_spec = pl.BlockSpec((1, 128), lambda: (0, 0))
    wd_spec = pl.BlockSpec((128, 128), lambda: (0, 0))
    f32 = jnp.float32

    def tile2(v):
        return jnp.concatenate([v, v]).reshape(1, 128)

    eye2 = jnp.eye(2, dtype=f32)
    conv_Wd = jnp.kron(eye2, conv_W)
    W_embed_d = jnp.kron(eye2, W_embed)
    xf = x.reshape(nf, 2 * F_in)

    deg_part = _sc_degree(edge3, acc_rows, nb, k)
    deg_f = deg_part.reshape(_NC, acc_rows // 2, 128)

    hf = pl.pallas_call(
        _embed_body,
        in_specs=[pl.BlockSpec((nf, 2 * F_in), lambda: (0, 0)),
                  pl.BlockSpec((2 * F_in, 128), lambda: (0, 0)),
                  vec_spec],
        out_specs=foldr_spec,
        out_shape=jax.ShapeDtypeStruct((nf, 128), f32),
    )(xf, W_embed_d, tile2(b_embed))

    dinvf, pf = pl.pallas_call(
        _p0_body,
        in_specs=[pl.BlockSpec((_NC, acc_rows // 2, 128), lambda: (0, 0, 0)),
                  foldr_spec, wd_spec],
        out_specs=[foldr_spec, foldr_spec],
        out_shape=[jax.ShapeDtypeStruct((nf, 128), f32),
                   jax.ShapeDtypeStruct((nf, 128), f32)],
    )(deg_f, hf, conv_Wd[0])

    combine = pl.pallas_call(
        _combine_body,
        in_specs=[pl.BlockSpec((_NC, acc_rows // 2, 128),
                               lambda: (0, 0, 0)),
                  foldr_spec, foldr_spec, foldr_spec,
                  vec_spec, vec_spec, vec_spec, vec_spec, vec_spec,
                  wd_spec],
        out_specs=[foldr_spec, foldr_spec],
        out_shape=[jax.ShapeDtypeStruct((nf, 128), f32),
                   jax.ShapeDtypeStruct((nf, 128), f32)],
    )

    g2 = tile2(bn_gamma)
    be2 = tile2(bn_beta)
    mu2 = tile2(bn_mean)
    var2 = tile2(bn_var)

    for i in range(L):
        part = _sc_edge_pass(pf.reshape(N, _H), edge3, acc_rows, nb, k)
        part_f = part.reshape(_NC, acc_rows // 2, 128)
        hf, pf = combine(part_f, pf, hf, dinvf, tile2(conv_b[i]),
                         g2, be2, mu2, var2, conv_Wd[(i + 1) % L])
    return hf.reshape(N, _H)

# --- scband reference (transcript-rebuilt; emitter-appended) ---
"""Pipeline reference for scband-mumbai-traffic-gnn-68453188763742 (READ-ONLY COPY).

The authoritative reference and input builder live on the scoring server;
editing this copy changes nothing except your own understanding.
"""

import jax, jax.numpy as jnp
import numpy as np


def _gcn_layer(x, src, dst, W, b, num_nodes):
    # degree with self-loops already included in src/dst
    deg = jax.ops.segment_sum(jnp.ones_like(dst, dtype=x.dtype), dst, num_segments=num_nodes)
    dinv = jnp.where(deg > 0, 1.0 / jnp.sqrt(deg), 0.0)
    norm = dinv[src] * dinv[dst]
    h = x @ W
    msg = h[src] * norm[:, None]
    out = jax.ops.segment_sum(msg, dst, num_segments=num_nodes)
    return out + b


def _batch_norm_eval(x, gamma, beta, mean, var, eps=1e-5):
    return (x - mean) / jnp.sqrt(var + eps) * gamma + beta


def setup_inputs(seed: int = 0):
    key = jax.random.key(seed)
    ks = jax.random.split(key, 8)
    N, E, F_in, H, L = 10000, 320000, 128, 64, 3
    x = jax.random.normal(ks[0], (N, F_in), dtype=jnp.float32)
    edge_index = jax.random.randint(ks[1], (2, E), 0, N)
    W_embed = jax.random.normal(ks[2], (F_in, H), dtype=jnp.float32) * 0.05
    b_embed = jnp.zeros((H,), dtype=jnp.float32)
    conv_W = jax.random.normal(ks[3], (L, H, H), dtype=jnp.float32) * 0.1
    conv_b = jnp.zeros((L, H), dtype=jnp.float32)
    bn_gamma = jnp.ones((H,), dtype=jnp.float32)
    bn_beta = jnp.zeros((H,), dtype=jnp.float32)
    bn_mean = jnp.zeros((H,), dtype=jnp.float32)
    bn_var = jnp.ones((H,), dtype=jnp.float32)
    return {"x": x, "edge_index": edge_index, "W_embed": W_embed, "b_embed": b_embed,
            "conv_W": conv_W, "conv_b": conv_b, "bn_gamma": bn_gamma, "bn_beta": bn_beta,
            "bn_mean": bn_mean, "bn_var": bn_var}


def reference(x, edge_index, W_embed, b_embed, conv_W, conv_b, bn_gamma, bn_beta, bn_mean, bn_var):
    N = x.shape[0]
    L = conv_W.shape[0]
    # add self loops once (same for every layer)
    loop = jnp.arange(N, dtype=edge_index.dtype)
    src = jnp.concatenate([edge_index[0], loop])
    dst = jnp.concatenate([edge_index[1], loop])
    h = jax.nn.relu(x @ W_embed + b_embed)
    for i in range(L):
        h_res = h
        h = _gcn_layer(h, src, dst, conv_W[i], conv_b[i], N)
        h = _batch_norm_eval(h, bn_gamma, bn_beta, bn_mean, bn_var)
        h = jax.nn.relu(h)
        h = h + h_res
    return h

if __name__ == "__main__":
    import jax
    _d = setup_inputs()
    print(jax.jit(kernel)(*tuple(_d.values())))

</pallas_src>

<mosaic_0001>
#map = affine_map<(d0, d1) -> (0, 0)>
#map1 = affine_map<(d0, d1) -> (0, 0, 0)>
module attributes {stable_mosaic.version = 14 : i64} {
  func.func @edge_kernel(%arg0: i32, %arg1: i32, %arg2: memref<10000x64xf32, #tpu.memory_space<hbm>>, %arg3: memref<2x2560x125xi32, #tpu.memory_space<hbm>>, %arg4: memref<2x10240x64xf32, #tpu.memory_space<hbm>>, %arg5: memref<80x125xi32, #tpu.memory_space<vmem>>, %arg6: memref<80x125xi32, #tpu.memory_space<vmem>>, %arg7: memref<125x64xf32, #tpu.memory_space<vmem>>, %arg8: memref<125x64xf32, #tpu.memory_space<vmem>>, %arg9: memref<125x64xf32, #tpu.memory_space<vmem>>, %arg10: memref<125x64xf32, #tpu.memory_space<vmem>>, %arg11: memref<!tpu.dma_semaphore, #tpu.memory_space<semaphore_mem>>, %arg12: memref<!tpu.dma_semaphore, #tpu.memory_space<semaphore_mem>>, %arg13: memref<!tpu.dma_semaphore, #tpu.memory_space<semaphore_mem>>, %arg14: memref<!tpu.dma_semaphore, #tpu.memory_space<semaphore_mem>>, %arg15: memref<10240x64xf32, #tpu.memory_space<vmem_shared>>) attributes {dimension_semantics = [#tpu.dimension_semantics<core_parallel>, #tpu.dimension_semantics<subcore_parallel>], iteration_bounds = array<i64: 2, 16>, scalar_prefetch = 0 : i64, scratch_operands = 11 : i64, tpu.core_type = #tpu.core_type<sc_vector_subcore>, window_params = [{transform_indices = #map}, {transform_indices = #map1}, {transform_indices = #map1}]} {
    %mul3A = arith.constant 2 : i32
    %mul3A_0 = arith.muli %arg1, %mul3A : i32
    %add3A = arith.addi %mul3A_0, %arg0 : i32
    %mul3A_1 = arith.constant 80 : i32
    %mul3A_2 = arith.muli %add3A, %mul3A_1 : i32
    %run_scoped3A = arith.constant 0 : i32
    "tpu.region"() ({
      %run_scoped3A_52 = tpu.sem_alloc : memref<!tpu.dma_semaphore, #tpu.memory_space<semaphore_mem>>
      %dma_start3A_53 = arith.constant 0 : i32
      %dma_start3A_54 = arith.constant 0 : i32
      %dma_start3A_55 = tpu.memref_slice %arg3[%run_scoped3A, %dma_start3A_53, %dma_start3A_54] : memref<2x2560x125xi32, #tpu.memory_space<hbm>> -> memref<1x2560x125xi32, #tpu.memory_space<hbm>>
      %dma_start3A_56 = tpu.memref_squeeze %dma_start3A_55 : memref<1x2560x125xi32, #tpu.memory_space<hbm>> -> memref<2560x125xi32, #tpu.memory_space<hbm>>
      %dma_start3A_57 = arith.constant 0 : i32
      %dma_start3A_58 = tpu.memref_slice %dma_start3A_56[%mul3A_2, %dma_start3A_57] : memref<2560x125xi32, #tpu.memory_space<hbm>> -> memref<80x125xi32, #tpu.memory_space<hbm>>
      %dma_start3A_59 = arith.constant 0 : i32
      %dma_start3A_60 = arith.constant 0 : i32
      %dma_start3A_61 = tpu.memref_slice %arg3[%run_scoped3A, %dma_start3A_59, %dma_start3A_60] : memref<2x2560x125xi32, #tpu.memory_space<hbm>> -> memref<1x2560x125xi32, #tpu.memory_space<hbm>>
      %dma_start3A_62 = tpu.memref_squeeze %dma_start3A_61 : memref<1x2560x125xi32, #tpu.memory_space<hbm>> -> memref<2560x125xi32, #tpu.memory_space<hbm>>
      %dma_start3A_63 = arith.constant 0 : i32
      %dma_start3A_64 = tpu.memref_slice %dma_start3A_62[%mul3A_2, %dma_start3A_63] : memref<2560x125xi32, #tpu.memory_space<hbm>> -> memref<80x125xi32, #tpu.memory_space<hbm>>
      tpu.enqueue_dma source(%dma_start3A_64 : memref<80x125xi32, #tpu.memory_space<hbm>>) target(%arg5 : memref<80x125xi32, #tpu.memory_space<vmem>>) target_semaphore(%run_scoped3A_52 : memref<!tpu.dma_semaphore, #tpu.memory_space<semaphore_mem>>)
      %dma_wait3A = arith.constant 0 : i32
      %dma_wait3A_65 = arith.constant 0 : i32
      %dma_wait3A_66 = tpu.memref_slice %arg3[%run_scoped3A, %dma_wait3A, %dma_wait3A_65] : memref<2x2560x125xi32, #tpu.memory_space<hbm>> -> memref<1x2560x125xi32, #tpu.memory_space<hbm>>
      %dma_wait3A_67 = tpu.memref_squeeze %dma_wait3A_66 : memref<1x2560x125xi32, #tpu.memory_space<hbm>> -> memref<2560x125xi32, #tpu.memory_space<hbm>>
      %dma_wait3A_68 = arith.constant 0 : i32
      %dma_wait3A_69 = tpu.memref_slice %dma_wait3A_67[%mul3A_2, %dma_wait3A_68] : memref<2560x125xi32, #tpu.memory_space<hbm>> -> memref<80x125xi32, #tpu.memory_space<hbm>>
      %dma_wait3A_70 = arith.constant 0 : i32
      %dma_wait3A_71 = arith.constant 0 : i32
      %dma_wait3A_72 = tpu.memref_slice %arg3[%run_scoped3A, %dma_wait3A_70, %dma_wait3A_71] : memref<2x2560x125xi32, #tpu.memory_space<hbm>> -> memref<1x2560x125xi32, #tpu.memory_space<hbm>>
      %dma_wait3A_73 = tpu.memref_squeeze %dma_wait3A_72 : memref<1x2560x125xi32, #tpu.memory_space<hbm>> -> memref<2560x125xi32, #tpu.memory_space<hbm>>
      %dma_wait3A_74 = arith.constant 0 : i32
      %dma_wait3A_75 = tpu.memref_slice %dma_wait3A_73[%mul3A_2, %dma_wait3A_74] : memref<2560x125xi32, #tpu.memory_space<hbm>> -> memref<80x125xi32, #tpu.memory_space<hbm>>
      tpu.wait_dma2 semaphore(%run_scoped3A_52 : memref<!tpu.dma_semaphore, #tpu.memory_space<semaphore_mem>>) src(%dma_wait3A_75 : memref<80x125xi32, #tpu.memory_space<hbm>>) dst(%arg5 : memref<80x125xi32, #tpu.memory_space<vmem>>)
      tpu.yield
    }) : () -> ()
    %mul3A_3 = arith.constant 80 : i32
    %mul3A_4 = arith.muli %add3A, %mul3A_3 : i32
    %run_scoped3A_5 = arith.constant 1 : i32
    "tpu.region"() ({
      %run_scoped3A_52 = tpu.sem_alloc : memref<!tpu.dma_semaphore, #tpu.memory_space<semaphore_mem>>
      %dma_start3A_53 = arith.constant 0 : i32
      %dma_start3A_54 = arith.constant 0 : i32
      %dma_start3A_55 = tpu.memref_slice %arg3[%run_scoped3A_5, %dma_start3A_53, %dma_start3A_54] : memref<2x2560x125xi32, #tpu.memory_space<hbm>> -> memref<1x2560x125xi32, #tpu.memory_space<hbm>>
      %dma_start3A_56 = tpu.memref_squeeze %dma_start3A_55 : memref<1x2560x125xi32, #tpu.memory_space<hbm>> -> memref<2560x125xi32, #tpu.memory_space<hbm>>
      %dma_start3A_57 = arith.constant 0 : i32
      %dma_start3A_58 = tpu.memref_slice %dma_start3A_56[%mul3A_4, %dma_start3A_57] : memref<2560x125xi32, #tpu.memory_space<hbm>> -> memref<80x125xi32, #tpu.memory_space<hbm>>
      %dma_start3A_59 = arith.constant 0 : i32
      %dma_start3A_60 = arith.constant 0 : i32
      %dma_start3A_61 = tpu.memref_slice %arg3[%run_scoped3A_5, %dma_start3A_59, %dma_start3A_60] : memref<2x2560x125xi32, #tpu.memory_space<hbm>> -> memref<1x2560x125xi32, #tpu.memory_space<hbm>>
      %dma_start3A_62 = tpu.memref_squeeze %dma_start3A_61 : memref<1x2560x125xi32, #tpu.memory_space<hbm>> -> memref<2560x125xi32, #tpu.memory_space<hbm>>
      %dma_start3A_63 = arith.constant 0 : i32
      %dma_start3A_64 = tpu.memref_slice %dma_start3A_62[%mul3A_4, %dma_start3A_63] : memref<2560x125xi32, #tpu.memory_space<hbm>> -> memref<80x125xi32, #tpu.memory_space<hbm>>
      tpu.enqueue_dma source(%dma_start3A_64 : memref<80x125xi32, #tpu.memory_space<hbm>>) target(%arg6 : memref<80x125xi32, #tpu.memory_space<vmem>>) target_semaphore(%run_scoped3A_52 : memref<!tpu.dma_semaphore, #tpu.memory_space<semaphore_mem>>)
      %dma_wait3A = arith.constant 0 : i32
      %dma_wait3A_65 = arith.constant 0 : i32
      %dma_wait3A_66 = tpu.memref_slice %arg3[%run_scoped3A_5, %dma_wait3A, %dma_wait3A_65] : memref<2x2560x125xi32, #tpu.memory_space<hbm>> -> memref<1x2560x125xi32, #tpu.memory_space<hbm>>
      %dma_wait3A_67 = tpu.memref_squeeze %dma_wait3A_66 : memref<1x2560x125xi32, #tpu.memory_space<hbm>> -> memref<2560x125xi32, #tpu.memory_space<hbm>>
      %dma_wait3A_68 = arith.constant 0 : i32
      %dma_wait3A_69 = tpu.memref_slice %dma_wait3A_67[%mul3A_4, %dma_wait3A_68] : memref<2560x125xi32, #tpu.memory_space<hbm>> -> memref<80x125xi32, #tpu.memory_space<hbm>>
      %dma_wait3A_70 = arith.constant 0 : i32
      %dma_wait3A_71 = arith.constant 0 : i32
      %dma_wait3A_72 = tpu.memref_slice %arg3[%run_scoped3A_5, %dma_wait3A_70, %dma_wait3A_71] : memref<2x2560x125xi32, #tpu.memory_space<hbm>> -> memref<1x2560x125xi32, #tpu.memory_space<hbm>>
      %dma_wait3A_73 = tpu.memref_squeeze %dma_wait3A_72 : memref<1x2560x125xi32, #tpu.memory_space<hbm>> -> memref<2560x125xi32, #tpu.memory_space<hbm>>
      %dma_wait3A_74 = arith.constant 0 : i32
      %dma_wait3A_75 = tpu.memref_slice %dma_wait3A_73[%mul3A_4, %dma_wait3A_74] : memref<2560x125xi32, #tpu.memory_space<hbm>> -> memref<80x125xi32, #tpu.memory_space<hbm>>
      tpu.wait_dma2 semaphore(%run_scoped3A_52 : memref<!tpu.dma_semaphore, #tpu.memory_space<semaphore_mem>>) src(%dma_wait3A_75 : memref<80x125xi32, #tpu.memory_space<hbm>>) dst(%arg6 : memref<80x125xi32, #tpu.memory_space<vmem>>)
      tpu.yield
    }) : () -> ()
    %scan3A = arith.constant 0 : i32
    %scan3A_6 = arith.constant 125 : i32
    %scan3A_7 = arith.addi %scan3A, %scan3A_6 : i32
    %scan3A_8 = arith.constant 1 : i32
    scf.for %scan3A_52 = %scan3A to %scan3A_7 step %scan3A_8  : i32 {
      %mul3A_53 = arith.constant 1 : i32
      %mul3A_54 = arith.muli %scan3A_52, %mul3A_53 : i32
      %add3A_55 = arith.constant 0 : i32
      %add3A_56 = arith.addi %add3A_55, %mul3A_54 : i32
      %scan3A_57 = arith.constant 0 : i32
      %scan3A_58 = arith.constant 4 : i32
      %scan3A_59 = arith.addi %scan3A_57, %scan3A_58 : i32
      %scan3A_60 = arith.constant 1 : i32
      scf.for %scan3A_62 = %scan3A_57 to %scan3A_59 step %scan3A_60  : i32 {
        %mul3A_63 = arith.constant 16 : i32
        %mul3A_64 = arith.muli %scan3A_62, %mul3A_63 : i32
        %add3A_65 = arith.constant 0 : i32
        %add3A_66 = arith.addi %add3A_65, %mul3A_64 : i32
        %broadcast_in_dim3A = arith.constant 0.000000e+00 : f32
        %broadcast_in_dim3A_67 = vector.broadcast %broadcast_in_dim3A : f32 to vector<16xf32>
        %swap3A = arith.index_cast %add3A_56 : i32 to index
        %swap3A_68 = arith.index_cast %add3A_66 : i32 to index
        %swap3A_69 = tpu.vector_load %arg7[%swap3A, %swap3A_68] {strides = array<i32>} : memref<125x64xf32, #tpu.memory_space<vmem>>, vector<1x16xf32>,
        %swap3A_70 = vector.shape_cast %swap3A_69 : vector<1x16xf32> to vector<16xf32>
        %swap3A_71 = vector.shape_cast %broadcast_in_dim3A_67 : vector<16xf32> to vector<1x16xf32>
        tpu.vector_store %arg7[%swap3A, %swap3A_68], %swap3A_71 {strides = array<i32>} : memref<125x64xf32, #tpu.memory_space<vmem>>, vector<1x16xf32>,
      }
      %scan3A_61 = arith.constant 4 : i32
    }
    %scan3A_9 = arith.constant 125 : i32
    %mul3A_10 = arith.constant 640 : i32
    %mul3A_11 = arith.muli %arg1, %mul3A_10 : i32
    %scan3A_12 = arith.constant 0 : i32
    %scan3A_13 = arith.constant 5 : i32
    %scan3A_14 = arith.addi %scan3A_12, %scan3A_13 : i32
    %scan3A_15 = arith.constant 1 : i32
    scf.for %scan3A_52 = %scan3A_12 to %scan3A_14 step %scan3A_15  : i32 {
      %mul3A_53 = arith.constant 1 : i32
      %mul3A_54 = arith.muli %scan3A_52, %mul3A_53 : i32
      %add3A_55 = arith.constant 0 : i32
      %add3A_56 = arith.addi %add3A_55, %mul3A_54 : i32
      %mul3A_57 = arith.constant 125 : i32
      %mul3A_58 = arith.muli %add3A_56, %mul3A_57 : i32
      %add3A_59 = arith.addi %mul3A_11, %mul3A_58 : i32
      "tpu.region"() ({
        %run_scoped3A_60 = tpu.sem_alloc : memref<!tpu.dma_semaphore, #tpu.memory_space<semaphore_mem>>
        %dma_start3A_61 = arith.constant 0 : i32
        %dma_start3A_62 = tpu.memref_slice %arg15[%add3A_59, %dma_start3A_61] : memref<10240x64xf32, #tpu.memory_space<vmem_shared>> -> memref<125x64xf32, #tpu.memory_space<vmem_shared>>
        %dma_start3A_63 = arith.constant 0 : i32
        %dma_start3A_64 = tpu.memref_slice %arg15[%add3A_59, %dma_start3A_63] : memref<10240x64xf32, #tpu.memory_space<vmem_shared>> -> memref<125x64xf32, #tpu.memory_space<vmem_shared>>
        tpu.enqueue_dma source(%arg7 : memref<125x64xf32, #tpu.memory_space<vmem>>) target(%dma_start3A_64 : memref<125x64xf32, #tpu.memory_space<vmem_shared>>) target_semaphore(%run_scoped3A_60 : memref<!tpu.dma_semaphore, #tpu.memory_space<semaphore_mem>>)
        %dma_wait3A = arith.constant 0 : i32
        %dma_wait3A_65 = tpu.memref_slice %arg15[%add3A_59, %dma_wait3A] : memref<10240x64xf32, #tpu.memory_space<vmem_shared>> -> memref<125x64xf32, #tpu.memory_space<vmem_shared>>
        %dma_wait3A_66 = arith.constant 0 : i32
        %dma_wait3A_67 = tpu.memref_slice %arg15[%add3A_59, %dma_wait3A_66] : memref<10240x64xf32, #tpu.memory_space<vmem_shared>> -> memref<125x64xf32, #tpu.memory_space<vmem_shared>>
        tpu.wait_dma2 semaphore(%run_scoped3A_60 : memref<!tpu.dma_semaphore, #tpu.memory_space<semaphore_mem>>) src(%arg7 : memref<125x64xf32, #tpu.memory_space<vmem>>) dst(%dma_wait3A_67 : memref<125x64xf32, #tpu.memory_space<vmem_shared>>)
        tpu.yield
      }) : () -> ()
    }
    %scan3A_16 = arith.constant 5 : i32
    %add3A_17 = arith.constant 625 : i32
    %add3A_18 = arith.addi %mul3A_11, %add3A_17 : i32
    "tpu.region"() ({
      %run_scoped3A_52 = tpu.sem_alloc : memref<!tpu.dma_semaphore, #tpu.memory_space<semaphore_mem>>
      %dma_start3A_53 = arith.constant 0 : i32
      %dma_start3A_54 = arith.constant 0 : i32
      %dma_start3A_55 = tpu.memref_slice %arg7[%dma_start3A_53, %dma_start3A_54] : memref<125x64xf32, #tpu.memory_space<vmem>> -> memref<15x64xf32, #tpu.memory_space<vmem>>
      %dma_start3A_56 = arith.constant 0 : i32
      %dma_start3A_57 = tpu.memref_slice %arg15[%add3A_18, %dma_start3A_56] : memref<10240x64xf32, #tpu.memory_space<vmem_shared>> -> memref<15x64xf32, #tpu.memory_space<vmem_shared>>
      %dma_start3A_58 = arith.constant 0 : i32
      %dma_start3A_59 = tpu.memref_slice %arg15[%add3A_18, %dma_start3A_58] : memref<10240x64xf32, #tpu.memory_space<vmem_shared>> -> memref<15x64xf32, #tpu.memory_space<vmem_shared>>
      %dma_start3A_60 = arith.constant 0 : i32
      %dma_start3A_61 = arith.constant 0 : i32
      %dma_start3A_62 = tpu.memref_slice %arg7[%dma_start3A_60, %dma_start3A_61] : memref<125x64xf32, #tpu.memory_space<vmem>> -> memref<15x64xf32, #tpu.memory_space<vmem>>
      tpu.enqueue_dma source(%dma_start3A_62 : memref<15x64xf32, #tpu.memory_space<vmem>>) target(%dma_start3A_59 : memref<15x64xf32, #tpu.memory_space<vmem_shared>>) target_semaphore(%run_scoped3A_52 : memref<!tpu.dma_semaphore, #tpu.memory_space<semaphore_mem>>)
      %dma_wait3A = arith.constant 0 : i32
      %dma_wait3A_63 = arith.constant 0 : i32
      %dma_wait3A_64 = tpu.memref_slice %arg7[%dma_wait3A, %dma_wait3A_63] : memref<125x64xf32, #tpu.memory_space<vmem>> -> memref<15x64xf32, #tpu.memory_space<vmem>>
      %dma_wait3A_65 = arith.constant 0 : i32
      %dma_wait3A_66 = tpu.memref_slice %arg15[%add3A_18, %dma_wait3A_65] : memref<10240x64xf32, #tpu.memory_space<vmem_shared>> -> memref<15x64xf32, #tpu.memory_space<vmem_shared>>
      %dma_wait3A_67 = arith.constant 0 : i32
      %dma_wait3A_68 = tpu.memref_slice %arg15[%add3A_18, %dma_wait3A_67] : memref<10240x64xf32, #tpu.memory_space<vmem_shared>> -> memref<15x64xf32, #tpu.memory_space<vmem_shared>>
      %dma_wait3A_69 = arith.constant 0 : i32
      %dma_wait3A_70 = arith.constant 0 : i32
      %dma_wait3A_71 = tpu.memref_slice %arg7[%dma_wait3A_69, %dma_wait3A_70] : memref<125x64xf32, #tpu.memory_space<vmem>> -> memref<15x64xf32, #tpu.memory_space<vmem>>
      tpu.wait_dma2 semaphore(%run_scoped3A_52 : memref<!tpu.dma_semaphore, #tpu.memory_space<semaphore_mem>>) src(%dma_wait3A_71 : memref<15x64xf32, #tpu.memory_space<vmem>>) dst(%dma_wait3A_68 : memref<15x64xf32, #tpu.memory_space<vmem_shared>>)
      tpu.yield
    }) : () -> ()
    %dma_start3A = arith.constant 0 : i32
    %dma_start3A_19 = arith.constant 0 : i32
    %dma_start3A_20 = tpu.memref_slice %arg5[%dma_start3A, %dma_start3A_19] : memref<80x125xi32, #tpu.memory_space<vmem>> -> memref<1x125xi32, #tpu.memory_space<vmem>>
    %dma_start3A_21 = tpu.memref_squeeze %dma_start3A_20 : memref<1x125xi32, #tpu.memory_space<vmem>> -> memref<125xi32, #tpu.memory_space<vmem>>
    %dma_start3A_22 = arith.constant 0 : i32
    %dma_start3A_23 = arith.constant 0 : i32
    %dma_start3A_24 = tpu.memref_slice %arg2[%dma_start3A_22, %dma_start3A_23] : memref<10000x64xf32, #tpu.memory_space<hbm>> -> memref<10000x64xf32, #tpu.memory_space<hbm>>
    tpu.enqueue_indirect_dma source(%dma_start3A_24 : memref<10000x64xf32, #tpu.memory_space<hbm>>) target(%arg7 : memref<125x64xf32, #tpu.memory_space<vmem>>) offsets(%dma_start3A_21 : memref<125xi32, #tpu.memory_space<vmem>>) semaphore(%arg11 : memref<!tpu.dma_semaphore, #tpu.memory_space<semaphore_mem>>)
    %dma_start3A_25 = arith.constant 1 : i32
    %dma_start3A_26 = arith.constant 0 : i32
    %dma_start3A_27 = tpu.memref_slice %arg5[%dma_start3A_25, %dma_start3A_26] : memref<80x125xi32, #tpu.memory_space<vmem>> -> memref<1x125xi32, #tpu.memory_space<vmem>>
    %dma_start3A_28 = tpu.memref_squeeze %dma_start3A_27 : memref<1x125xi32, #tpu.memory_space<vmem>> -> memref<125xi32, #tpu.memory_space<vmem>>
    %dma_start3A_29 = arith.constant 0 : i32
    %dma_start3A_30 = arith.constant 0 : i32
    %dma_start3A_31 = tpu.memref_slice %arg2[%dma_start3A_29, %dma_start3A_30] : memref<10000x64xf32, #tpu.memory_space<hbm>> -> memref<10000x64xf32, #tpu.memory_space<hbm>>
    tpu.enqueue_indirect_dma source(%dma_start3A_31 : memref<10000x64xf32, #tpu.memory_space<hbm>>) target(%arg8 : memref<125x64xf32, #tpu.memory_space<vmem>>) offsets(%dma_start3A_28 : memref<125xi32, #tpu.memory_space<vmem>>) semaphore(%arg12 : memref<!tpu.dma_semaphore, #tpu.memory_space<semaphore_mem>>)
    %dma_start3A_32 = arith.constant 2 : i32
    %dma_start3A_33 = arith.constant 0 : i32
    %dma_start3A_34 = tpu.memref_slice %arg5[%dma_start3A_32, %dma_start3A_33] : memref<80x125xi32, #tpu.memory_space<vmem>> -> memref<1x125xi32, #tpu.memory_space<vmem>>
    %dma_start3A_35 = tpu.memref_squeeze %dma_start3A_34 : memref<1x125xi32, #tpu.memory_space<vmem>> -> memref<125xi32, #tpu.memory_space<vmem>>
    %dma_start3A_36 = arith.constant 0 : i32
    %dma_start3A_37 = arith.constant 0 : i32
    %dma_start3A_38 = tpu.memref_slice %arg2[%dma_start3A_36, %dma_start3A_37] : memref<10000x64xf32, #tpu.memory_space<hbm>> -> memref<10000x64xf32, #tpu.memory_space<hbm>>
    tpu.enqueue_indirect_dma source(%dma_start3A_38 : memref<10000x64xf32, #tpu.memory_space<hbm>>) target(%arg9 : memref<125x64xf32, #tpu.memory_space<vmem>>) offsets(%dma_start3A_35 : memref<125xi32, #tpu.memory_space<vmem>>) semaphore(%arg13 : memref<!tpu.dma_semaphore, #tpu.memory_space<semaphore_mem>>)
    %dma_start3A_39 = arith.constant 3 : i32
    %dma_start3A_40 = arith.constant 0 : i32
    %dma_start3A_41 = tpu.memref_slice %arg5[%dma_start3A_39, %dma_start3A_40] : memref<80x125xi32, #tpu.memory_space<vmem>> -> memref<1x125xi32, #tpu.memory_space<vmem>>
    %dma_start3A_42 = tpu.memref_squeeze %dma_start3A_41 : memref<1x125xi32, #tpu.memory_space<vmem>> -> memref<125xi32, #tpu.memory_space<vmem>>
    %dma_start3A_43 = arith.constant 0 : i32
    %dma_start3A_44 = arith.constant 0 : i32
    %dma_start3A_45 = tpu.memref_slice %arg2[%dma_start3A_43, %dma_start3A_44] : memref<10000x64xf32, #tpu.memory_space<hbm>> -> memref<10000x64xf32, #tpu.memory_space<hbm>>
    tpu.enqueue_indirect_dma source(%dma_start3A_45 : memref<10000x64xf32, #tpu.memory_space<hbm>>) target(%arg10 : memref<125x64xf32, #tpu.memory_space<vmem>>) offsets(%dma_start3A_42 : memref<125xi32, #tpu.memory_space<vmem>>) semaphore(%arg14 : memref<!tpu.dma_semaphore, #tpu.memory_space<semaphore_mem>>)
    %barrier3A = arith.constant 0 : index
    tpu.barrier barrier_id(%barrier3A)
    %scan3A_46 = arith.constant 0 : i32
    %scan3A_47 = arith.constant 20 : i32
    %scan3A_48 = arith.addi %scan3A_46, %scan3A_47 : i32
    %scan3A_49 = arith.constant 1 : i32
    scf.for %scan3A_52 = %scan3A_46 to %scan3A_48 step %scan3A_49  : i32 {
      %mul3A_53 = arith.constant 4 : i32
      %mul3A_54 = arith.muli %scan3A_52, %mul3A_53 : i32
      %add3A_55 = arith.constant 0 : i32
      %add3A_56 = arith.addi %add3A_55, %mul3A_54 : i32
      %add3A_57 = arith.constant 0 : i32
      %add3A_58 = arith.addi %add3A_56, %add3A_57 : i32
      %dma_wait3A = arith.constant 0 : i32
      %dma_wait3A_59 = tpu.memref_slice %arg5[%add3A_58, %dma_wait3A] : memref<80x125xi32, #tpu.memory_space<vmem>> -> memref<1x125xi32, #tpu.memory_space<vmem>>
      %dma_wait3A_60 = tpu.memref_squeeze %dma_wait3A_59 : memref<1x125xi32, #tpu.memory_space<vmem>> -> memref<125xi32, #tpu.memory_space<vmem>>
      %dma_wait3A_61 = arith.constant 0 : i32
      %dma_wait3A_62 = arith.constant 0 : i32
      %dma_wait3A_63 = tpu.memref_slice %arg2[%dma_wait3A_61, %dma_wait3A_62] : memref<10000x64xf32, #tpu.memory_space<hbm>> -> memref<10000x64xf32, #tpu.memory_space<hbm>>
      tpu.wait_indirect_dma semaphore(%arg11 : memref<!tpu.dma_semaphore, #tpu.memory_space<semaphore_mem>>) src(%dma_wait3A_63 : memref<10000x64xf32, #tpu.memory_space<hbm>>) dst(%arg7 : memref<125x64xf32, #tpu.memory_space<vmem>>)
      "tpu.region"() ({
        %run_scoped3A_113 = tpu.sem_alloc : memref<!tpu.dma_semaphore, #tpu.memory_space<semaphore_mem>>
        %dma_start3A_114 = arith.constant 0 : i32
        %dma_start3A_115 = tpu.memref_slice %arg6[%add3A_58, %dma_start3A_114] : memref<80x125xi32, #tpu.memory_space<vmem>> -> memref<1x125xi32, #tpu.memory_space<vmem>>
        %dma_start3A_116 = tpu.memref_squeeze %dma_start3A_115 : memref<1x125xi32, #tpu.memory_space<vmem>> -> memref<125xi32, #tpu.memory_space<vmem>>
        %dma_start3A_117 = arith.constant 0 : i32
        %dma_start3A_118 = arith.constant 0 : i32
        %dma_start3A_119 = tpu.memref_slice %arg15[%dma_start3A_117, %dma_start3A_118] : memref<10240x64xf32, #tpu.memory_space<vmem_shared>> -> memref<10240x64xf32, #tpu.memory_space<vmem_shared>>
        tpu.enqueue_indirect_dma source(%arg7 : memref<125x64xf32, #tpu.memory_space<vmem>>) target(%dma_start3A_119 : memref<10240x64xf32, #tpu.memory_space<vmem_shared>>) offsets(%dma_start3A_116 : memref<125xi32, #tpu.memory_space<vmem>>) semaphore(%run_scoped3A_113 : memref<!tpu.dma_semaphore, #tpu.memory_space<semaphore_mem>>) {add = true}
        %dma_wait3A_120 = arith.constant 0 : i32
        %dma_wait3A_121 = tpu.memref_slice %arg6[%add3A_58, %dma_wait3A_120] : memref<80x125xi32, #tpu.memory_space<vmem>> -> memref<1x125xi32, #tpu.memory_space<vmem>>
        %dma_wait3A_122 = tpu.memref_squeeze %dma_wait3A_121 : memref<1x125xi32, #tpu.memory_space<vmem>> -> memref<125xi32, #tpu.memory_space<vmem>>
        %dma_wait3A_123 = arith.constant 0 : i32
        %dma_wait3A_124 = arith.constant 0 : i32
        %dma_wait3A_125 = tpu.memref_slice %arg15[%dma_wait3A_123, %dma_wait3A_124] : memref<10240x64xf32, #tpu.memory_space<vmem_shared>> -> memref<10240x64xf32, #tpu.memory_space<vmem_shared>>
        tpu.wait_indirect_dma semaphore(%run_scoped3A_113 : memref<!tpu.dma_semaphore, #tpu.memory_space<semaphore_mem>>) src(%arg7 : memref<125x64xf32, #tpu.memory_space<vmem>>) dst(%dma_wait3A_125 : memref<10240x64xf32, #tpu.memory_space<vmem_shared>>)
        tpu.yield
      }) : () -> ()
      %add3A_64 = arith.constant 4 : i32
      %add3A_65 = arith.addi %add3A_58, %add3A_64 : i32
      %lt3A = arith.constant 80 : i32
      %lt3A_66 = arith.cmpi slt, %add3A_65, %lt3A : i32
      %convert_element_type3A = arith.extui %lt3A_66 : i1 to i32
      %cond3A = arith.constant 0 : i32
      %cond3A_67 = arith.cmpi ne, %convert_element_type3A, %cond3A : i32
      scf.if %cond3A_67 {
        %add3A_113 = arith.constant 4 : i32
        %add3A_114 = arith.addi %add3A_58, %add3A_113 : i32
        %dma_start3A_115 = arith.constant 0 : i32
        %dma_start3A_116 = tpu.memref_slice %arg5[%add3A_114, %dma_start3A_115] : memref<80x125xi32, #tpu.memory_space<vmem>> -> memref<1x125xi32, #tpu.memory_space<vmem>>
        %dma_start3A_117 = tpu.memref_squeeze %dma_start3A_116 : memref<1x125xi32, #tpu.memory_space<vmem>> -> memref<125xi32, #tpu.memory_space<vmem>>
        %dma_start3A_118 = arith.constant 0 : i32
        %dma_start3A_119 = arith.constant 0 : i32
        %dma_start3A_120 = tpu.memref_slice %arg2[%dma_start3A_118, %dma_start3A_119] : memref<10000x64xf32, #tpu.memory_space<hbm>> -> memref<10000x64xf32, #tpu.memory_space<hbm>>
        tpu.enqueue_indirect_dma source(%dma_start3A_120 : memref<10000x64xf32, #tpu.memory_space<hbm>>) target(%arg7 : memref<125x64xf32, #tpu.memory_space<vmem>>) offsets(%dma_start3A_117 : memref<125xi32, #tpu.memory_space<vmem>>) semaphore(%arg11 : memref<!tpu.dma_semaphore, #tpu.memory_space<semaphore_mem>>)
      } else {
      }
      %add3A_68 = arith.constant 1 : i32
      %add3A_69 = arith.addi %add3A_56, %add3A_68 : i32
      %dma_wait3A_70 = arith.constant 0 : i32
      %dma_wait3A_71 = tpu.memref_slice %arg5[%add3A_69, %dma_wait3A_70] : memref<80x125xi32, #tpu.memory_space<vmem>> -> memref<1x125xi32, #tpu.memory_space<vmem>>
      %dma_wait3A_72 = tpu.memref_squeeze %dma_wait3A_71 : memref<1x125xi32, #tpu.memory_space<vmem>> -> memref<125xi32, #tpu.memory_space<vmem>>
      %dma_wait3A_73 = arith.constant 0 : i32
      %dma_wait3A_74 = arith.constant 0 : i32
      %dma_wait3A_75 = tpu.memref_slice %arg2[%dma_wait3A_73, %dma_wait3A_74] : memref<10000x64xf32, #tpu.memory_space<hbm>> -> memref<10000x64xf32, #tpu.memory_space<hbm>>
      tpu.wait_indirect_dma semaphore(%arg12 : memref<!tpu.dma_semaphore, #tpu.memory_space<semaphore_mem>>) src(%dma_wait3A_75 : memref<10000x64xf32, #tpu.memory_space<hbm>>) dst(%arg8 : memref<125x64xf32, #tpu.memory_space<vmem>>)
      "tpu.region"() ({
        %run_scoped3A_113 = tpu.sem_alloc : memref<!tpu.dma_semaphore, #tpu.memory_space<semaphore_mem>>
        %dma_start3A_114 = arith.constant 0 : i32
        %dma_start3A_115 = tpu.memref_slice %arg6[%add3A_69, %dma_start3A_114] : memref<80x125xi32, #tpu.memory_space<vmem>> -> memref<1x125xi32, #tpu.memory_space<vmem>>
        %dma_start3A_116 = tpu.memref_squeeze %dma_start3A_115 : memref<1x125xi32, #tpu.memory_space<vmem>> -> memref<125xi32, #tpu.memory_space<vmem>>
        %dma_start3A_117 = arith.constant 0 : i32
        %dma_start3A_118 = arith.constant 0 : i32
        %dma_start3A_119 = tpu.memref_slice %arg15[%dma_start3A_117, %dma_start3A_118] : memref<10240x64xf32, #tpu.memory_space<vmem_shared>> -> memref<10240x64xf32, #tpu.memory_space<vmem_shared>>
        tpu.enqueue_indirect_dma source(%arg8 : memref<125x64xf32, #tpu.memory_space<vmem>>) target(%dma_start3A_119 : memref<10240x64xf32, #tpu.memory_space<vmem_shared>>) offsets(%dma_start3A_116 : memref<125xi32, #tpu.memory_space<vmem>>) semaphore(%run_scoped3A_113 : memref<!tpu.dma_semaphore, #tpu.memory_space<semaphore_mem>>) {add = true}
        %dma_wait3A_120 = arith.constant 0 : i32
        %dma_wait3A_121 = tpu.memref_slice %arg6[%add3A_69, %dma_wait3A_120] : memref<80x125xi32, #tpu.memory_space<vmem>> -> memref<1x125xi32, #tpu.memory_space<vmem>>
        %dma_wait3A_122 = tpu.memref_squeeze %dma_wait3A_121 : memref<1x125xi32, #tpu.memory_space<vmem>> -> memref<125xi32, #tpu.memory_space<vmem>>
        %dma_wait3A_123 = arith.constant 0 : i32
        %dma_wait3A_124 = arith.constant 0 : i32
        %dma_wait3A_125 = tpu.memref_slice %arg15[%dma_wait3A_123, %dma_wait3A_124] : memref<10240x64xf32, #tpu.memory_space<vmem_shared>> -> memref<10240x64xf32, #tpu.memory_space<vmem_shared>>
        tpu.wait_indirect_dma semaphore(%run_scoped3A_113 : memref<!tpu.dma_semaphore, #tpu.memory_space<semaphore_mem>>) src(%arg8 : memref<125x64xf32, #tpu.memory_space<vmem>>) dst(%dma_wait3A_125 : memref<10240x64xf32, #tpu.memory_space<vmem_shared>>)
        tpu.yield
      }) : () -> ()
      %add3A_76 = arith.constant 4 : i32
      %add3A_77 = arith.addi %add3A_69, %add3A_76 : i32
      %lt3A_78 = arith.constant 80 : i32
      %lt3A_79 = arith.cmpi slt, %add3A_77, %lt3A_78 : i32
      %convert_element_type3A_80 = arith.extui %lt3A_79 : i1 to i32
      %cond3A_81 = arith.constant 0 : i32
      %cond3A_82 = arith.cmpi ne, %convert_element_type3A_80, %cond3A_81 : i32
      scf.if %cond3A_82 {
        %add3A_113 = arith.constant 4 : i32
        %add3A_114 = arith.addi %add3A_69, %add3A_113 : i32
        %dma_start3A_115 = arith.constant 0 : i32
        %dma_start3A_116 = tpu.memref_slice %arg5[%add3A_114, %dma_start3A_115] : memref<80x125xi32, #tpu.memory_space<vmem>> -> memref<1x125xi32, #tpu.memory_space<vmem>>
        %dma_start3A_117 = tpu.memref_squeeze %dma_start3A_116 : memref<1x125xi32, #tpu.memory_space<vmem>> -> memref<125xi32, #tpu.memory_space<vmem>>
        %dma_start3A_118 = arith.constant 0 : i32
        %dma_start3A_119 = arith.constant 0 : i32
        %dma_start3A_120 = tpu.memref_slice %arg2[%dma_start3A_118, %dma_start3A_119] : memref<10000x64xf32, #tpu.memory_space<hbm>> -> memref<10000x64xf32, #tpu.memory_space<hbm>>
        tpu.enqueue_indirect_dma source(%dma_start3A_120 : memref<10000x64xf32, #tpu.memory_space<hbm>>) target(%arg8 : memref<125x64xf32, #tpu.memory_space<vmem>>) offsets(%dma_start3A_117 : memref<125xi32, #tpu.memory_space<vmem>>) semaphore(%arg12 : memref<!tpu.dma_semaphore, #tpu.memory_space<semaphore_mem>>)
      } else {
      }
      %add3A_83 = arith.constant 2 : i32
      %add3A_84 = arith.addi %add3A_56, %add3A_83 : i32
      %dma_wait3A_85 = arith.constant 0 : i32
      %dma_wait3A_86 = tpu.memref_slice %arg5[%add3A_84, %dma_wait3A_85] : memref<80x125xi32, #tpu.memory_space<vmem>> -> memref<1x125xi32, #tpu.memory_space<vmem>>
      %dma_wait3A_87 = tpu.memref_squeeze %dma_wait3A_86 : memref<1x125xi32, #tpu.memory_space<vmem>> -> memref<125xi32, #tpu.memory_space<vmem>>
      %dma_wait3A_88 = arith.constant 0 : i32
      %dma_wait3A_89 = arith.constant 0 : i32
      %dma_wait3A_90 = tpu.memref_slice %arg2[%dma_wait3A_88, %dma_wait3A_89] : memref<10000x64xf32, #tpu.memory_space<hbm>> -> memref<10000x64xf32, #tpu.memory_space<hbm>>
      tpu.wait_indirect_dma semaphore(%arg13 : memref<!tpu.dma_semaphore, #tpu.memory_space<semaphore_mem>>) src(%dma_wait3A_90 : memref<10000x64xf32, #tpu.memory_space<hbm>>) dst(%arg9 : memref<125x64xf32, #tpu.memory_space<vmem>>)
      "tpu.region"() ({
        %run_scoped3A_113 = tpu.sem_alloc : memref<!tpu.dma_semaphore, #tpu.memory_space<semaphore_mem>>
        %dma_start3A_114 = arith.constant 0 : i32
        %dma_start3A_115 = tpu.memref_slice %arg6[%add3A_84, %dma_start3A_114] : memref<80x125xi32, #tpu.memory_space<vmem>> -> memref<1x125xi32, #tpu.memory_space<vmem>>
        %dma_start3A_116 = tpu.memref_squeeze %dma_start3A_115 : memref<1x125xi32, #tpu.memory_space<vmem>> -> memref<125xi32, #tpu.memory_space<vmem>>
        %dma_start3A_117 = arith.constant 0 : i32
        %dma_start3A_118 = arith.constant 0 : i32
        %dma_start3A_119 = tpu.memref_slice %arg15[%dma_start3A_117, %dma_start3A_118] : memref<10240x64xf32, #tpu.memory_space<vmem_shared>> -> memref<10240x64xf32, #tpu.memory_space<vmem_shared>>
        tpu.enqueue_indirect_dma source(%arg9 : memref<125x64xf32, #tpu.memory_space<vmem>>) target(%dma_start3A_119 : memref<10240x64xf32, #tpu.memory_space<vmem_shared>>) offsets(%dma_start3A_116 : memref<125xi32, #tpu.memory_space<vmem>>) semaphore(%run_scoped3A_113 : memref<!tpu.dma_semaphore, #tpu.memory_space<semaphore_mem>>) {add = true}
        %dma_wait3A_120 = arith.constant 0 : i32
        %dma_wait3A_121 = tpu.memref_slice %arg6[%add3A_84, %dma_wait3A_120] : memref<80x125xi32, #tpu.memory_space<vmem>> -> memref<1x125xi32, #tpu.memory_space<vmem>>
        %dma_wait3A_122 = tpu.memref_squeeze %dma_wait3A_121 : memref<1x125xi32, #tpu.memory_space<vmem>> -> memref<125xi32, #tpu.memory_space<vmem>>
        %dma_wait3A_123 = arith.constant 0 : i32
        %dma_wait3A_124 = arith.constant 0 : i32
        %dma_wait3A_125 = tpu.memref_slice %arg15[%dma_wait3A_123, %dma_wait3A_124] : memref<10240x64xf32, #tpu.memory_space<vmem_shared>> -> memref<10240x64xf32, #tpu.memory_space<vmem_shared>>
        tpu.wait_indirect_dma semaphore(%run_scoped3A_113 : memref<!tpu.dma_semaphore, #tpu.memory_space<semaphore_mem>>) src(%arg9 : memref<125x64xf32, #tpu.memory_space<vmem>>) dst(%dma_wait3A_125 : memref<10240x64xf32, #tpu.memory_space<vmem_shared>>)
        tpu.yield
      }) : () -> ()
      %add3A_91 = arith.constant 4 : i32
      %add3A_92 = arith.addi %add3A_84, %add3A_91 : i32
      %lt3A_93 = arith.constant 80 : i32
      %lt3A_94 = arith.cmpi slt, %add3A_92, %lt3A_93 : i32
      %convert_element_type3A_95 = arith.extui %lt3A_94 : i1 to i32
      %cond3A_96 = arith.constant 0 : i32
      %cond3A_97 = arith.cmpi ne, %convert_element_type3A_95, %cond3A_96 : i32
      scf.if %cond3A_97 {
        %add3A_113 = arith.constant 4 : i32
        %add3A_114 = arith.addi %add3A_84, %add3A_113 : i32
        %dma_start3A_115 = arith.constant 0 : i32
        %dma_start3A_116 = tpu.memref_slice %arg5[%add3A_114, %dma_start3A_115] : memref<80x125xi32, #tpu.memory_space<vmem>> -> memref<1x125xi32, #tpu.memory_space<vmem>>
        %dma_start3A_117 = tpu.memref_squeeze %dma_start3A_116 : memref<1x125xi32, #tpu.memory_space<vmem>> -> memref<125xi32, #tpu.memory_space<vmem>>
        %dma_start3A_118 = arith.constant 0 : i32
        %dma_start3A_119 = arith.constant 0 : i32
        %dma_start3A_120 = tpu.memref_slice %arg2[%dma_start3A_118, %dma_start3A_119] : memref<10000x64xf32, #tpu.memory_space<hbm>> -> memref<10000x64xf32, #tpu.memory_space<hbm>>
        tpu.enqueue_indirect_dma source(%dma_start3A_120 : memref<10000x64xf32, #tpu.memory_space<hbm>>) target(%arg9 : memref<125x64xf32, #tpu.memory_space<vmem>>) offsets(%dma_start3A_117 : memref<125xi32, #tpu.memory_space<vmem>>) semaphore(%arg13 : memref<!tpu.dma_semaphore, #tpu.memory_space<semaphore_mem>>)
      } else {
      }
      %add3A_98 = arith.constant 3 : i32
      %add3A_99 = arith.addi %add3A_56, %add3A_98 : i32
      %dma_wait3A_100 = arith.constant 0 : i32
      %dma_wait3A_101 = tpu.memref_slice %arg5[%add3A_99, %dma_wait3A_100] : memref<80x125xi32, #tpu.memory_space<vmem>> -> memref<1x125xi32, #tpu.memory_space<vmem>>
      %dma_wait3A_102 = tpu.memref_squeeze %dma_wait3A_101 : memref<1x125xi32, #tpu.memory_space<vmem>> -> memref<125xi32, #tpu.memory_space<vmem>>
      %dma_wait3A_103 = arith.constant 0 : i32
      %dma_wait3A_104 = arith.constant 0 : i32
      %dma_wait3A_105 = tpu.memref_slice %arg2[%dma_wait3A_103, %dma_wait3A_104] : memref<10000x64xf32, #tpu.memory_space<hbm>> -> memref<10000x64xf32, #tpu.memory_space<hbm>>
      tpu.wait_indirect_dma semaphore(%arg14 : memref<!tpu.dma_semaphore, #tpu.memory_space<semaphore_mem>>) src(%dma_wait3A_105 : memref<10000x64xf32, #tpu.memory_space<hbm>>) dst(%arg10 : memref<125x64xf32, #tpu.memory_space<vmem>>)
      "tpu.region"() ({
        %run_scoped3A_113 = tpu.sem_alloc : memref<!tpu.dma_semaphore, #tpu.memory_space<semaphore_mem>>
        %dma_start3A_114 = arith.constant 0 : i32
        %dma_start3A_115 = tpu.memref_slice %arg6[%add3A_99, %dma_start3A_114] : memref<80x125xi32, #tpu.memory_space<vmem>> -> memref<1x125xi32, #tpu.memory_space<vmem>>
        %dma_start3A_116 = tpu.memref_squeeze %dma_start3A_115 : memref<1x125xi32, #tpu.memory_space<vmem>> -> memref<125xi32, #tpu.memory_space<vmem>>
        %dma_start3A_117 = arith.constant 0 : i32
        %dma_start3A_118 = arith.constant 0 : i32
        %dma_start3A_119 = tpu.memref_slice %arg15[%dma_start3A_117, %dma_start3A_118] : memref<10240x64xf32, #tpu.memory_space<vmem_shared>> -> memref<10240x64xf32, #tpu.memory_space<vmem_shared>>
        tpu.enqueue_indirect_dma source(%arg10 : memref<125x64xf32, #tpu.memory_space<vmem>>) target(%dma_start3A_119 : memref<10240x64xf32, #tpu.memory_space<vmem_shared>>) offsets(%dma_start3A_116 : memref<125xi32, #tpu.memory_space<vmem>>) semaphore(%run_scoped3A_113 : memref<!tpu.dma_semaphore, #tpu.memory_space<semaphore_mem>>) {add = true}
        %dma_wait3A_120 = arith.constant 0 : i32
        %dma_wait3A_121 = tpu.memref_slice %arg6[%add3A_99, %dma_wait3A_120] : memref<80x125xi32, #tpu.memory_space<vmem>> -> memref<1x125xi32, #tpu.memory_space<vmem>>
        %dma_wait3A_122 = tpu.memref_squeeze %dma_wait3A_121 : memref<1x125xi32, #tpu.memory_space<vmem>> -> memref<125xi32, #tpu.memory_space<vmem>>
        %dma_wait3A_123 = arith.constant 0 : i32
        %dma_wait3A_124 = arith.constant 0 : i32
        %dma_wait3A_125 = tpu.memref_slice %arg15[%dma_wait3A_123, %dma_wait3A_124] : memref<10240x64xf32, #tpu.memory_space<vmem_shared>> -> memref<10240x64xf32, #tpu.memory_space<vmem_shared>>
        tpu.wait_indirect_dma semaphore(%run_scoped3A_113 : memref<!tpu.dma_semaphore, #tpu.memory_space<semaphore_mem>>) src(%arg10 : memref<125x64xf32, #tpu.memory_space<vmem>>) dst(%dma_wait3A_125 : memref<10240x64xf32, #tpu.memory_space<vmem_shared>>)
        tpu.yield
      }) : () -> ()
      %add3A_106 = arith.constant 4 : i32
      %add3A_107 = arith.addi %add3A_99, %add3A_106 : i32
      %lt3A_108 = arith.constant 80 : i32
      %lt3A_109 = arith.cmpi slt, %add3A_107, %lt3A_108 : i32
      %convert_element_type3A_110 = arith.extui %lt3A_109 : i1 to i32
      %cond3A_111 = arith.constant 0 : i32
      %cond3A_112 = arith.cmpi ne, %convert_element_type3A_110, %cond3A_111 : i32
      scf.if %cond3A_112 {
        %add3A_113 = arith.constant 4 : i32
        %add3A_114 = arith.addi %add3A_99, %add3A_113 : i32
        %dma_start3A_115 = arith.constant 0 : i32
        %dma_start3A_116 = tpu.memref_slice %arg5[%add3A_114, %dma_start3A_115] : memref<80x125xi32, #tpu.memory_space<vmem>> -> memref<1x125xi32, #tpu.memory_space<vmem>>
        %dma_start3A_117 = tpu.memref_squeeze %dma_start3A_116 : memref<1x125xi32, #tpu.memory_space<vmem>> -> memref<125xi32, #tpu.memory_space<vmem>>
        %dma_start3A_118 = arith.constant 0 : i32
        %dma_start3A_119 = arith.constant 0 : i32
        %dma_start3A_120 = tpu.memref_slice %arg2[%dma_start3A_118, %dma_start3A_119] : memref<10000x64xf32, #tpu.memory_space<hbm>> -> memref<10000x64xf32, #tpu.memory_space<hbm>>
        tpu.enqueue_indirect_dma source(%dma_start3A_120 : memref<10000x64xf32, #tpu.memory_space<hbm>>) target(%arg10 : memref<125x64xf32, #tpu.memory_space<vmem>>) offsets(%dma_start3A_117 : memref<125xi32, #tpu.memory_space<vmem>>) semaphore(%arg14 : memref<!tpu.dma_semaphore, #tpu.memory_space<semaphore_mem>>)
      } else {
      }
    }
    %scan3A_50 = arith.constant 20 : i32
    %barrier3A_51 = arith.constant 0 : index
    tpu.barrier barrier_id(%barrier3A_51)
    "tpu.region"() ({
      %run_scoped3A_52 = tpu.sem_alloc : memref<!tpu.dma_semaphore, #tpu.memory_space<semaphore_mem>>
      %dma_start3A_53 = arith.constant 0 : i32
      %dma_start3A_54 = arith.constant 0 : i32
      %dma_start3A_55 = tpu.memref_slice %arg4[%arg0, %dma_start3A_53, %dma_start3A_54] : memref<2x10240x64xf32, #tpu.memory_space<hbm>> -> memref<1x10240x64xf32, #tpu.memory_space<hbm>>
      %dma_start3A_56 = tpu.memref_squeeze %dma_start3A_55 : memref<1x10240x64xf32, #tpu.memory_space<hbm>> -> memref<10240x64xf32, #tpu.memory_space<hbm>>
      %dma_start3A_57 = arith.constant 0 : i32
      %dma_start3A_58 = tpu.memref_slice %dma_start3A_56[%mul3A_11, %dma_start3A_57] : memref<10240x64xf32, #tpu.memory_space<hbm>> -> memref<640x64xf32, #tpu.memory_space<hbm>>
      %dma_start3A_59 = arith.constant 0 : i32
      %dma_start3A_60 = tpu.memref_slice %arg15[%mul3A_11, %dma_start3A_59] : memref<10240x64xf32, #tpu.memory_space<vmem_shared>> -> memref<640x64xf32, #tpu.memory_space<vmem_shared>>
      tpu.enqueue_dma source(%dma_start3A_60 : memref<640x64xf32, #tpu.memory_space<vmem_shared>>) target(%dma_start3A_58 : memref<640x64xf32, #tpu.memory_space<hbm>>) target_semaphore(%run_scoped3A_52 : memref<!tpu.dma_semaphore, #tpu.memory_space<semaphore_mem>>)
      %dma_wait3A = arith.constant 0 : i32
      %dma_wait3A_61 = arith.constant 0 : i32
      %dma_wait3A_62 = tpu.memref_slice %arg4[%arg0, %dma_wait3A, %dma_wait3A_61] : memref<2x10240x64xf32, #tpu.memory_space<hbm>> -> memref<1x10240x64xf32, #tpu.memory_space<hbm>>
      %dma_wait3A_63 = tpu.memref_squeeze %dma_wait3A_62 : memref<1x10240x64xf32, #tpu.memory_space<hbm>> -> memref<10240x64xf32, #tpu.memory_space<hbm>>
      %dma_wait3A_64 = arith.constant 0 : i32
      %dma_wait3A_65 = tpu.memref_slice %dma_wait3A_63[%mul3A_11, %dma_wait3A_64] : memref<10240x64xf32, #tpu.memory_space<hbm>> -> memref<640x64xf32, #tpu.memory_space<hbm>>
      %dma_wait3A_66 = arith.constant 0 : i32
      %dma_wait3A_67 = tpu.memref_slice %arg15[%mul3A_11, %dma_wait3A_66] : memref<10240x64xf32, #tpu.memory_space<vmem_shared>> -> memref<640x64xf32, #tpu.memory_space<vmem_shared>>
      tpu.wait_dma2 semaphore(%run_scoped3A_52 : memref<!tpu.dma_semaphore, #tpu.memory_space<semaphore_mem>>) src(%dma_wait3A_67 : memref<640x64xf32, #tpu.memory_space<vmem_shared>>) dst(%dma_wait3A_65 : memref<640x64xf32, #tpu.memory_space<hbm>>)
      tpu.yield
    }) : () -> ()
    return
  }
}

#map = affine_map<(d0, d1) -> (0, 0, 0)>
module attributes {stable_mosaic.version = 14 : i64} {
  func.func @deg_kernel(%arg0: i32, %arg1: i32, %arg2: memref<2x2560x125xi32, #tpu.memory_space<hbm>>, %arg3: memref<2x10240x64xf32, #tpu.memory_space<hbm>>, %arg4: memref<80x125xi32, #tpu.memory_space<vmem>>, %arg5: memref<125x16xf32, #tpu.memory_space<vmem>>, %arg6: memref<128x16xf32, #tpu.memory_space<vmem>>, %arg7: memref<!tpu.dma_semaphore, #tpu.memory_space<semaphore_mem>>, %arg8: memref<10240x16xf32, #tpu.memory_space<vmem_shared>>) attributes {dimension_semantics = [#tpu.dimension_semantics<core_parallel>, #tpu.dimension_semantics<subcore_parallel>], iteration_bounds = array<i64: 2, 16>, scalar_prefetch = 0 : i64, scratch_operands = 5 : i64, tpu.core_type = #tpu.core_type<sc_vector_subcore>, window_params = [{transform_indices = #map}, {transform_indices = #map}]} {
    %mul3A = arith.constant 2 : i32
    %mul3A_0 = arith.muli %arg1, %mul3A : i32
    %add3A = arith.addi %mul3A_0, %arg0 : i32
    %mul3A_1 = arith.constant 80 : i32
    %mul3A_2 = arith.muli %add3A, %mul3A_1 : i32
    %run_scoped3A = arith.constant 1 : i32
    "tpu.region"() ({
      %run_scoped3A_25 = tpu.sem_alloc : memref<!tpu.dma_semaphore, #tpu.memory_space<semaphore_mem>>
      %dma_start3A = arith.constant 0 : i32
      %dma_start3A_26 = arith.constant 0 : i32
      %dma_start3A_27 = tpu.memref_slice %arg2[%run_scoped3A, %dma_start3A, %dma_start3A_26] : memref<2x2560x125xi32, #tpu.memory_space<hbm>> -> memref<1x2560x125xi32, #tpu.memory_space<hbm>>
      %dma_start3A_28 = tpu.memref_squeeze %dma_start3A_27 : memref<1x2560x125xi32, #tpu.memory_space<hbm>> -> memref<2560x125xi32, #tpu.memory_space<hbm>>
      %dma_start3A_29 = arith.constant 0 : i32
      %dma_start3A_30 = tpu.memref_slice %dma_start3A_28[%mul3A_2, %dma_start3A_29] : memref<2560x125xi32, #tpu.memory_space<hbm>> -> memref<80x125xi32, #tpu.memory_space<hbm>>
      %dma_start3A_31 = arith.constant 0 : i32
      %dma_start3A_32 = arith.constant 0 : i32
      %dma_start3A_33 = tpu.memref_slice %arg2[%run_scoped3A, %dma_start3A_31, %dma_start3A_32] : memref<2x2560x125xi32, #tpu.memory_space<hbm>> -> memref<1x2560x125xi32, #tpu.memory_space<hbm>>
      %dma_start3A_34 = tpu.memref_squeeze %dma_start3A_33 : memref<1x2560x125xi32, #tpu.memory_space<hbm>> -> memref<2560x125xi32, #tpu.memory_space<hbm>>
      %dma_start3A_35 = arith.constant 0 : i32
      %dma_start3A_36 = tpu.memref_slice %dma_start3A_34[%mul3A_2, %dma_start3A_35] : memref<2560x125xi32, #tpu.memory_space<hbm>> -> memref<80x125xi32, #tpu.memory_space<hbm>>
      tpu.enqueue_dma source(%dma_start3A_36 : memref<80x125xi32, #tpu.memory_space<hbm>>) target(%arg4 : memref<80x125xi32, #tpu.memory_space<vmem>>) target_semaphore(%run_scoped3A_25 : memref<!tpu.dma_semaphore, #tpu.memory_space<semaphore_mem>>)
      %dma_wait3A = arith.constant 0 : i32
      %dma_wait3A_37 = arith.constant 0 : i32
      %dma_wait3A_38 = tpu.memref_slice %arg2[%run_scoped3A, %dma_wait3A, %dma_wait3A_37] : memref<2x2560x125xi32, #tpu.memory_space<hbm>> -> memref<1x2560x125xi32, #tpu.memory_space<hbm>>
      %dma_wait3A_39 = tpu.memref_squeeze %dma_wait3A_38 : memref<1x2560x125xi32, #tpu.memory_space<hbm>> -> memref<2560x125xi32, #tpu.memory_space<hbm>>
      %dma_wait3A_40 = arith.constant 0 : i32
      %dma_wait3A_41 = tpu.memref_slice %dma_wait3A_39[%mul3A_2, %dma_wait3A_40] : memref<2560x125xi32, #tpu.memory_space<hbm>> -> memref<80x125xi32, #tpu.memory_space<hbm>>
      %dma_wait3A_42 = arith.constant 0 : i32
      %dma_wait3A_43 = arith.constant 0 : i32
      %dma_wait3A_44 = tpu.memref_slice %arg2[%run_scoped3A, %dma_wait3A_42, %dma_wait3A_43] : memref<2x2560x125xi32, #tpu.memory_space<hbm>> -> memref<1x2560x125xi32, #tpu.memory_space<hbm>>
      %dma_wait3A_45 = tpu.memref_squeeze %dma_wait3A_44 : memref<1x2560x125xi32, #tpu.memory_space<hbm>> -> memref<2560x125xi32, #tpu.memory_space<hbm>>
      %dma_wait3A_46 = arith.constant 0 : i32
      %dma_wait3A_47 = tpu.memref_slice %dma_wait3A_45[%mul3A_2, %dma_wait3A_46] : memref<2560x125xi32, #tpu.memory_space<hbm>> -> memref<80x125xi32, #tpu.memory_space<hbm>>
      tpu.wait_dma2 semaphore(%run_scoped3A_25 : memref<!tpu.dma_semaphore, #tpu.memory_space<semaphore_mem>>) src(%dma_wait3A_47 : memref<80x125xi32, #tpu.memory_space<hbm>>) dst(%arg4 : memref<80x125xi32, #tpu.memory_space<vmem>>)
      tpu.yield
    }) : () -> ()
    %scan3A = arith.constant 0 : i32
    %scan3A_3 = arith.constant 125 : i32
    %scan3A_4 = arith.addi %scan3A, %scan3A_3 : i32
    %scan3A_5 = arith.constant 1 : i32
    scf.for %scan3A_25 = %scan3A to %scan3A_4 step %scan3A_5  : i32 {
      %mul3A_26 = arith.constant 1 : i32
      %mul3A_27 = arith.muli %scan3A_25, %mul3A_26 : i32
      %add3A_28 = arith.constant 0 : i32
      %add3A_29 = arith.addi %add3A_28, %mul3A_27 : i32
      %broadcast_in_dim3A = arith.constant 1.000000e+00 : f32
      %broadcast_in_dim3A_30 = vector.broadcast %broadcast_in_dim3A : f32 to vector<16xf32>
      %swap3A = arith.index_cast %add3A_29 : i32 to index
      %swap3A_31 = arith.constant 0 : index
      %swap3A_32 = tpu.vector_load %arg5[%swap3A, %swap3A_31] {strides = array<i32>} : memref<125x16xf32, #tpu.memory_space<vmem>>, vector<1x16xf32>,
      %swap3A_33 = vector.shape_cast %swap3A_32 : vector<1x16xf32> to vector<16xf32>
      %swap3A_34 = vector.shape_cast %broadcast_in_dim3A_30 : vector<16xf32> to vector<1x16xf32>
      tpu.vector_store %arg5[%swap3A, %swap3A_31], %swap3A_34 {strides = array<i32>} : memref<125x16xf32, #tpu.memory_space<vmem>>, vector<1x16xf32>,
    }
    %scan3A_6 = arith.constant 125 : i32
    %scan3A_7 = arith.constant 0 : i32
    %scan3A_8 = arith.constant 128 : i32
    %scan3A_9 = arith.addi %scan3A_7, %scan3A_8 : i32
    %scan3A_10 = arith.constant 1 : i32
    scf.for %scan3A_25 = %scan3A_7 to %scan3A_9 step %scan3A_10  : i32 {
      %mul3A_26 = arith.constant 1 : i32
      %mul3A_27 = arith.muli %scan3A_25, %mul3A_26 : i32
      %add3A_28 = arith.constant 0 : i32
      %add3A_29 = arith.addi %add3A_28, %mul3A_27 : i32
      %broadcast_in_dim3A = arith.constant 0.000000e+00 : f32
      %broadcast_in_dim3A_30 = vector.broadcast %broadcast_in_dim3A : f32 to vector<16xf32>
      %swap3A = arith.index_cast %add3A_29 : i32 to index
      %swap3A_31 = arith.constant 0 : index
      %swap3A_32 = tpu.vector_load %arg6[%swap3A, %swap3A_31] {strides = array<i32>} : memref<128x16xf32, #tpu.memory_space<vmem>>, vector<1x16xf32>,
      %swap3A_33 = vector.shape_cast %swap3A_32 : vector<1x16xf32> to vector<16xf32>
      %swap3A_34 = vector.shape_cast %broadcast_in_dim3A_30 : vector<16xf32> to vector<1x16xf32>
      tpu.vector_store %arg6[%swap3A, %swap3A_31], %swap3A_34 {strides = array<i32>} : memref<128x16xf32, #tpu.memory_space<vmem>>, vector<1x16xf32>,
    }
    %scan3A_11 = arith.constant 128 : i32
    %mul3A_12 = arith.constant 640 : i32
    %mul3A_13 = arith.muli %arg1, %mul3A_12 : i32
    %scan3A_14 = arith.constant 0 : i32
    %scan3A_15 = arith.constant 5 : i32
    %scan3A_16 = arith.addi %scan3A_14, %scan3A_15 : i32
    %scan3A_17 = arith.constant 1 : i32
    scf.for %scan3A_25 = %scan3A_14 to %scan3A_16 step %scan3A_17  : i32 {
      %mul3A_26 = arith.constant 1 : i32
      %mul3A_27 = arith.muli %scan3A_25, %mul3A_26 : i32
      %add3A_28 = arith.constant 0 : i32
      %add3A_29 = arith.addi %add3A_28, %mul3A_27 : i32
      %mul3A_30 = arith.constant 128 : i32
      %mul3A_31 = arith.muli %add3A_29, %mul3A_30 : i32
      %add3A_32 = arith.addi %mul3A_13, %mul3A_31 : i32
      "tpu.region"() ({
        %run_scoped3A_33 = tpu.sem_alloc : memref<!tpu.dma_semaphore, #tpu.memory_space<semaphore_mem>>
        %dma_start3A = arith.constant 0 : i32
        %dma_start3A_34 = tpu.memref_slice %arg8[%add3A_32, %dma_start3A] : memref<10240x16xf32, #tpu.memory_space<vmem_shared>> -> memref<128x16xf32, #tpu.memory_space<vmem_shared>>
        %dma_start3A_35 = arith.constant 0 : i32
        %dma_start3A_36 = tpu.memref_slice %arg8[%add3A_32, %dma_start3A_35] : memref<10240x16xf32, #tpu.memory_space<vmem_shared>> -> memref<128x16xf32, #tpu.memory_space<vmem_shared>>
        tpu.enqueue_dma source(%arg6 : memref<128x16xf32, #tpu.memory_space<vmem>>) target(%dma_start3A_36 : memref<128x16xf32, #tpu.memory_space<vmem_shared>>) target_semaphore(%run_scoped3A_33 : memref<!tpu.dma_semaphore, #tpu.memory_space<semaphore_mem>>)
        %dma_wait3A = arith.constant 0 : i32
        %dma_wait3A_37 = tpu.memref_slice %arg8[%add3A_32, %dma_wait3A] : memref<10240x16xf32, #tpu.memory_space<vmem_shared>> -> memref<128x16xf32, #tpu.memory_space<vmem_shared>>
        %dma_wait3A_38 = arith.constant 0 : i32
        %dma_wait3A_39 = tpu.memref_slice %arg8[%add3A_32, %dma_wait3A_38] : memref<10240x16xf32, #tpu.memory_space<vmem_shared>> -> memref<128x16xf32, #tpu.memory_space<vmem_shared>>
        tpu.wait_dma2 semaphore(%run_scoped3A_33 : memref<!tpu.dma_semaphore, #tpu.memory_space<semaphore_mem>>) src(%arg6 : memref<128x16xf32, #tpu.memory_space<vmem>>) dst(%dma_wait3A_39 : memref<128x16xf32, #tpu.memory_space<vmem_shared>>)
        tpu.yield
      }) : () -> ()
    }
    %scan3A_18 = arith.constant 5 : i32
    %barrier3A = arith.constant 0 : index
    tpu.barrier barrier_id(%barrier3A)
    %scan3A_19 = arith.constant 0 : i32
    %scan3A_20 = arith.constant 10 : i32
    %scan3A_21 = arith.addi %scan3A_19, %scan3A_20 : i32
    %scan3A_22 = arith.constant 1 : i32
    scf.for %scan3A_25 = %scan3A_19 to %scan3A_21 step %scan3A_22  : i32 {
      %mul3A_26 = arith.constant 8 : i32
      %mul3A_27 = arith.muli %scan3A_25, %mul3A_26 : i32
      %add3A_28 = arith.constant 0 : i32
      %add3A_29 = arith.addi %add3A_28, %mul3A_27 : i32
      %scan3A_30 = arith.constant 0 : i32
      %scan3A_31 = arith.constant 8 : i32
      %scan3A_32 = arith.addi %scan3A_30, %scan3A_31 : i32
      %scan3A_33 = arith.constant 1 : i32
      scf.for %scan3A_40 = %scan3A_30 to %scan3A_32 step %scan3A_33  : i32 {
        %mul3A_41 = arith.constant 1 : i32
        %mul3A_42 = arith.muli %scan3A_40, %mul3A_41 : i32
        %add3A_43 = arith.constant 0 : i32
        %add3A_44 = arith.addi %add3A_43, %mul3A_42 : i32
        %add3A_45 = arith.addi %add3A_29, %add3A_44 : i32
        %dma_start3A = arith.constant 0 : i32
        %dma_start3A_46 = tpu.memref_slice %arg4[%add3A_45, %dma_start3A] : memref<80x125xi32, #tpu.memory_space<vmem>> -> memref<1x125xi32, #tpu.memory_space<vmem>>
        %dma_start3A_47 = tpu.memref_squeeze %dma_start3A_46 : memref<1x125xi32, #tpu.memory_space<vmem>> -> memref<125xi32, #tpu.memory_space<vmem>>
        %dma_start3A_48 = arith.constant 0 : i32
        %dma_start3A_49 = arith.constant 0 : i32
        %dma_start3A_50 = tpu.memref_slice %arg8[%dma_start3A_48, %dma_start3A_49] : memref<10240x16xf32, #tpu.memory_space<vmem_shared>> -> memref<10240x16xf32, #tpu.memory_space<vmem_shared>>
        tpu.enqueue_indirect_dma source(%arg5 : memref<125x16xf32, #tpu.memory_space<vmem>>) target(%dma_start3A_50 : memref<10240x16xf32, #tpu.memory_space<vmem_shared>>) offsets(%dma_start3A_47 : memref<125xi32, #tpu.memory_space<vmem>>) semaphore(%arg7 : memref<!tpu.dma_semaphore, #tpu.memory_space<semaphore_mem>>) {add = true}
      }
      %scan3A_34 = arith.constant 8 : i32
      %scan3A_35 = arith.constant 0 : i32
      %scan3A_36 = arith.constant 8 : i32
      %scan3A_37 = arith.addi %scan3A_35, %scan3A_36 : i32
      %scan3A_38 = arith.constant 1 : i32
      scf.for %scan3A_40 = %scan3A_35 to %scan3A_37 step %scan3A_38  : i32 {
        %mul3A_41 = arith.constant 1 : i32
        %mul3A_42 = arith.muli %scan3A_40, %mul3A_41 : i32
        %add3A_43 = arith.constant 0 : i32
        %add3A_44 = arith.addi %add3A_43, %mul3A_42 : i32
        %add3A_45 = arith.addi %add3A_29, %add3A_44 : i32
        %dma_wait3A = arith.constant 0 : i32
        %dma_wait3A_46 = tpu.memref_slice %arg4[%add3A_45, %dma_wait3A] : memref<80x125xi32, #tpu.memory_space<vmem>> -> memref<1x125xi32, #tpu.memory_space<vmem>>
        %dma_wait3A_47 = tpu.memref_squeeze %dma_wait3A_46 : memref<1x125xi32, #tpu.memory_space<vmem>> -> memref<125xi32, #tpu.memory_space<vmem>>
        %dma_wait3A_48 = arith.constant 0 : i32
        %dma_wait3A_49 = arith.constant 0 : i32
        %dma_wait3A_50 = tpu.memref_slice %arg8[%dma_wait3A_48, %dma_wait3A_49] : memref<10240x16xf32, #tpu.memory_space<vmem_shared>> -> memref<10240x16xf32, #tpu.memory_space<vmem_shared>>
        tpu.wait_indirect_dma semaphore(%arg7 : memref<!tpu.dma_semaphore, #tpu.memory_space<semaphore_mem>>) src(%arg5 : memref<125x16xf32, #tpu.memory_space<vmem>>) dst(%dma_wait3A_50 : memref<10240x16xf32, #tpu.memory_space<vmem_shared>>)
      }
      %scan3A_39 = arith.constant 8 : i32
    }
    %scan3A_23 = arith.constant 10 : i32
    %barrier3A_24 = arith.constant 0 : index
    tpu.barrier barrier_id(%barrier3A_24)
    "tpu.region"() ({
      %run_scoped3A_25 = tpu.sem_alloc : memref<!tpu.dma_semaphore, #tpu.memory_space<semaphore_mem>>
      %dma_start3A = arith.constant 0 : i32
      %dma_start3A_26 = arith.constant 0 : i32
      %dma_start3A_27 = tpu.memref_slice %arg3[%arg0, %dma_start3A, %dma_start3A_26] : memref<2x10240x64xf32, #tpu.memory_space<hbm>> -> memref<1x10240x64xf32, #tpu.memory_space<hbm>>
      %dma_start3A_28 = tpu.memref_squeeze %dma_start3A_27 : memref<1x10240x64xf32, #tpu.memory_space<hbm>> -> memref<10240x64xf32, #tpu.memory_space<hbm>>
      %dma_start3A_29 = arith.constant 0 : i32
      %dma_start3A_30 = tpu.memref_slice %dma_start3A_28[%mul3A_13, %dma_start3A_29] : memref<10240x64xf32, #tpu.memory_space<hbm>> -> memref<640x16xf32, #tpu.memory_space<hbm>>
      %dma_start3A_31 = arith.constant 0 : i32
      %dma_start3A_32 = tpu.memref_slice %arg8[%mul3A_13, %dma_start3A_31] : memref<10240x16xf32, #tpu.memory_space<vmem_shared>> -> memref<640x16xf32, #tpu.memory_space<vmem_shared>>
      tpu.enqueue_dma source(%dma_start3A_32 : memref<640x16xf32, #tpu.memory_space<vmem_shared>>) target(%dma_start3A_30 : memref<640x16xf32, #tpu.memory_space<hbm>>) target_semaphore(%run_scoped3A_25 : memref<!tpu.dma_semaphore, #tpu.memory_space<semaphore_mem>>)
      %dma_wait3A = arith.constant 0 : i32
      %dma_wait3A_33 = arith.constant 0 : i32
      %dma_wait3A_34 = tpu.memref_slice %arg3[%arg0, %dma_wait3A, %dma_wait3A_33] : memref<2x10240x64xf32, #tpu.memory_space<hbm>> -> memref<1x10240x64xf32, #tpu.memory_space<hbm>>
      %dma_wait3A_35 = tpu.memref_squeeze %dma_wait3A_34 : memref<1x10240x64xf32, #tpu.memory_space<hbm>> -> memref<10240x64xf32, #tpu.memory_space<hbm>>
      %dma_wait3A_36 = arith.constant 0 : i32
      %dma_wait3A_37 = tpu.memref_slice %dma_wait3A_35[%mul3A_13, %dma_wait3A_36] : memref<10240x64xf32, #tpu.memory_space<hbm>> -> memref<640x16xf32, #tpu.memory_space<hbm>>
      %dma_wait3A_38 = arith.constant 0 : i32
      %dma_wait3A_39 = tpu.memref_slice %arg8[%mul3A_13, %dma_wait3A_38] : memref<10240x16xf32, #tpu.memory_space<vmem_shared>> -> memref<640x16xf32, #tpu.memory_space<vmem_shared>>
      tpu.wait_dma2 semaphore(%run_scoped3A_25 : memref<!tpu.dma_semaphore, #tpu.memory_space<semaphore_mem>>) src(%dma_wait3A_39 : memref<640x16xf32, #tpu.memory_space<vmem_shared>>) dst(%dma_wait3A_37 : memref<640x16xf32, #tpu.memory_space<hbm>>)
      tpu.yield
    }) : () -> ()
    "tpu.region"() ({
      %run_scoped3A_25 = tpu.sem_alloc : memref<!tpu.dma_semaphore, #tpu.memory_space<semaphore_mem>>
      %dma_start3A = arith.constant 0 : i32
      %dma_start3A_26 = arith.constant 0 : i32
      %dma_start3A_27 = tpu.memref_slice %arg3[%arg0, %dma_start3A, %dma_start3A_26] : memref<2x10240x64xf32, #tpu.memory_space<hbm>> -> memref<1x10240x64xf32, #tpu.memory_space<hbm>>
      %dma_start3A_28 = tpu.memref_squeeze %dma_start3A_27 : memref<1x10240x64xf32, #tpu.memory_space<hbm>> -> memref<10240x64xf32, #tpu.memory_space<hbm>>
      %dma_start3A_29 = arith.constant 16 : i32
      %dma_start3A_30 = tpu.memref_slice %dma_start3A_28[%mul3A_13, %dma_start3A_29] : memref<10240x64xf32, #tpu.memory_space<hbm>> -> memref<640x16xf32, #tpu.memory_space<hbm>>
      %dma_start3A_31 = arith.constant 0 : i32
      %dma_start3A_32 = tpu.memref_slice %arg8[%mul3A_13, %dma_start3A_31] : memref<10240x16xf32, #tpu.memory_space<vmem_shared>> -> memref<640x16xf32, #tpu.memory_space<vmem_shared>>
      tpu.enqueue_dma source(%dma_start3A_32 : memref<640x16xf32, #tpu.memory_space<vmem_shared>>) target(%dma_start3A_30 : memref<640x16xf32, #tpu.memory_space<hbm>>) target_semaphore(%run_scoped3A_25 : memref<!tpu.dma_semaphore, #tpu.memory_space<semaphore_mem>>)
      %dma_wait3A = arith.constant 0 : i32
      %dma_wait3A_33 = arith.constant 0 : i32
      %dma_wait3A_34 = tpu.memref_slice %arg3[%arg0, %dma_wait3A, %dma_wait3A_33] : memref<2x10240x64xf32, #tpu.memory_space<hbm>> -> memref<1x10240x64xf32, #tpu.memory_space<hbm>>
      %dma_wait3A_35 = tpu.memref_squeeze %dma_wait3A_34 : memref<1x10240x64xf32, #tpu.memory_space<hbm>> -> memref<10240x64xf32, #tpu.memory_space<hbm>>
      %dma_wait3A_36 = arith.constant 16 : i32
      %dma_wait3A_37 = tpu.memref_slice %dma_wait3A_35[%mul3A_13, %dma_wait3A_36] : memref<10240x64xf32, #tpu.memory_space<hbm>> -> memref<640x16xf32, #tpu.memory_space<hbm>>
      %dma_wait3A_38 = arith.constant 0 : i32
      %dma_wait3A_39 = tpu.memref_slice %arg8[%mul3A_13, %dma_wait3A_38] : memref<10240x16xf32, #tpu.memory_space<vmem_shared>> -> memref<640x16xf32, #tpu.memory_space<vmem_shared>>
      tpu.wait_dma2 semaphore(%run_scoped3A_25 : memref<!tpu.dma_semaphore, #tpu.memory_space<semaphore_mem>>) src(%dma_wait3A_39 : memref<640x16xf32, #tpu.memory_space<vmem_shared>>) dst(%dma_wait3A_37 : memref<640x16xf32, #tpu.memory_space<hbm>>)
      tpu.yield
    }) : () -> ()
    "tpu.region"() ({
      %run_scoped3A_25 = tpu.sem_alloc : memref<!tpu.dma_semaphore, #tpu.memory_space<semaphore_mem>>
      %dma_start3A = arith.constant 0 : i32
      %dma_start3A_26 = arith.constant 0 : i32
      %dma_start3A_27 = tpu.memref_slice %arg3[%arg0, %dma_start3A, %dma_start3A_26] : memref<2x10240x64xf32, #tpu.memory_space<hbm>> -> memref<1x10240x64xf32, #tpu.memory_space<hbm>>
      %dma_start3A_28 = tpu.memref_squeeze %dma_start3A_27 : memref<1x10240x64xf32, #tpu.memory_space<hbm>> -> memref<10240x64xf32, #tpu.memory_space<hbm>>
      %dma_start3A_29 = arith.constant 32 : i32
      %dma_start3A_30 = tpu.memref_slice %dma_start3A_28[%mul3A_13, %dma_start3A_29] : memref<10240x64xf32, #tpu.memory_space<hbm>> -> memref<640x16xf32, #tpu.memory_space<hbm>>
      %dma_start3A_31 = arith.constant 0 : i32
      %dma_start3A_32 = tpu.memref_slice %arg8[%mul3A_13, %dma_start3A_31] : memref<10240x16xf32, #tpu.memory_space<vmem_shared>> -> memref<640x16xf32, #tpu.memory_space<vmem_shared>>
      tpu.enqueue_dma source(%dma_start3A_32 : memref<640x16xf32, #tpu.memory_space<vmem_shared>>) target(%dma_start3A_30 : memref<640x16xf32, #tpu.memory_space<hbm>>) target_semaphore(%run_scoped3A_25 : memref<!tpu.dma_semaphore, #tpu.memory_space<semaphore_mem>>)
      %dma_wait3A = arith.constant 0 : i32
      %dma_wait3A_33 = arith.constant 0 : i32
      %dma_wait3A_34 = tpu.memref_slice %arg3[%arg0, %dma_wait3A, %dma_wait3A_33] : memref<2x10240x64xf32, #tpu.memory_space<hbm>> -> memref<1x10240x64xf32, #tpu.memory_space<hbm>>
      %dma_wait3A_35 = tpu.memref_squeeze %dma_wait3A_34 : memref<1x10240x64xf32, #tpu.memory_space<hbm>> -> memref<10240x64xf32, #tpu.memory_space<hbm>>
      %dma_wait3A_36 = arith.constant 32 : i32
      %dma_wait3A_37 = tpu.memref_slice %dma_wait3A_35[%mul3A_13, %dma_wait3A_36] : memref<10240x64xf32, #tpu.memory_space<hbm>> -> memref<640x16xf32, #tpu.memory_space<hbm>>
      %dma_wait3A_38 = arith.constant 0 : i32
      %dma_wait3A_39 = tpu.memref_slice %arg8[%mul3A_13, %dma_wait3A_38] : memref<10240x16xf32, #tpu.memory_space<vmem_shared>> -> memref<640x16xf32, #tpu.memory_space<vmem_shared>>
      tpu.wait_dma2 semaphore(%run_scoped3A_25 : memref<!tpu.dma_semaphore, #tpu.memory_space<semaphore_mem>>) src(%dma_wait3A_39 : memref<640x16xf32, #tpu.memory_space<vmem_shared>>) dst(%dma_wait3A_37 : memref<640x16xf32, #tpu.memory_space<hbm>>)
      tpu.yield
    }) : () -> ()
    "tpu.region"() ({
      %run_scoped3A_25 = tpu.sem_alloc : memref<!tpu.dma_semaphore, #tpu.memory_space<semaphore_mem>>
      %dma_start3A = arith.constant 0 : i32
      %dma_start3A_26 = arith.constant 0 : i32
      %dma_start3A_27 = tpu.memref_slice %arg3[%arg0, %dma_start3A, %dma_start3A_26] : memref<2x10240x64xf32, #tpu.memory_space<hbm>> -> memref<1x10240x64xf32, #tpu.memory_space<hbm>>
      %dma_start3A_28 = tpu.memref_squeeze %dma_start3A_27 : memref<1x10240x64xf32, #tpu.memory_space<hbm>> -> memref<10240x64xf32, #tpu.memory_space<hbm>>
      %dma_start3A_29 = arith.constant 48 : i32
      %dma_start3A_30 = tpu.memref_slice %dma_start3A_28[%mul3A_13, %dma_start3A_29] : memref<10240x64xf32, #tpu.memory_space<hbm>> -> memref<640x16xf32, #tpu.memory_space<hbm>>
      %dma_start3A_31 = arith.constant 0 : i32
      %dma_start3A_32 = tpu.memref_slice %arg8[%mul3A_13, %dma_start3A_31] : memref<10240x16xf32, #tpu.memory_space<vmem_shared>> -> memref<640x16xf32, #tpu.memory_space<vmem_shared>>
      tpu.enqueue_dma source(%dma_start3A_32 : memref<640x16xf32, #tpu.memory_space<vmem_shared>>) target(%dma_start3A_30 : memref<640x16xf32, #tpu.memory_space<hbm>>) target_semaphore(%run_scoped3A_25 : memref<!tpu.dma_semaphore, #tpu.memory_space<semaphore_mem>>)
      %dma_wait3A = arith.constant 0 : i32
      %dma_wait3A_33 = arith.constant 0 : i32
      %dma_wait3A_34 = tpu.memref_slice %arg3[%arg0, %dma_wait3A, %dma_wait3A_33] : memref<2x10240x64xf32, #tpu.memory_space<hbm>> -> memref<1x10240x64xf32, #tpu.memory_space<hbm>>
      %dma_wait3A_35 = tpu.memref_squeeze %dma_wait3A_34 : memref<1x10240x64xf32, #tpu.memory_space<hbm>> -> memref<10240x64xf32, #tpu.memory_space<hbm>>
      %dma_wait3A_36 = arith.constant 48 : i32
      %dma_wait3A_37 = tpu.memref_slice %dma_wait3A_35[%mul3A_13, %dma_wait3A_36] : memref<10240x64xf32, #tpu.memory_space<hbm>> -> memref<640x16xf32, #tpu.memory_space<hbm>>
      %dma_wait3A_38 = arith.constant 0 : i32
      %dma_wait3A_39 = tpu.memref_slice %arg8[%mul3A_13, %dma_wait3A_38] : memref<10240x16xf32, #tpu.memory_space<vmem_shared>> -> memref<640x16xf32, #tpu.memory_space<vmem_shared>>
      tpu.wait_dma2 semaphore(%run_scoped3A_25 : memref<!tpu.dma_semaphore, #tpu.memory_space<semaphore_mem>>) src(%dma_wait3A_39 : memref<640x16xf32, #tpu.memory_space<vmem_shared>>) dst(%dma_wait3A_37 : memref<640x16xf32, #tpu.memory_space<hbm>>)
      tpu.yield
    }) : () -> ()
    return
  }
}

#map = affine_map<(d0, d1) -> (0, 0)>
#map1 = affine_map<(d0, d1) -> (0, 0, 0)>
module attributes {stable_mosaic.version = 14 : i64} {
  func.func @edge_kernel(%arg0: i32, %arg1: i32, %arg2: memref<10000x64xf32, #tpu.memory_space<hbm>>, %arg3: memref<2x2560x125xi32, #tpu.memory_space<hbm>>, %arg4: memref<2x10240x64xf32, #tpu.memory_space<hbm>>, %arg5: memref<80x125xi32, #tpu.memory_space<vmem>>, %arg6: memref<80x125xi32, #tpu.memory_space<vmem>>, %arg7: memref<125x64xf32, #tpu.memory_space<vmem>>, %arg8: memref<125x64xf32, #tpu.memory_space<vmem>>, %arg9: memref<125x64xf32, #tpu.memory_space<vmem>>, %arg10: memref<125x64xf32, #tpu.memory_space<vmem>>, %arg11: memref<!tpu.dma_semaphore, #tpu.memory_space<semaphore_mem>>, %arg12: memref<!tpu.dma_semaphore, #tpu.memory_space<semaphore_mem>>, %arg13: memref<!tpu.dma_semaphore, #tpu.memory_space<semaphore_mem>>, %arg14: memref<!tpu.dma_semaphore, #tpu.memory_space<semaphore_mem>>, %arg15: memref<10240x64xf32, #tpu.memory_space<vmem_shared>>) attributes {dimension_semantics = [#tpu.dimension_semantics<core_parallel>, #tpu.dimension_semantics<subcore_parallel>], iteration_bounds = array<i64: 2, 16>, scalar_prefetch = 0 : i64, scratch_operands = 11 : i64, tpu.core_type = #tpu.core_type<sc_vector_subcore>, window_params = [{transform_indices = #map}, {transform_indices = #map1}, {transform_indices = #map1}]} {
    %mul3A = arith.constant 2 : i32
    %mul3A_0 = arith.muli %arg1, %mul3A : i32
    %add3A = arith.addi %mul3A_0, %arg0 : i32
    %mul3A_1 = arith.constant 80 : i32
    %mul3A_2 = arith.muli %add3A, %mul3A_1 : i32
    %run_scoped3A = arith.constant 0 : i32
    "tpu.region"() ({
      %run_scoped3A_52 = tpu.sem_alloc : memref<!tpu.dma_semaphore, #tpu.memory_space<semaphore_mem>>
      %dma_start3A_53 = arith.constant 0 : i32
      %dma_start3A_54 = arith.constant 0 : i32
      %dma_start3A_55 = tpu.memref_slice %arg3[%run_scoped3A, %dma_start3A_53, %dma_start3A_54] : memref<2x2560x125xi32, #tpu.memory_space<hbm>> -> memref<1x2560x125xi32, #tpu.memory_space<hbm>>
      %dma_start3A_56 = tpu.memref_squeeze %dma_start3A_55 : memref<1x2560x125xi32, #tpu.memory_space<hbm>> -> memref<2560x125xi32, #tpu.memory_space<hbm>>
      %dma_start3A_57 = arith.constant 0 : i32
      %dma_start3A_58 = tpu.memref_slice %dma_start3A_56[%mul3A_2, %dma_start3A_57] : memref<2560x125xi32, #tpu.memory_space<hbm>> -> memref<80x125xi32, #tpu.memory_space<hbm>>
      %dma_start3A_59 = arith.constant 0 : i32
      %dma_start3A_60 = arith.constant 0 : i32
      %dma_start3A_61 = tpu.memref_slice %arg3[%run_scoped3A, %dma_start3A_59, %dma_start3A_60] : memref<2x2560x125xi32, #tpu.memory_space<hbm>> -> memref<1x2560x125xi32, #tpu.memory_space<hbm>>
      %dma_start3A_62 = tpu.memref_squeeze %dma_start3A_61 : memref<1x2560x125xi32, #tpu.memory_space<hbm>> -> memref<2560x125xi32, #tpu.memory_space<hbm>>
      %dma_start3A_63 = arith.constant 0 : i32
      %dma_start3A_64 = tpu.memref_slice %dma_start3A_62[%mul3A_2, %dma_start3A_63] : memref<2560x125xi32, #tpu.memory_space<hbm>> -> memref<80x125xi32, #tpu.memory_space<hbm>>
      tpu.enqueue_dma source(%dma_start3A_64 : memref<80x125xi32, #tpu.memory_space<hbm>>) target(%arg5 : memref<80x125xi32, #tpu.memory_space<vmem>>) target_semaphore(%run_scoped3A_52 : memref<!tpu.dma_semaphore, #tpu.memory_space<semaphore_mem>>)
      %dma_wait3A = arith.constant 0 : i32
      %dma_wait3A_65 = arith.constant 0 : i32
      %dma_wait3A_66 = tpu.memref_slice %arg3[%run_scoped3A, %dma_wait3A, %dma_wait3A_65] : memref<2x2560x125xi32, #tpu.memory_space<hbm>> -> memref<1x2560x125xi32, #tpu.memory_space<hbm>>
      %dma_wait3A_67 = tpu.memref_squeeze %dma_wait3A_66 : memref<1x2560x125xi32, #tpu.memory_space<hbm>> -> memref<2560x125xi32, #tpu.memory_space<hbm>>
      %dma_wait3A_68 = arith.constant 0 : i32
      %dma_wait3A_69 = tpu.memref_slice %dma_wait3A_67[%mul3A_2, %dma_wait3A_68] : memref<2560x125xi32, #tpu.memory_space<hbm>> -> memref<80x125xi32, #tpu.memory_space<hbm>>
      %dma_wait3A_70 = arith.constant 0 : i32
      %dma_wait3A_71 = arith.constant 0 : i32
      %dma_wait3A_72 = tpu.memref_slice %arg3[%run_scoped3A, %dma_wait3A_70, %dma_wait3A_71] : memref<2x2560x125xi32, #tpu.memory_space<hbm>> -> memref<1x2560x125xi32, #tpu.memory_space<hbm>>
      %dma_wait3A_73 = tpu.memref_squeeze %dma_wait3A_72 : memref<1x2560x125xi32, #tpu.memory_space<hbm>> -> memref<2560x125xi32, #tpu.memory_space<hbm>>
      %dma_wait3A_74 = arith.constant 0 : i32
      %dma_wait3A_75 = tpu.memref_slice %dma_wait3A_73[%mul3A_2, %dma_wait3A_74] : memref<2560x125xi32, #tpu.memory_space<hbm>> -> memref<80x125xi32, #tpu.memory_space<hbm>>
      tpu.wait_dma2 semaphore(%run_scoped3A_52 : memref<!tpu.dma_semaphore, #tpu.memory_space<semaphore_mem>>) src(%dma_wait3A_75 : memref<80x125xi32, #tpu.memory_space<hbm>>) dst(%arg5 : memref<80x125xi32, #tpu.memory_space<vmem>>)
      tpu.yield
    }) : () -> ()
    %mul3A_3 = arith.constant 80 : i32
    %mul3A_4 = arith.muli %add3A, %mul3A_3 : i32
    %run_scoped3A_5 = arith.constant 1 : i32
    "tpu.region"() ({
      %run_scoped3A_52 = tpu.sem_alloc : memref<!tpu.dma_semaphore, #tpu.memory_space<semaphore_mem>>
      %dma_start3A_53 = arith.constant 0 : i32
      %dma_start3A_54 = arith.constant 0 : i32
      %dma_start3A_55 = tpu.memref_slice %arg3[%run_scoped3A_5, %dma_start3A_53, %dma_start3A_54] : memref<2x2560x125xi32, #tpu.memory_space<hbm>> -> memref<1x2560x125xi32, #tpu.memory_space<hbm>>
      %dma_start3A_56 = tpu.memref_squeeze %dma_start3A_55 : memref<1x2560x125xi32, #tpu.memory_space<hbm>> -> memref<2560x125xi32, #tpu.memory_space<hbm>>
      %dma_start3A_57 = arith.constant 0 : i32
      %dma_start3A_58 = tpu.memref_slice %dma_start3A_56[%mul3A_4, %dma_start3A_57] : memref<2560x125xi32, #tpu.memory_space<hbm>> -> memref<80x125xi32, #tpu.memory_space<hbm>>
      %dma_start3A_59 = arith.constant 0 : i32
      %dma_start3A_60 = arith.constant 0 : i32
      %dma_start3A_61 = tpu.memref_slice %arg3[%run_scoped3A_5, %dma_start3A_59, %dma_start3A_60] : memref<2x2560x125xi32, #tpu.memory_space<hbm>> -> memref<1x2560x125xi32, #tpu.memory_space<hbm>>
      %dma_start3A_62 = tpu.memref_squeeze %dma_start3A_61 : memref<1x2560x125xi32, #tpu.memory_space<hbm>> -> memref<2560x125xi32, #tpu.memory_space<hbm>>
      %dma_start3A_63 = arith.constant 0 : i32
      %dma_start3A_64 = tpu.memref_slice %dma_start3A_62[%mul3A_4, %dma_start3A_63] : memref<2560x125xi32, #tpu.memory_space<hbm>> -> memref<80x125xi32, #tpu.memory_space<hbm>>
      tpu.enqueue_dma source(%dma_start3A_64 : memref<80x125xi32, #tpu.memory_space<hbm>>) target(%arg6 : memref<80x125xi32, #tpu.memory_space<vmem>>) target_semaphore(%run_scoped3A_52 : memref<!tpu.dma_semaphore, #tpu.memory_space<semaphore_mem>>)
      %dma_wait3A = arith.constant 0 : i32
      %dma_wait3A_65 = arith.constant 0 : i32
      %dma_wait3A_66 = tpu.memref_slice %arg3[%run_scoped3A_5, %dma_wait3A, %dma_wait3A_65] : memref<2x2560x125xi32, #tpu.memory_space<hbm>> -> memref<1x2560x125xi32, #tpu.memory_space<hbm>>
      %dma_wait3A_67 = tpu.memref_squeeze %dma_wait3A_66 : memref<1x2560x125xi32, #tpu.memory_space<hbm>> -> memref<2560x125xi32, #tpu.memory_space<hbm>>
      %dma_wait3A_68 = arith.constant 0 : i32
      %dma_wait3A_69 = tpu.memref_slice %dma_wait3A_67[%mul3A_4, %dma_wait3A_68] : memref<2560x125xi32, #tpu.memory_space<hbm>> -> memref<80x125xi32, #tpu.memory_space<hbm>>
      %dma_wait3A_70 = arith.constant 0 : i32
      %dma_wait3A_71 = arith.constant 0 : i32
      %dma_wait3A_72 = tpu.memref_slice %arg3[%run_scoped3A_5, %dma_wait3A_70, %dma_wait3A_71] : memref<2x2560x125xi32, #tpu.memory_space<hbm>> -> memref<1x2560x125xi32, #tpu.memory_space<hbm>>
      %dma_wait3A_73 = tpu.memref_squeeze %dma_wait3A_72 : memref<1x2560x125xi32, #tpu.memory_space<hbm>> -> memref<2560x125xi32, #tpu.memory_space<hbm>>
      %dma_wait3A_74 = arith.constant 0 : i32
      %dma_wait3A_75 = tpu.memref_slice %dma_wait3A_73[%mul3A_4, %dma_wait3A_74] : memref<2560x125xi32, #tpu.memory_space<hbm>> -> memref<80x125xi32, #tpu.memory_space<hbm>>
      tpu.wait_dma2 semaphore(%run_scoped3A_52 : memref<!tpu.dma_semaphore, #tpu.memory_space<semaphore_mem>>) src(%dma_wait3A_75 : memref<80x125xi32, #tpu.memory_space<hbm>>) dst(%arg6 : memref<80x125xi32, #tpu.memory_space<vmem>>)
      tpu.yield
    }) : () -> ()
    %scan3A = arith.constant 0 : i32
    %scan3A_6 = arith.constant 125 : i32
    %scan3A_7 = arith.addi %scan3A, %scan3A_6 : i32
    %scan3A_8 = arith.constant 1 : i32
    scf.for %scan3A_52 = %scan3A to %scan3A_7 step %scan3A_8  : i32 {
      %mul3A_53 = arith.constant 1 : i32
      %mul3A_54 = arith.muli %scan3A_52, %mul3A_53 : i32
      %add3A_55 = arith.constant 0 : i32
      %add3A_56 = arith.addi %add3A_55, %mul3A_54 : i32
      %scan3A_57 = arith.constant 0 : i32
      %scan3A_58 = arith.constant 4 : i32
      %scan3A_59 = arith.addi %scan3A_57, %scan3A_58 : i32
      %scan3A_60 = arith.constant 1 : i32
      scf.for %scan3A_62 = %scan3A_57 to %scan3A_59 step %scan3A_60  : i32 {
        %mul3A_63 = arith.constant 16 : i32
        %mul3A_64 = arith.muli %scan3A_62, %mul3A_63 : i32
        %add3A_65 = arith.constant 0 : i32
        %add3A_66 = arith.addi %add3A_65, %mul3A_64 : i32
        %broadcast_in_dim3A = arith.constant 0.000000e+00 : f32
        %broadcast_in_dim3A_67 = vector.broadcast %broadcast_in_dim3A : f32 to vector<16xf32>
        %swap3A = arith.index_cast %add3A_56 : i32 to index
        %swap3A_68 = arith.index_cast %add3A_66 : i32 to index
        %swap3A_69 = tpu.vector_load %arg7[%swap3A, %swap3A_68] {strides = array<i32>} : memref<125x64xf32, #tpu.memory_space<vmem>>, vector<1x16xf32>,
        %swap3A_70 = vector.shape_cast %swap3A_69 : vector<1x16xf32> to vector<16xf32>
        %swap3A_71 = vector.shape_cast %broadcast_in_dim3A_67 : vector<16xf32> to vector<1x16xf32>
        tpu.vector_store %arg7[%swap3A, %swap3A_68], %swap3A_71 {strides = array<i32>} : memref<125x64xf32, #tpu.memory_space<vmem>>, vector<1x16xf32>,
      }
      %scan3A_61 = arith.constant 4 : i32
    }
    %scan3A_9 = arith.constant 125 : i32
    %mul3A_10 = arith.constant 640 : i32
    %mul3A_11 = arith.muli %arg1, %mul3A_10 : i32
    %scan3A_12 = arith.constant 0 : i32
    %scan3A_13 = arith.constant 5 : i32
    %scan3A_14 = arith.addi %scan3A_12, %scan3A_13 : i32
    %scan3A_15 = arith.constant 1 : i32
    scf.for %scan3A_52 = %scan3A_12 to %scan3A_14 step %scan3A_15  : i32 {
      %mul3A_53 = arith.constant 1 : i32
      %mul3A_54 = arith.muli %scan3A_52, %mul3A_53 : i32
      %add3A_55 = arith.constant 0 : i32
      %add3A_56 = arith.addi %add3A_55, %mul3A_54 : i32
      %mul3A_57 = arith.constant 125 : i32
      %mul3A_58 = arith.muli %add3A_56, %mul3A_57 : i32
      %add3A_59 = arith.addi %mul3A_11, %mul3A_58 : i32
      "tpu.region"() ({
        %run_scoped3A_60 = tpu.sem_alloc : memref<!tpu.dma_semaphore, #tpu.memory_space<semaphore_mem>>
        %dma_start3A_61 = arith.constant 0 : i32
        %dma_start3A_62 = tpu.memref_slice %arg15[%add3A_59, %dma_start3A_61] : memref<10240x64xf32, #tpu.memory_space<vmem_shared>> -> memref<125x64xf32, #tpu.memory_space<vmem_shared>>
        %dma_start3A_63 = arith.constant 0 : i32
        %dma_start3A_64 = tpu.memref_slice %arg15[%add3A_59, %dma_start3A_63] : memref<10240x64xf32, #tpu.memory_space<vmem_shared>> -> memref<125x64xf32, #tpu.memory_space<vmem_shared>>
        tpu.enqueue_dma source(%arg7 : memref<125x64xf32, #tpu.memory_space<vmem>>) target(%dma_start3A_64 : memref<125x64xf32, #tpu.memory_space<vmem_shared>>) target_semaphore(%run_scoped3A_60 : memref<!tpu.dma_semaphore, #tpu.memory_space<semaphore_mem>>)
        %dma_wait3A = arith.constant 0 : i32
        %dma_wait3A_65 = tpu.memref_slice %arg15[%add3A_59, %dma_wait3A] : memref<10240x64xf32, #tpu.memory_space<vmem_shared>> -> memref<125x64xf32, #tpu.memory_space<vmem_shared>>
        %dma_wait3A_66 = arith.constant 0 : i32
        %dma_wait3A_67 = tpu.memref_slice %arg15[%add3A_59, %dma_wait3A_66] : memref<10240x64xf32, #tpu.memory_space<vmem_shared>> -> memref<125x64xf32, #tpu.memory_space<vmem_shared>>
        tpu.wait_dma2 semaphore(%run_scoped3A_60 : memref<!tpu.dma_semaphore, #tpu.memory_space<semaphore_mem>>) src(%arg7 : memref<125x64xf32, #tpu.memory_space<vmem>>) dst(%dma_wait3A_67 : memref<125x64xf32, #tpu.memory_space<vmem_shared>>)
        tpu.yield
      }) : () -> ()
    }
    %scan3A_16 = arith.constant 5 : i32
    %add3A_17 = arith.constant 625 : i32
    %add3A_18 = arith.addi %mul3A_11, %add3A_17 : i32
    "tpu.region"() ({
      %run_scoped3A_52 = tpu.sem_alloc : memref<!tpu.dma_semaphore, #tpu.memory_space<semaphore_mem>>
      %dma_start3A_53 = arith.constant 0 : i32
      %dma_start3A_54 = arith.constant 0 : i32
      %dma_start3A_55 = tpu.memref_slice %arg7[%dma_start3A_53, %dma_start3A_54] : memref<125x64xf32, #tpu.memory_space<vmem>> -> memref<15x64xf32, #tpu.memory_space<vmem>>
      %dma_start3A_56 = arith.constant 0 : i32
      %dma_start3A_57 = tpu.memref_slice %arg15[%add3A_18, %dma_start3A_56] : memref<10240x64xf32, #tpu.memory_space<vmem_shared>> -> memref<15x64xf32, #tpu.memory_space<vmem_shared>>
      %dma_start3A_58 = arith.constant 0 : i32
      %dma_start3A_59 = tpu.memref_slice %arg15[%add3A_18, %dma_start3A_58] : memref<10240x64xf32, #tpu.memory_space<vmem_shared>> -> memref<15x64xf32, #tpu.memory_space<vmem_shared>>
      %dma_start3A_60 = arith.constant 0 : i32
      %dma_start3A_61 = arith.constant 0 : i32
      %dma_start3A_62 = tpu.memref_slice %arg7[%dma_start3A_60, %dma_start3A_61] : memref<125x64xf32, #tpu.memory_space<vmem>> -> memref<15x64xf32, #tpu.memory_space<vmem>>
      tpu.enqueue_dma source(%dma_start3A_62 : memref<15x64xf32, #tpu.memory_space<vmem>>) target(%dma_start3A_59 : memref<15x64xf32, #tpu.memory_space<vmem_shared>>) target_semaphore(%run_scoped3A_52 : memref<!tpu.dma_semaphore, #tpu.memory_space<semaphore_mem>>)
      %dma_wait3A = arith.constant 0 : i32
      %dma_wait3A_63 = arith.constant 0 : i32
      %dma_wait3A_64 = tpu.memref_slice %arg7[%dma_wait3A, %dma_wait3A_63] : memref<125x64xf32, #tpu.memory_space<vmem>> -> memref<15x64xf32, #tpu.memory_space<vmem>>
      %dma_wait3A_65 = arith.constant 0 : i32
      %dma_wait3A_66 = tpu.memref_slice %arg15[%add3A_18, %dma_wait3A_65] : memref<10240x64xf32, #tpu.memory_space<vmem_shared>> -> memref<15x64xf32, #tpu.memory_space<vmem_shared>>
      %dma_wait3A_67 = arith.constant 0 : i32
      %dma_wait3A_68 = tpu.memref_slice %arg15[%add3A_18, %dma_wait3A_67] : memref<10240x64xf32, #tpu.memory_space<vmem_shared>> -> memref<15x64xf32, #tpu.memory_space<vmem_shared>>
      %dma_wait3A_69 = arith.constant 0 : i32
      %dma_wait3A_70 = arith.constant 0 : i32
      %dma_wait3A_71 = tpu.memref_slice %arg7[%dma_wait3A_69, %dma_wait3A_70] : memref<125x64xf32, #tpu.memory_space<vmem>> -> memref<15x64xf32, #tpu.memory_space<vmem>>
      tpu.wait_dma2 semaphore(%run_scoped3A_52 : memref<!tpu.dma_semaphore, #tpu.memory_space<semaphore_mem>>) src(%dma_wait3A_71 : memref<15x64xf32, #tpu.memory_space<vmem>>) dst(%dma_wait3A_68 : memref<15x64xf32, #tpu.memory_space<vmem_shared>>)
      tpu.yield
    }) : () -> ()
    %dma_start3A = arith.constant 0 : i32
    %dma_start3A_19 = arith.constant 0 : i32
    %dma_start3A_20 = tpu.memref_slice %arg5[%dma_start3A, %dma_start3A_19] : memref<80x125xi32, #tpu.memory_space<vmem>> -> memref<1x125xi32, #tpu.memory_space<vmem>>
    %dma_start3A_21 = tpu.memref_squeeze %dma_start3A_20 : memref<1x125xi32, #tpu.memory_space<vmem>> -> memref<125xi32, #tpu.memory_space<vmem>>
    %dma_start3A_22 = arith.constant 0 : i32
    %dma_start3A_23 = arith.constant 0 : i32
    %dma_start3A_24 = tpu.memref_slice %arg2[%dma_start3A_22, %dma_start3A_23] : memref<10000x64xf32, #tpu.memory_space<hbm>> -> memref<10000x64xf32, #tpu.memory_space<hbm>>
    tpu.enqueue_indirect_dma source(%dma_start3A_24 : memref<10000x64xf32, #tpu.memory_space<hbm>>) target(%arg7 : memref<125x64xf32, #tpu.memory_space<vmem>>) offsets(%dma_start3A_21 : memref<125xi32, #tpu.memory_space<vmem>>) semaphore(%arg11 : memref<!tpu.dma_semaphore, #tpu.memory_space<semaphore_mem>>)
    %dma_start3A_25 = arith.constant 1 : i32
    %dma_start3A_26 = arith.constant 0 : i32
    %dma_start3A_27 = tpu.memref_slice %arg5[%dma_start3A_25, %dma_start3A_26] : memref<80x125xi32, #tpu.memory_space<vmem>> -> memref<1x125xi32, #tpu.memory_space<vmem>>
    %dma_start3A_28 = tpu.memref_squeeze %dma_start3A_27 : memref<1x125xi32, #tpu.memory_space<vmem>> -> memref<125xi32, #tpu.memory_space<vmem>>
    %dma_start3A_29 = arith.constant 0 : i32
    %dma_start3A_30 = arith.constant 0 : i32
    %dma_start3A_31 = tpu.memref_slice %arg2[%dma_start3A_29, %dma_start3A_30] : memref<10000x64xf32, #tpu.memory_space<hbm>> -> memref<10000x64xf32, #tpu.memory_space<hbm>>
    tpu.enqueue_indirect_dma source(%dma_start3A_31 : memref<10000x64xf32, #tpu.memory_space<hbm>>) target(%arg8 : memref<125x64xf32, #tpu.memory_space<vmem>>) offsets(%dma_start3A_28 : memref<125xi32, #tpu.memory_space<vmem>>) semaphore(%arg12 : memref<!tpu.dma_semaphore, #tpu.memory_space<semaphore_mem>>)
    %dma_start3A_32 = arith.constant 2 : i32
    %dma_start3A_33 = arith.constant 0 : i32
    %dma_start3A_34 = tpu.memref_slice %arg5[%dma_start3A_32, %dma_start3A_33] : memref<80x125xi32, #tpu.memory_space<vmem>> -> memref<1x125xi32, #tpu.memory_space<vmem>>
    %dma_start3A_35 = tpu.memref_squeeze %dma_start3A_34 : memref<1x125xi32, #tpu.memory_space<vmem>> -> memref<125xi32, #tpu.memory_space<vmem>>
    %dma_start3A_36 = arith.constant 0 : i32
    %dma_start3A_37 = arith.constant 0 : i32
    %dma_start3A_38 = tpu.memref_slice %arg2[%dma_start3A_36, %dma_start3A_37] : memref<10000x64xf32, #tpu.memory_space<hbm>> -> memref<10000x64xf32, #tpu.memory_space<hbm>>
    tpu.enqueue_indirect_dma source(%dma_start3A_38 : memref<10000x64xf32, #tpu.memory_space<hbm>>) target(%arg9 : memref<125x64xf32, #tpu.memory_space<vmem>>) offsets(%dma_start3A_35 : memref<125xi32, #tpu.memory_space<vmem>>) semaphore(%arg13 : memref<!tpu.dma_semaphore, #tpu.memory_space<semaphore_mem>>)
    %dma_start3A_39 = arith.constant 3 : i32
    %dma_start3A_40 = arith.constant 0 : i32
    %dma_start3A_41 = tpu.memref_slice %arg5[%dma_start3A_39, %dma_start3A_40] : memref<80x125xi32, #tpu.memory_space<vmem>> -> memref<1x125xi32, #tpu.memory_space<vmem>>
    %dma_start3A_42 = tpu.memref_squeeze %dma_start3A_41 : memref<1x125xi32, #tpu.memory_space<vmem>> -> memref<125xi32, #tpu.memory_space<vmem>>
    %dma_start3A_43 = arith.constant 0 : i32
    %dma_start3A_44 = arith.constant 0 : i32
    %dma_start3A_45 = tpu.memref_slice %arg2[%dma_start3A_43, %dma_start3A_44] : memref<10000x64xf32, #tpu.memory_space<hbm>> -> memref<10000x64xf32, #tpu.memory_space<hbm>>
    tpu.enqueue_indirect_dma source(%dma_start3A_45 : memref<10000x64xf32, #tpu.memory_space<hbm>>) target(%arg10 : memref<125x64xf32, #tpu.memory_space<vmem>>) offsets(%dma_start3A_42 : memref<125xi32, #tpu.memory_space<vmem>>) semaphore(%arg14 : memref<!tpu.dma_semaphore, #tpu.memory_space<semaphore_mem>>)
    %barrier3A = arith.constant 0 : index
    tpu.barrier barrier_id(%barrier3A)
    %scan3A_46 = arith.constant 0 : i32
    %scan3A_47 = arith.constant 20 : i32
    %scan3A_48 = arith.addi %scan3A_46, %scan3A_47 : i32
    %scan3A_49 = arith.constant 1 : i32
    scf.for %scan3A_52 = %scan3A_46 to %scan3A_48 step %scan3A_49  : i32 {
      %mul3A_53 = arith.constant 4 : i32
      %mul3A_54 = arith.muli %scan3A_52, %mul3A_53 : i32
      %add3A_55 = arith.constant 0 : i32
      %add3A_56 = arith.addi %add3A_55, %mul3A_54 : i32
      %add3A_57 = arith.constant 0 : i32
      %add3A_58 = arith.addi %add3A_56, %add3A_57 : i32
      %dma_wait3A = arith.constant 0 : i32
      %dma_wait3A_59 = tpu.memref_slice %arg5[%add3A_58, %dma_wait3A] : memref<80x125xi32, #tpu.memory_space<vmem>> -> memref<1x125xi32, #tpu.memory_space<vmem>>
      %dma_wait3A_60 = tpu.memref_squeeze %dma_wait3A_59 : memref<1x125xi32, #tpu.memory_space<vmem>> -> memref<125xi32, #tpu.memory_space<vmem>>
      %dma_wait3A_61 = arith.constant 0 : i32
      %dma_wait3A_62 = arith.constant 0 : i32
      %dma_wait3A_63 = tpu.memref_slice %arg2[%dma_wait3A_61, %dma_wait3A_62] : memref<10000x64xf32, #tpu.memory_space<hbm>> -> memref<10000x64xf32, #tpu.memory_space<hbm>>
      tpu.wait_indirect_dma semaphore(%arg11 : memref<!tpu.dma_semaphore, #tpu.memory_space<semaphore_mem>>) src(%dma_wait3A_63 : memref<10000x64xf32, #tpu.memory_space<hbm>>) dst(%arg7 : memref<125x64xf32, #tpu.memory_space<vmem>>)
      "tpu.region"() ({
        %run_scoped3A_113 = tpu.sem_alloc : memref<!tpu.dma_semaphore, #tpu.memory_space<semaphore_mem>>
        %dma_start3A_114 = arith.constant 0 : i32
        %dma_start3A_115 = tpu.memref_slice %arg6[%add3A_58, %dma_start3A_114] : memref<80x125xi32, #tpu.memory_space<vmem>> -> memref<1x125xi32, #tpu.memory_space<vmem>>
        %dma_start3A_116 = tpu.memref_squeeze %dma_start3A_115 : memref<1x125xi32, #tpu.memory_space<vmem>> -> memref<125xi32, #tpu.memory_space<vmem>>
        %dma_start3A_117 = arith.constant 0 : i32
        %dma_start3A_118 = arith.constant 0 : i32
        %dma_start3A_119 = tpu.memref_slice %arg15[%dma_start3A_117, %dma_start3A_118] : memref<10240x64xf32, #tpu.memory_space<vmem_shared>> -> memref<10240x64xf32, #tpu.memory_space<vmem_shared>>
        tpu.enqueue_indirect_dma source(%arg7 : memref<125x64xf32, #tpu.memory_space<vmem>>) target(%dma_start3A_119 : memref<10240x64xf32, #tpu.memory_space<vmem_shared>>) offsets(%dma_start3A_116 : memref<125xi32, #tpu.memory_space<vmem>>) semaphore(%run_scoped3A_113 : memref<!tpu.dma_semaphore, #tpu.memory_space<semaphore_mem>>) {add = true}
        %dma_wait3A_120 = arith.constant 0 : i32
        %dma_wait3A_121 = tpu.memref_slice %arg6[%add3A_58, %dma_wait3A_120] : memref<80x125xi32, #tpu.memory_space<vmem>> -> memref<1x125xi32, #tpu.memory_space<vmem>>
        %dma_wait3A_122 = tpu.memref_squeeze %dma_wait3A_121 : memref<1x125xi32, #tpu.memory_space<vmem>> -> memref<125xi32, #tpu.memory_space<vmem>>
        %dma_wait3A_123 = arith.constant 0 : i32
        %dma_wait3A_124 = arith.constant 0 : i32
        %dma_wait3A_125 = tpu.memref_slice %arg15[%dma_wait3A_123, %dma_wait3A_124] : memref<10240x64xf32, #tpu.memory_space<vmem_shared>> -> memref<10240x64xf32, #tpu.memory_space<vmem_shared>>
        tpu.wait_indirect_dma semaphore(%run_scoped3A_113 : memref<!tpu.dma_semaphore, #tpu.memory_space<semaphore_mem>>) src(%arg7 : memref<125x64xf32, #tpu.memory_space<vmem>>) dst(%dma_wait3A_125 : memref<10240x64xf32, #tpu.memory_space<vmem_shared>>)
        tpu.yield
      }) : () -> ()
      %add3A_64 = arith.constant 4 : i32
      %add3A_65 = arith.addi %add3A_58, %add3A_64 : i32
      %lt3A = arith.constant 80 : i32
      %lt3A_66 = arith.cmpi slt, %add3A_65, %lt3A : i32
      %convert_element_type3A = arith.extui %lt3A_66 : i1 to i32
      %cond3A = arith.constant 0 : i32
      %cond3A_67 = arith.cmpi ne, %convert_element_type3A, %cond3A : i32
      scf.if %cond3A_67 {
        %add3A_113 = arith.constant 4 : i32
        %add3A_114 = arith.addi %add3A_58, %add3A_113 : i32
        %dma_start3A_115 = arith.constant 0 : i32
        %dma_start3A_116 = tpu.memref_slice %arg5[%add3A_114, %dma_start3A_115] : memref<80x125xi32, #tpu.memory_space<vmem>> -> memref<1x125xi32, #tpu.memory_space<vmem>>
        %dma_start3A_117 = tpu.memref_squeeze %dma_start3A_116 : memref<1x125xi32, #tpu.memory_space<vmem>> -> memref<125xi32, #tpu.memory_space<vmem>>
        %dma_start3A_118 = arith.constant 0 : i32
        %dma_start3A_119 = arith.constant 0 : i32
        %dma_start3A_120 = tpu.memref_slice %arg2[%dma_start3A_118, %dma_start3A_119] : memref<10000x64xf32, #tpu.memory_space<hbm>> -> memref<10000x64xf32, #tpu.memory_space<hbm>>
        tpu.enqueue_indirect_dma source(%dma_start3A_120 : memref<10000x64xf32, #tpu.memory_space<hbm>>) target(%arg7 : memref<125x64xf32, #tpu.memory_space<vmem>>) offsets(%dma_start3A_117 : memref<125xi32, #tpu.memory_space<vmem>>) semaphore(%arg11 : memref<!tpu.dma_semaphore, #tpu.memory_space<semaphore_mem>>)
      } else {
      }
      %add3A_68 = arith.constant 1 : i32
      %add3A_69 = arith.addi %add3A_56, %add3A_68 : i32
      %dma_wait3A_70 = arith.constant 0 : i32
      %dma_wait3A_71 = tpu.memref_slice %arg5[%add3A_69, %dma_wait3A_70] : memref<80x125xi32, #tpu.memory_space<vmem>> -> memref<1x125xi32, #tpu.memory_space<vmem>>
      %dma_wait3A_72 = tpu.memref_squeeze %dma_wait3A_71 : memref<1x125xi32, #tpu.memory_space<vmem>> -> memref<125xi32, #tpu.memory_space<vmem>>
      %dma_wait3A_73 = arith.constant 0 : i32
      %dma_wait3A_74 = arith.constant 0 : i32
      %dma_wait3A_75 = tpu.memref_slice %arg2[%dma_wait3A_73, %dma_wait3A_74] : memref<10000x64xf32, #tpu.memory_space<hbm>> -> memref<10000x64xf32, #tpu.memory_space<hbm>>
      tpu.wait_indirect_dma semaphore(%arg12 : memref<!tpu.dma_semaphore, #tpu.memory_space<semaphore_mem>>) src(%dma_wait3A_75 : memref<10000x64xf32, #tpu.memory_space<hbm>>) dst(%arg8 : memref<125x64xf32, #tpu.memory_space<vmem>>)
      "tpu.region"() ({
        %run_scoped3A_113 = tpu.sem_alloc : memref<!tpu.dma_semaphore, #tpu.memory_space<semaphore_mem>>
        %dma_start3A_114 = arith.constant 0 : i32
        %dma_start3A_115 = tpu.memref_slice %arg6[%add3A_69, %dma_start3A_114] : memref<80x125xi32, #tpu.memory_space<vmem>> -> memref<1x125xi32, #tpu.memory_space<vmem>>
        %dma_start3A_116 = tpu.memref_squeeze %dma_start3A_115 : memref<1x125xi32, #tpu.memory_space<vmem>> -> memref<125xi32, #tpu.memory_space<vmem>>
        %dma_start3A_117 = arith.constant 0 : i32
        %dma_start3A_118 = arith.constant 0 : i32
        %dma_start3A_119 = tpu.memref_slice %arg15[%dma_start3A_117, %dma_start3A_118] : memref<10240x64xf32, #tpu.memory_space<vmem_shared>> -> memref<10240x64xf32, #tpu.memory_space<vmem_shared>>
        tpu.enqueue_indirect_dma source(%arg8 : memref<125x64xf32, #tpu.memory_space<vmem>>) target(%dma_start3A_119 : memref<10240x64xf32, #tpu.memory_space<vmem_shared>>) offsets(%dma_start3A_116 : memref<125xi32, #tpu.memory_space<vmem>>) semaphore(%run_scoped3A_113 : memref<!tpu.dma_semaphore, #tpu.memory_space<semaphore_mem>>) {add = true}
        %dma_wait3A_120 = arith.constant 0 : i32
        %dma_wait3A_121 = tpu.memref_slice %arg6[%add3A_69, %dma_wait3A_120] : memref<80x125xi32, #tpu.memory_space<vmem>> -> memref<1x125xi32, #tpu.memory_space<vmem>>
        %dma_wait3A_122 = tpu.memref_squeeze %dma_wait3A_121 : memref<1x125xi32, #tpu.memory_space<vmem>> -> memref<125xi32, #tpu.memory_space<vmem>>
        %dma_wait3A_123 = arith.constant 0 : i32
        %dma_wait3A_124 = arith.constant 0 : i32
        %dma_wait3A_125 = tpu.memref_slice %arg15[%dma_wait3A_123, %dma_wait3A_124] : memref<10240x64xf32, #tpu.memory_space<vmem_shared>> -> memref<10240x64xf32, #tpu.memory_space<vmem_shared>>
        tpu.wait_indirect_dma semaphore(%run_scoped3A_113 : memref<!tpu.dma_semaphore, #tpu.memory_space<semaphore_mem>>) src(%arg8 : memref<125x64xf32, #tpu.memory_space<vmem>>) dst(%dma_wait3A_125 : memref<10240x64xf32, #tpu.memory_space<vmem_shared>>)
        tpu.yield
      }) : () -> ()
      %add3A_76 = arith.constant 4 : i32
      %add3A_77 = arith.addi %add3A_69, %add3A_76 : i32
      %lt3A_78 = arith.constant 80 : i32
      %lt3A_79 = arith.cmpi slt, %add3A_77, %lt3A_78 : i32
      %convert_element_type3A_80 = arith.extui %lt3A_79 : i1 to i32
      %cond3A_81 = arith.constant 0 : i32
      %cond3A_82 = arith.cmpi ne, %convert_element_type3A_80, %cond3A_81 : i32
      scf.if %cond3A_82 {
        %add3A_113 = arith.constant 4 : i32
        %add3A_114 = arith.addi %add3A_69, %add3A_113 : i32
        %dma_start3A_115 = arith.constant 0 : i32
        %dma_start3A_116 = tpu.memref_slice %arg5[%add3A_114, %dma_start3A_115] : memref<80x125xi32, #tpu.memory_space<vmem>> -> memref<1x125xi32, #tpu.memory_space<vmem>>
        %dma_start3A_117 = tpu.memref_squeeze %dma_start3A_116 : memref<1x125xi32, #tpu.memory_space<vmem>> -> memref<125xi32, #tpu.memory_space<vmem>>
        %dma_start3A_118 = arith.constant 0 : i32
        %dma_start3A_119 = arith.constant 0 : i32
        %dma_start3A_120 = tpu.memref_slice %arg2[%dma_start3A_118, %dma_start3A_119] : memref<10000x64xf32, #tpu.memory_space<hbm>> -> memref<10000x64xf32, #tpu.memory_space<hbm>>
        tpu.enqueue_indirect_dma source(%dma_start3A_120 : memref<10000x64xf32, #tpu.memory_space<hbm>>) target(%arg8 : memref<125x64xf32, #tpu.memory_space<vmem>>) offsets(%dma_start3A_117 : memref<125xi32, #tpu.memory_space<vmem>>) semaphore(%arg12 : memref<!tpu.dma_semaphore, #tpu.memory_space<semaphore_mem>>)
      } else {
      }
      %add3A_83 = arith.constant 2 : i32
      %add3A_84 = arith.addi %add3A_56, %add3A_83 : i32
      %dma_wait3A_85 = arith.constant 0 : i32
      %dma_wait3A_86 = tpu.memref_slice %arg5[%add3A_84, %dma_wait3A_85] : memref<80x125xi32, #tpu.memory_space<vmem>> -> memref<1x125xi32, #tpu.memory_space<vmem>>
      %dma_wait3A_87 = tpu.memref_squeeze %dma_wait3A_86 : memref<1x125xi32, #tpu.memory_space<vmem>> -> memref<125xi32, #tpu.memory_space<vmem>>
      %dma_wait3A_88 = arith.constant 0 : i32
      %dma_wait3A_89 = arith.constant 0 : i32
      %dma_wait3A_90 = tpu.memref_slice %arg2[%dma_wait3A_88, %dma_wait3A_89] : memref<10000x64xf32, #tpu.memory_space<hbm>> -> memref<10000x64xf32, #tpu.memory_space<hbm>>
      tpu.wait_indirect_dma semaphore(%arg13 : memref<!tpu.dma_semaphore, #tpu.memory_space<semaphore_mem>>) src(%dma_wait3A_90 : memref<10000x64xf32, #tpu.memory_space<hbm>>) dst(%arg9 : memref<125x64xf32, #tpu.memory_space<vmem>>)
      "tpu.region"() ({
        %run_scoped3A_113 = tpu.sem_alloc : memref<!tpu.dma_semaphore, #tpu.memory_space<semaphore_mem>>
        %dma_start3A_114 = arith.constant 0 : i32
        %dma_start3A_115 = tpu.memref_slice %arg6[%add3A_84, %dma_start3A_114] : memref<80x125xi32, #tpu.memory_space<vmem>> -> memref<1x125xi32, #tpu.memory_space<vmem>>
        %dma_start3A_116 = tpu.memref_squeeze %dma_start3A_115 : memref<1x125xi32, #tpu.memory_space<vmem>> -> memref<125xi32, #tpu.memory_space<vmem>>
        %dma_start3A_117 = arith.constant 0 : i32
        %dma_start3A_118 = arith.constant 0 : i32
        %dma_start3A_119 = tpu.memref_slice %arg15[%dma_start3A_117, %dma_start3A_118] : memref<10240x64xf32, #tpu.memory_space<vmem_shared>> -> memref<10240x64xf32, #tpu.memory_space<vmem_shared>>
        tpu.enqueue_indirect_dma source(%arg9 : memref<125x64xf32, #tpu.memory_space<vmem>>) target(%dma_start3A_119 : memref<10240x64xf32, #tpu.memory_space<vmem_shared>>) offsets(%dma_start3A_116 : memref<125xi32, #tpu.memory_space<vmem>>) semaphore(%run_scoped3A_113 : memref<!tpu.dma_semaphore, #tpu.memory_space<semaphore_mem>>) {add = true}
        %dma_wait3A_120 = arith.constant 0 : i32
        %dma_wait3A_121 = tpu.memref_slice %arg6[%add3A_84, %dma_wait3A_120] : memref<80x125xi32, #tpu.memory_space<vmem>> -> memref<1x125xi32, #tpu.memory_space<vmem>>
        %dma_wait3A_122 = tpu.memref_squeeze %dma_wait3A_121 : memref<1x125xi32, #tpu.memory_space<vmem>> -> memref<125xi32, #tpu.memory_space<vmem>>
        %dma_wait3A_123 = arith.constant 0 : i32
        %dma_wait3A_124 = arith.constant 0 : i32
        %dma_wait3A_125 = tpu.memref_slice %arg15[%dma_wait3A_123, %dma_wait3A_124] : memref<10240x64xf32, #tpu.memory_space<vmem_shared>> -> memref<10240x64xf32, #tpu.memory_space<vmem_shared>>
        tpu.wait_indirect_dma semaphore(%run_scoped3A_113 : memref<!tpu.dma_semaphore, #tpu.memory_space<semaphore_mem>>) src(%arg9 : memref<125x64xf32, #tpu.memory_space<vmem>>) dst(%dma_wait3A_125 : memref<10240x64xf32, #tpu.memory_space<vmem_shared>>)
        tpu.yield
      }) : () -> ()
      %add3A_91 = arith.constant 4 : i32
      %add3A_92 = arith.addi %add3A_84, %add3A_91 : i32
      %lt3A_93 = arith.constant 80 : i32
      %lt3A_94 = arith.cmpi slt, %add3A_92, %lt3A_93 : i32
      %convert_element_type3A_95 = arith.extui %lt3A_94 : i1 to i32
      %cond3A_96 = arith.constant 0 : i32
      %cond3A_97 = arith.cmpi ne, %convert_element_type3A_95, %cond3A_96 : i32
      scf.if %cond3A_97 {
        %add3A_113 = arith.constant 4 : i32
        %add3A_114 = arith.addi %add3A_84, %add3A_113 : i32
        %dma_start3A_115 = arith.constant 0 : i32
        %dma_start3A_116 = tpu.memref_slice %arg5[%add3A_114, %dma_start3A_115] : memref<80x125xi32, #tpu.memory_space<vmem>> -> memref<1x125xi32, #tpu.memory_space<vmem>>
        %dma_start3A_117 = tpu.memref_squeeze %dma_start3A_116 : memref<1x125xi32, #tpu.memory_space<vmem>> -> memref<125xi32, #tpu.memory_space<vmem>>
        %dma_start3A_118 = arith.constant 0 : i32
        %dma_start3A_119 = arith.constant 0 : i32
        %dma_start3A_120 = tpu.memref_slice %arg2[%dma_start3A_118, %dma_start3A_119] : memref<10000x64xf32, #tpu.memory_space<hbm>> -> memref<10000x64xf32, #tpu.memory_space<hbm>>
        tpu.enqueue_indirect_dma source(%dma_start3A_120 : memref<10000x64xf32, #tpu.memory_space<hbm>>) target(%arg9 : memref<125x64xf32, #tpu.memory_space<vmem>>) offsets(%dma_start3A_117 : memref<125xi32, #tpu.memory_space<vmem>>) semaphore(%arg13 : memref<!tpu.dma_semaphore, #tpu.memory_space<semaphore_mem>>)
      } else {
      }
      %add3A_98 = arith.constant 3 : i32
      %add3A_99 = arith.addi %add3A_56, %add3A_98 : i32
      %dma_wait3A_100 = arith.constant 0 : i32
      %dma_wait3A_101 = tpu.memref_slice %arg5[%add3A_99, %dma_wait3A_100] : memref<80x125xi32, #tpu.memory_space<vmem>> -> memref<1x125xi32, #tpu.memory_space<vmem>>
      %dma_wait3A_102 = tpu.memref_squeeze %dma_wait3A_101 : memref<1x125xi32, #tpu.memory_space<vmem>> -> memref<125xi32, #tpu.memory_space<vmem>>
      %dma_wait3A_103 = arith.constant 0 : i32
      %dma_wait3A_104 = arith.constant 0 : i32
      %dma_wait3A_105 = tpu.memref_slice %arg2[%dma_wait3A_103, %dma_wait3A_104] : memref<10000x64xf32, #tpu.memory_space<hbm>> -> memref<10000x64xf32, #tpu.memory_space<hbm>>
      tpu.wait_indirect_dma semaphore(%arg14 : memref<!tpu.dma_semaphore, #tpu.memory_space<semaphore_mem>>) src(%dma_wait3A_105 : memref<10000x64xf32, #tpu.memory_space<hbm>>) dst(%arg10 : memref<125x64xf32, #tpu.memory_space<vmem>>)
      "tpu.region"() ({
        %run_scoped3A_113 = tpu.sem_alloc : memref<!tpu.dma_semaphore, #tpu.memory_space<semaphore_mem>>
        %dma_start3A_114 = arith.constant 0 : i32
        %dma_start3A_115 = tpu.memref_slice %arg6[%add3A_99, %dma_start3A_114] : memref<80x125xi32, #tpu.memory_space<vmem>> -> memref<1x125xi32, #tpu.memory_space<vmem>>
        %dma_start3A_116 = tpu.memref_squeeze %dma_start3A_115 : memref<1x125xi32, #tpu.memory_space<vmem>> -> memref<125xi32, #tpu.memory_space<vmem>>
        %dma_start3A_117 = arith.constant 0 : i32
        %dma_start3A_118 = arith.constant 0 : i32
        %dma_start3A_119 = tpu.memref_slice %arg15[%dma_start3A_117, %dma_start3A_118] : memref<10240x64xf32, #tpu.memory_space<vmem_shared>> -> memref<10240x64xf32, #tpu.memory_space<vmem_shared>>
        tpu.enqueue_indirect_dma source(%arg10 : memref<125x64xf32, #tpu.memory_space<vmem>>) target(%dma_start3A_119 : memref<10240x64xf32, #tpu.memory_space<vmem_shared>>) offsets(%dma_start3A_116 : memref<125xi32, #tpu.memory_space<vmem>>) semaphore(%run_scoped3A_113 : memref<!tpu.dma_semaphore, #tpu.memory_space<semaphore_mem>>) {add = true}
        %dma_wait3A_120 = arith.constant 0 : i32
        %dma_wait3A_121 = tpu.memref_slice %arg6[%add3A_99, %dma_wait3A_120] : memref<80x125xi32, #tpu.memory_space<vmem>> -> memref<1x125xi32, #tpu.memory_space<vmem>>
        %dma_wait3A_122 = tpu.memref_squeeze %dma_wait3A_121 : memref<1x125xi32, #tpu.memory_space<vmem>> -> memref<125xi32, #tpu.memory_space<vmem>>
        %dma_wait3A_123 = arith.constant 0 : i32
        %dma_wait3A_124 = arith.constant 0 : i32
        %dma_wait3A_125 = tpu.memref_slice %arg15[%dma_wait3A_123, %dma_wait3A_124] : memref<10240x64xf32, #tpu.memory_space<vmem_shared>> -> memref<10240x64xf32, #tpu.memory_space<vmem_shared>>
        tpu.wait_indirect_dma semaphore(%run_scoped3A_113 : memref<!tpu.dma_semaphore, #tpu.memory_space<semaphore_mem>>) src(%arg10 : memref<125x64xf32, #tpu.memory_space<vmem>>) dst(%dma_wait3A_125 : memref<10240x64xf32, #tpu.memory_space<vmem_shared>>)
        tpu.yield
      }) : () -> ()
      %add3A_106 = arith.constant 4 : i32
      %add3A_107 = arith.addi %add3A_99, %add3A_106 : i32
      %lt3A_108 = arith.constant 80 : i32
      %lt3A_109 = arith.cmpi slt, %add3A_107, %lt3A_108 : i32
      %convert_element_type3A_110 = arith.extui %lt3A_109 : i1 to i32
      %cond3A_111 = arith.constant 0 : i32
      %cond3A_112 = arith.cmpi ne, %convert_element_type3A_110, %cond3A_111 : i32
      scf.if %cond3A_112 {
        %add3A_113 = arith.constant 4 : i32
        %add3A_114 = arith.addi %add3A_99, %add3A_113 : i32
        %dma_start3A_115 = arith.constant 0 : i32
        %dma_start3A_116 = tpu.memref_slice %arg5[%add3A_114, %dma_start3A_115] : memref<80x125xi32, #tpu.memory_space<vmem>> -> memref<1x125xi32, #tpu.memory_space<vmem>>
        %dma_start3A_117 = tpu.memref_squeeze %dma_start3A_116 : memref<1x125xi32, #tpu.memory_space<vmem>> -> memref<125xi32, #tpu.memory_space<vmem>>
        %dma_start3A_118 = arith.constant 0 : i32
        %dma_start3A_119 = arith.constant 0 : i32
        %dma_start3A_120 = tpu.memref_slice %arg2[%dma_start3A_118, %dma_start3A_119] : memref<10000x64xf32, #tpu.memory_space<hbm>> -> memref<10000x64xf32, #tpu.memory_space<hbm>>
        tpu.enqueue_indirect_dma source(%dma_start3A_120 : memref<10000x64xf32, #tpu.memory_space<hbm>>) target(%arg10 : memref<125x64xf32, #tpu.memory_space<vmem>>) offsets(%dma_start3A_117 : memref<125xi32, #tpu.memory_space<vmem>>) semaphore(%arg14 : memref<!tpu.dma_semaphore, #tpu.memory_space<semaphore_mem>>)
      } else {
      }
    }
    %scan3A_50 = arith.constant 20 : i32
    %barrier3A_51 = arith.constant 0 : index
    tpu.barrier barrier_id(%barrier3A_51)
    "tpu.region"() ({
      %run_scoped3A_52 = tpu.sem_alloc : memref<!tpu.dma_semaphore, #tpu.memory_space<semaphore_mem>>
      %dma_start3A_53 = arith.constant 0 : i32
      %dma_start3A_54 = arith.constant 0 : i32
      %dma_start3A_55 = tpu.memref_slice %arg4[%arg0, %dma_start3A_53, %dma_start3A_54] : memref<2x10240x64xf32, #tpu.memory_space<hbm>> -> memref<1x10240x64xf32, #tpu.memory_space<hbm>>
      %dma_start3A_56 = tpu.memref_squeeze %dma_start3A_55 : memref<1x10240x64xf32, #tpu.memory_space<hbm>> -> memref<10240x64xf32, #tpu.memory_space<hbm>>
      %dma_start3A_57 = arith.constant 0 : i32
      %dma_start3A_58 = tpu.memref_slice %dma_start3A_56[%mul3A_11, %dma_start3A_57] : memref<10240x64xf32, #tpu.memory_space<hbm>> -> memref<640x64xf32, #tpu.memory_space<hbm>>
      %dma_start3A_59 = arith.constant 0 : i32
      %dma_start3A_60 = tpu.memref_slice %arg15[%mul3A_11, %dma_start3A_59] : memref<10240x64xf32, #tpu.memory_space<vmem_shared>> -> memref<640x64xf32, #tpu.memory_space<vmem_shared>>
      tpu.enqueue_dma source(%dma_start3A_60 : memref<640x64xf32, #tpu.memory_space<vmem_shared>>) target(%dma_start3A_58 : memref<640x64xf32, #tpu.memory_space<hbm>>) target_semaphore(%run_scoped3A_52 : memref<!tpu.dma_semaphore, #tpu.memory_space<semaphore_mem>>)
      %dma_wait3A = arith.constant 0 : i32
      %dma_wait3A_61 = arith.constant 0 : i32
      %dma_wait3A_62 = tpu.memref_slice %arg4[%arg0, %dma_wait3A, %dma_wait3A_61] : memref<2x10240x64xf32, #tpu.memory_space<hbm>> -> memref<1x10240x64xf32, #tpu.memory_space<hbm>>
      %dma_wait3A_63 = tpu.memref_squeeze %dma_wait3A_62 : memref<1x10240x64xf32, #tpu.memory_space<hbm>> -> memref<10240x64xf32, #tpu.memory_space<hbm>>
      %dma_wait3A_64 = arith.constant 0 : i32
      %dma_wait3A_65 = tpu.memref_slice %dma_wait3A_63[%mul3A_11, %dma_wait3A_64] : memref<10240x64xf32, #tpu.memory_space<hbm>> -> memref<640x64xf32, #tpu.memory_space<hbm>>
      %dma_wait3A_66 = arith.constant 0 : i32
      %dma_wait3A_67 = tpu.memref_slice %arg15[%mul3A_11, %dma_wait3A_66] : memref<10240x64xf32, #tpu.memory_space<vmem_shared>> -> memref<640x64xf32, #tpu.memory_space<vmem_shared>>
      tpu.wait_dma2 semaphore(%run_scoped3A_52 : memref<!tpu.dma_semaphore, #tpu.memory_space<semaphore_mem>>) src(%dma_wait3A_67 : memref<640x64xf32, #tpu.memory_space<vmem_shared>>) dst(%dma_wait3A_65 : memref<640x64xf32, #tpu.memory_space<hbm>>)
      tpu.yield
    }) : () -> ()
    return
  }
}

#map = affine_map<(d0, d1) -> (0, 0)>
#map1 = affine_map<(d0, d1) -> (0, 0, 0)>
module attributes {stable_mosaic.version = 14 : i64} {
  func.func @edge_kernel(%arg0: i32, %arg1: i32, %arg2: memref<10000x64xf32, #tpu.memory_space<hbm>>, %arg3: memref<2x2560x125xi32, #tpu.memory_space<hbm>>, %arg4: memref<2x10240x64xf32, #tpu.memory_space<hbm>>, %arg5: memref<80x125xi32, #tpu.memory_space<vmem>>, %arg6: memref<80x125xi32, #tpu.memory_space<vmem>>, %arg7: memref<125x64xf32, #tpu.memory_space<vmem>>, %arg8: memref<125x64xf32, #tpu.memory_space<vmem>>, %arg9: memref<125x64xf32, #tpu.memory_space<vmem>>, %arg10: memref<125x64xf32, #tpu.memory_space<vmem>>, %arg11: memref<!tpu.dma_semaphore, #tpu.memory_space<semaphore_mem>>, %arg12: memref<!tpu.dma_semaphore, #tpu.memory_space<semaphore_mem>>, %arg13: memref<!tpu.dma_semaphore, #tpu.memory_space<semaphore_mem>>, %arg14: memref<!tpu.dma_semaphore, #tpu.memory_space<semaphore_mem>>, %arg15: memref<10240x64xf32, #tpu.memory_space<vmem_shared>>) attributes {dimension_semantics = [#tpu.dimension_semantics<core_parallel>, #tpu.dimension_semantics<subcore_parallel>], iteration_bounds = array<i64: 2, 16>, scalar_prefetch = 0 : i64, scratch_operands = 11 : i64, tpu.core_type = #tpu.core_type<sc_vector_subcore>, window_params = [{transform_indices = #map}, {transform_indices = #map1}, {transform_indices = #map1}]} {
    %mul3A = arith.constant 2 : i32
    %mul3A_0 = arith.muli %arg1, %mul3A : i32
    %add3A = arith.addi %mul3A_0, %arg0 : i32
    %mul3A_1 = arith.constant 80 : i32
    %mul3A_2 = arith.muli %add3A, %mul3A_1 : i32
    %run_scoped3A = arith.constant 0 : i32
    "tpu.region"() ({
      %run_scoped3A_52 = tpu.sem_alloc : memref<!tpu.dma_semaphore, #tpu.memory_space<semaphore_mem>>
      %dma_start3A_53 = arith.constant 0 : i32
      %dma_start3A_54 = arith.constant 0 : i32
      %dma_start3A_55 = tpu.memref_slice %arg3[%run_scoped3A, %dma_start3A_53, %dma_start3A_54] : memref<2x2560x125xi32, #tpu.memory_space<hbm>> -> memref<1x2560x125xi32, #tpu.memory_space<hbm>>
      %dma_start3A_56 = tpu.memref_squeeze %dma_start3A_55 : memref<1x2560x125xi32, #tpu.memory_space<hbm>> -> memref<2560x125xi32, #tpu.memory_space<hbm>>
      %dma_start3A_57 = arith.constant 0 : i32
      %dma_start3A_58 = tpu.memref_slice %dma_start3A_56[%mul3A_2, %dma_start3A_57] : memref<2560x125xi32, #tpu.memory_space<hbm>> -> memref<80x125xi32, #tpu.memory_space<hbm>>
      %dma_start3A_59 = arith.constant 0 : i32
      %dma_start3A_60 = arith.constant 0 : i32
      %dma_start3A_61 = tpu.memref_slice %arg3[%run_scoped3A, %dma_start3A_59, %dma_start3A_60] : memref<2x2560x125xi32, #tpu.memory_space<hbm>> -> memref<1x2560x125xi32, #tpu.memory_space<hbm>>
      %dma_start3A_62 = tpu.memref_squeeze %dma_start3A_61 : memref<1x2560x125xi32, #tpu.memory_space<hbm>> -> memref<2560x125xi32, #tpu.memory_space<hbm>>
      %dma_start3A_63 = arith.constant 0 : i32
      %dma_start3A_64 = tpu.memref_slice %dma_start3A_62[%mul3A_2, %dma_start3A_63] : memref<2560x125xi32, #tpu.memory_space<hbm>> -> memref<80x125xi32, #tpu.memory_space<hbm>>
      tpu.enqueue_dma source(%dma_start3A_64 : memref<80x125xi32, #tpu.memory_space<hbm>>) target(%arg5 : memref<80x125xi32, #tpu.memory_space<vmem>>) target_semaphore(%run_scoped3A_52 : memref<!tpu.dma_semaphore, #tpu.memory_space<semaphore_mem>>)
      %dma_wait3A = arith.constant 0 : i32
      %dma_wait3A_65 = arith.constant 0 : i32
      %dma_wait3A_66 = tpu.memref_slice %arg3[%run_scoped3A, %dma_wait3A, %dma_wait3A_65] : memref<2x2560x125xi32, #tpu.memory_space<hbm>> -> memref<1x2560x125xi32, #tpu.memory_space<hbm>>
      %dma_wait3A_67 = tpu.memref_squeeze %dma_wait3A_66 : memref<1x2560x125xi32, #tpu.memory_space<hbm>> -> memref<2560x125xi32, #tpu.memory_space<hbm>>
      %dma_wait3A_68 = arith.constant 0 : i32
      %dma_wait3A_69 = tpu.memref_slice %dma_wait3A_67[%mul3A_2, %dma_wait3A_68] : memref<2560x125xi32, #tpu.memory_space<hbm>> -> memref<80x125xi32, #tpu.memory_space<hbm>>
      %dma_wait3A_70 = arith.constant 0 : i32
      %dma_wait3A_71 = arith.constant 0 : i32
      %dma_wait3A_72 = tpu.memref_slice %arg3[%run_scoped3A, %dma_wait3A_70, %dma_wait3A_71] : memref<2x2560x125xi32, #tpu.memory_space<hbm>> -> memref<1x2560x125xi32, #tpu.memory_space<hbm>>
      %dma_wait3A_73 = tpu.memref_squeeze %dma_wait3A_72 : memref<1x2560x125xi32, #tpu.memory_space<hbm>> -> memref<2560x125xi32, #tpu.memory_space<hbm>>
      %dma_wait3A_74 = arith.constant 0 : i32
      %dma_wait3A_75 = tpu.memref_slice %dma_wait3A_73[%mul3A_2, %dma_wait3A_74] : memref<2560x125xi32, #tpu.memory_space<hbm>> -> memref<80x125xi32, #tpu.memory_space<hbm>>
      tpu.wait_dma2 semaphore(%run_scoped3A_52 : memref<!tpu.dma_semaphore, #tpu.memory_space<semaphore_mem>>) src(%dma_wait3A_75 : memref<80x125xi32, #tpu.memory_space<hbm>>) dst(%arg5 : memref<80x125xi32, #tpu.memory_space<vmem>>)
      tpu.yield
    }) : () -> ()
    %mul3A_3 = arith.constant 80 : i32
    %mul3A_4 = arith.muli %add3A, %mul3A_3 : i32
    %run_scoped3A_5 = arith.constant 1 : i32
    "tpu.region"() ({
      %run_scoped3A_52 = tpu.sem_alloc : memref<!tpu.dma_semaphore, #tpu.memory_space<semaphore_mem>>
      %dma_start3A_53 = arith.constant 0 : i32
      %dma_start3A_54 = arith.constant 0 : i32
      %dma_start3A_55 = tpu.memref_slice %arg3[%run_scoped3A_5, %dma_start3A_53, %dma_start3A_54] : memref<2x2560x125xi32, #tpu.memory_space<hbm>> -> memref<1x2560x125xi32, #tpu.memory_space<hbm>>
      %dma_start3A_56 = tpu.memref_squeeze %dma_start3A_55 : memref<1x2560x125xi32, #tpu.memory_space<hbm>> -> memref<2560x125xi32, #tpu.memory_space<hbm>>
      %dma_start3A_57 = arith.constant 0 : i32
      %dma_start3A_58 = tpu.memref_slice %dma_start3A_56[%mul3A_4, %dma_start3A_57] : memref<2560x125xi32, #tpu.memory_space<hbm>> -> memref<80x125xi32, #tpu.memory_space<hbm>>
      %dma_start3A_59 = arith.constant 0 : i32
      %dma_start3A_60 = arith.constant 0 : i32
      %dma_start3A_61 = tpu.memref_slice %arg3[%run_scoped3A_5, %dma_start3A_59, %dma_start3A_60] : memref<2x2560x125xi32, #tpu.memory_space<hbm>> -> memref<1x2560x125xi32, #tpu.memory_space<hbm>>
      %dma_start3A_62 = tpu.memref_squeeze %dma_start3A_61 : memref<1x2560x125xi32, #tpu.memory_space<hbm>> -> memref<2560x125xi32, #tpu.memory_space<hbm>>
      %dma_start3A_63 = arith.constant 0 : i32
      %dma_start3A_64 = tpu.memref_slice %dma_start3A_62[%mul3A_4, %dma_start3A_63] : memref<2560x125xi32, #tpu.memory_space<hbm>> -> memref<80x125xi32, #tpu.memory_space<hbm>>
      tpu.enqueue_dma source(%dma_start3A_64 : memref<80x125xi32, #tpu.memory_space<hbm>>) target(%arg6 : memref<80x125xi32, #tpu.memory_space<vmem>>) target_semaphore(%run_scoped3A_52 : memref<!tpu.dma_semaphore, #tpu.memory_space<semaphore_mem>>)
      %dma_wait3A = arith.constant 0 : i32
      %dma_wait3A_65 = arith.constant 0 : i32
      %dma_wait3A_66 = tpu.memref_slice %arg3[%run_scoped3A_5, %dma_wait3A, %dma_wait3A_65] : memref<2x2560x125xi32, #tpu.memory_space<hbm>> -> memref<1x2560x125xi32, #tpu.memory_space<hbm>>
      %dma_wait3A_67 = tpu.memref_squeeze %dma_wait3A_66 : memref<1x2560x125xi32, #tpu.memory_space<hbm>> -> memref<2560x125xi32, #tpu.memory_space<hbm>>
      %dma_wait3A_68 = arith.constant 0 : i32
      %dma_wait3A_69 = tpu.memref_slice %dma_wait3A_67[%mul3A_4, %dma_wait3A_68] : memref<2560x125xi32, #tpu.memory_space<hbm>> -> memref<80x125xi32, #tpu.memory_space<hbm>>
      %dma_wait3A_70 = arith.constant 0 : i32
      %dma_wait3A_71 = arith.constant 0 : i32
      %dma_wait3A_72 = tpu.memref_slice %arg3[%run_scoped3A_5, %dma_wait3A_70, %dma_wait3A_71] : memref<2x2560x125xi32, #tpu.memory_space<hbm>> -> memref<1x2560x125xi32, #tpu.memory_space<hbm>>
      %dma_wait3A_73 = tpu.memref_squeeze %dma_wait3A_72 : memref<1x2560x125xi32, #tpu.memory_space<hbm>> -> memref<2560x125xi32, #tpu.memory_space<hbm>>
      %dma_wait3A_74 = arith.constant 0 : i32
      %dma_wait3A_75 = tpu.memref_slice %dma_wait3A_73[%mul3A_4, %dma_wait3A_74] : memref<2560x125xi32, #tpu.memory_space<hbm>> -> memref<80x125xi32, #tpu.memory_space<hbm>>
      tpu.wait_dma2 semaphore(%run_scoped3A_52 : memref<!tpu.dma_semaphore, #tpu.memory_space<semaphore_mem>>) src(%dma_wait3A_75 : memref<80x125xi32, #tpu.memory_space<hbm>>) dst(%arg6 : memref<80x125xi32, #tpu.memory_space<vmem>>)
      tpu.yield
    }) : () -> ()
    %scan3A = arith.constant 0 : i32
    %scan3A_6 = arith.constant 125 : i32
    %scan3A_7 = arith.addi %scan3A, %scan3A_6 : i32
    %scan3A_8 = arith.constant 1 : i32
    scf.for %scan3A_52 = %scan3A to %scan3A_7 step %scan3A_8  : i32 {
      %mul3A_53 = arith.constant 1 : i32
      %mul3A_54 = arith.muli %scan3A_52, %mul3A_53 : i32
      %add3A_55 = arith.constant 0 : i32
      %add3A_56 = arith.addi %add3A_55, %mul3A_54 : i32
      %scan3A_57 = arith.constant 0 : i32
      %scan3A_58 = arith.constant 4 : i32
      %scan3A_59 = arith.addi %scan3A_57, %scan3A_58 : i32
      %scan3A_60 = arith.constant 1 : i32
      scf.for %scan3A_62 = %scan3A_57 to %scan3A_59 step %scan3A_60  : i32 {
        %mul3A_63 = arith.constant 16 : i32
        %mul3A_64 = arith.muli %scan3A_62, %mul3A_63 : i32
        %add3A_65 = arith.constant 0 : i32
        %add3A_66 = arith.addi %add3A_65, %mul3A_64 : i32
        %broadcast_in_dim3A = arith.constant 0.000000e+00 : f32
        %broadcast_in_dim3A_67 = vector.broadcast %broadcast_in_dim3A : f32 to vector<16xf32>
        %swap3A = arith.index_cast %add3A_56 : i32 to index
        %swap3A_68 = arith.index_cast %add3A_66 : i32 to index
        %swap3A_69 = tpu.vector_load %arg7[%swap3A, %swap3A_68] {strides = array<i32>} : memref<125x64xf32, #tpu.memory_space<vmem>>, vector<1x16xf32>,
        %swap3A_70 = vector.shape_cast %swap3A_69 : vector<1x16xf32> to vector<16xf32>
        %swap3A_71 = vector.shape_cast %broadcast_in_dim3A_67 : vector<16xf32> to vector<1x16xf32>
        tpu.vector_store %arg7[%swap3A, %swap3A_68], %swap3A_71 {strides = array<i32>} : memref<125x64xf32, #tpu.memory_space<vmem>>, vector<1x16xf32>,
      }
      %scan3A_61 = arith.constant 4 : i32
    }
    %scan3A_9 = arith.constant 125 : i32
    %mul3A_10 = arith.constant 640 : i32
    %mul3A_11 = arith.muli %arg1, %mul3A_10 : i32
    %scan3A_12 = arith.constant 0 : i32
    %scan3A_13 = arith.constant 5 : i32
    %scan3A_14 = arith.addi %scan3A_12, %scan3A_13 : i32
    %scan3A_15 = arith.constant 1 : i32
    scf.for %scan3A_52 = %scan3A_12 to %scan3A_14 step %scan3A_15  : i32 {
      %mul3A_53 = arith.constant 1 : i32
      %mul3A_54 = arith.muli %scan3A_52, %mul3A_53 : i32
      %add3A_55 = arith.constant 0 : i32
      %add3A_56 = arith.addi %add3A_55, %mul3A_54 : i32
      %mul3A_57 = arith.constant 125 : i32
      %mul3A_58 = arith.muli %add3A_56, %mul3A_57 : i32
      %add3A_59 = arith.addi %mul3A_11, %mul3A_58 : i32
      "tpu.region"() ({
        %run_scoped3A_60 = tpu.sem_alloc : memref<!tpu.dma_semaphore, #tpu.memory_space<semaphore_mem>>
        %dma_start3A_61 = arith.constant 0 : i32
        %dma_start3A_62 = tpu.memref_slice %arg15[%add3A_59, %dma_start3A_61] : memref<10240x64xf32, #tpu.memory_space<vmem_shared>> -> memref<125x64xf32, #tpu.memory_space<vmem_shared>>
        %dma_start3A_63 = arith.constant 0 : i32
        %dma_start3A_64 = tpu.memref_slice %arg15[%add3A_59, %dma_start3A_63] : memref<10240x64xf32, #tpu.memory_space<vmem_shared>> -> memref<125x64xf32, #tpu.memory_space<vmem_shared>>
        tpu.enqueue_dma source(%arg7 : memref<125x64xf32, #tpu.memory_space<vmem>>) target(%dma_start3A_64 : memref<125x64xf32, #tpu.memory_space<vmem_shared>>) target_semaphore(%run_scoped3A_60 : memref<!tpu.dma_semaphore, #tpu.memory_space<semaphore_mem>>)
        %dma_wait3A = arith.constant 0 : i32
        %dma_wait3A_65 = tpu.memref_slice %arg15[%add3A_59, %dma_wait3A] : memref<10240x64xf32, #tpu.memory_space<vmem_shared>> -> memref<125x64xf32, #tpu.memory_space<vmem_shared>>
        %dma_wait3A_66 = arith.constant 0 : i32
        %dma_wait3A_67 = tpu.memref_slice %arg15[%add3A_59, %dma_wait3A_66] : memref<10240x64xf32, #tpu.memory_space<vmem_shared>> -> memref<125x64xf32, #tpu.memory_space<vmem_shared>>
        tpu.wait_dma2 semaphore(%run_scoped3A_60 : memref<!tpu.dma_semaphore, #tpu.memory_space<semaphore_mem>>) src(%arg7 : memref<125x64xf32, #tpu.memory_space<vmem>>) dst(%dma_wait3A_67 : memref<125x64xf32, #tpu.memory_space<vmem_shared>>)
        tpu.yield
      }) : () -> ()
    }
    %scan3A_16 = arith.constant 5 : i32
    %add3A_17 = arith.constant 625 : i32
    %add3A_18 = arith.addi %mul3A_11, %add3A_17 : i32
    "tpu.region"() ({
      %run_scoped3A_52 = tpu.sem_alloc : memref<!tpu.dma_semaphore, #tpu.memory_space<semaphore_mem>>
      %dma_start3A_53 = arith.constant 0 : i32
      %dma_start3A_54 = arith.constant 0 : i32
      %dma_start3A_55 = tpu.memref_slice %arg7[%dma_start3A_53, %dma_start3A_54] : memref<125x64xf32, #tpu.memory_space<vmem>> -> memref<15x64xf32, #tpu.memory_space<vmem>>
      %dma_start3A_56 = arith.constant 0 : i32
      %dma_start3A_57 = tpu.memref_slice %arg15[%add3A_18, %dma_start3A_56] : memref<10240x64xf32, #tpu.memory_space<vmem_shared>> -> memref<15x64xf32, #tpu.memory_space<vmem_shared>>
      %dma_start3A_58 = arith.constant 0 : i32
      %dma_start3A_59 = tpu.memref_slice %arg15[%add3A_18, %dma_start3A_58] : memref<10240x64xf32, #tpu.memory_space<vmem_shared>> -> memref<15x64xf32, #tpu.memory_space<vmem_shared>>
      %dma_start3A_60 = arith.constant 0 : i32
      %dma_start3A_61 = arith.constant 0 : i32
      %dma_start3A_62 = tpu.memref_slice %arg7[%dma_start3A_60, %dma_start3A_61] : memref<125x64xf32, #tpu.memory_space<vmem>> -> memref<15x64xf32, #tpu.memory_space<vmem>>
      tpu.enqueue_dma source(%dma_start3A_62 : memref<15x64xf32, #tpu.memory_space<vmem>>) target(%dma_start3A_59 : memref<15x64xf32, #tpu.memory_space<vmem_shared>>) target_semaphore(%run_scoped3A_52 : memref<!tpu.dma_semaphore, #tpu.memory_space<semaphore_mem>>)
      %dma_wait3A = arith.constant 0 : i32
      %dma_wait3A_63 = arith.constant 0 : i32
      %dma_wait3A_64 = tpu.memref_slice %arg7[%dma_wait3A, %dma_wait3A_63] : memref<125x64xf32, #tpu.memory_space<vmem>> -> memref<15x64xf32, #tpu.memory_space<vmem>>
      %dma_wait3A_65 = arith.constant 0 : i32
      %dma_wait3A_66 = tpu.memref_slice %arg15[%add3A_18, %dma_wait3A_65] : memref<10240x64xf32, #tpu.memory_space<vmem_shared>> -> memref<15x64xf32, #tpu.memory_space<vmem_shared>>
      %dma_wait3A_67 = arith.constant 0 : i32
      %dma_wait3A_68 = tpu.memref_slice %arg15[%add3A_18, %dma_wait3A_67] : memref<10240x64xf32, #tpu.memory_space<vmem_shared>> -> memref<15x64xf32, #tpu.memory_space<vmem_shared>>
      %dma_wait3A_69 = arith.constant 0 : i32
      %dma_wait3A_70 = arith.constant 0 : i32
      %dma_wait3A_71 = tpu.memref_slice %arg7[%dma_wait3A_69, %dma_wait3A_70] : memref<125x64xf32, #tpu.memory_space<vmem>> -> memref<15x64xf32, #tpu.memory_space<vmem>>
      tpu.wait_dma2 semaphore(%run_scoped3A_52 : memref<!tpu.dma_semaphore, #tpu.memory_space<semaphore_mem>>) src(%dma_wait3A_71 : memref<15x64xf32, #tpu.memory_space<vmem>>) dst(%dma_wait3A_68 : memref<15x64xf32, #tpu.memory_space<vmem_shared>>)
      tpu.yield
    }) : () -> ()
    %dma_start3A = arith.constant 0 : i32
    %dma_start3A_19 = arith.constant 0 : i32
    %dma_start3A_20 = tpu.memref_slice %arg5[%dma_start3A, %dma_start3A_19] : memref<80x125xi32, #tpu.memory_space<vmem>> -> memref<1x125xi32, #tpu.memory_space<vmem>>
    %dma_start3A_21 = tpu.memref_squeeze %dma_start3A_20 : memref<1x125xi32, #tpu.memory_space<vmem>> -> memref<125xi32, #tpu.memory_space<vmem>>
    %dma_start3A_22 = arith.constant 0 : i32
    %dma_start3A_23 = arith.constant 0 : i32
    %dma_start3A_24 = tpu.memref_slice %arg2[%dma_start3A_22, %dma_start3A_23] : memref<10000x64xf32, #tpu.memory_space<hbm>> -> memref<10000x64xf32, #tpu.memory_space<hbm>>
    tpu.enqueue_indirect_dma source(%dma_start3A_24 : memref<10000x64xf32, #tpu.memory_space<hbm>>) target(%arg7 : memref<125x64xf32, #tpu.memory_space<vmem>>) offsets(%dma_start3A_21 : memref<125xi32, #tpu.memory_space<vmem>>) semaphore(%arg11 : memref<!tpu.dma_semaphore, #tpu.memory_space<semaphore_mem>>)
    %dma_start3A_25 = arith.constant 1 : i32
    %dma_start3A_26 = arith.constant 0 : i32
    %dma_start3A_27 = tpu.memref_slice %arg5[%dma_start3A_25, %dma_start3A_26] : memref<80x125xi32, #tpu.memory_space<vmem>> -> memref<1x125xi32, #tpu.memory_space<vmem>>
    %dma_start3A_28 = tpu.memref_squeeze %dma_start3A_27 : memref<1x125xi32, #tpu.memory_space<vmem>> -> memref<125xi32, #tpu.memory_space<vmem>>
    %dma_start3A_29 = arith.constant 0 : i32
    %dma_start3A_30 = arith.constant 0 : i32
    %dma_start3A_31 = tpu.memref_slice %arg2[%dma_start3A_29, %dma_start3A_30] : memref<10000x64xf32, #tpu.memory_space<hbm>> -> memref<10000x64xf32, #tpu.memory_space<hbm>>
    tpu.enqueue_indirect_dma source(%dma_start3A_31 : memref<10000x64xf32, #tpu.memory_space<hbm>>) target(%arg8 : memref<125x64xf32, #tpu.memory_space<vmem>>) offsets(%dma_start3A_28 : memref<125xi32, #tpu.memory_space<vmem>>) semaphore(%arg12 : memref<!tpu.dma_semaphore, #tpu.memory_space<semaphore_mem>>)
    %dma_start3A_32 = arith.constant 2 : i32
    %dma_start3A_33 = arith.constant 0 : i32
    %dma_start3A_34 = tpu.memref_slice %arg5[%dma_start3A_32, %dma_start3A_33] : memref<80x125xi32, #tpu.memory_space<vmem>> -> memref<1x125xi32, #tpu.memory_space<vmem>>
    %dma_start3A_35 = tpu.memref_squeeze %dma_start3A_34 : memref<1x125xi32, #tpu.memory_space<vmem>> -> memref<125xi32, #tpu.memory_space<vmem>>
    %dma_start3A_36 = arith.constant 0 : i32
    %dma_start3A_37 = arith.constant 0 : i32
    %dma_start3A_38 = tpu.memref_slice %arg2[%dma_start3A_36, %dma_start3A_37] : memref<10000x64xf32, #tpu.memory_space<hbm>> -> memref<10000x64xf32, #tpu.memory_space<hbm>>
    tpu.enqueue_indirect_dma source(%dma_start3A_38 : memref<10000x64xf32, #tpu.memory_space<hbm>>) target(%arg9 : memref<125x64xf32, #tpu.memory_space<vmem>>) offsets(%dma_start3A_35 : memref<125xi32, #tpu.memory_space<vmem>>) semaphore(%arg13 : memref<!tpu.dma_semaphore, #tpu.memory_space<semaphore_mem>>)
    %dma_start3A_39 = arith.constant 3 : i32
    %dma_start3A_40 = arith.constant 0 : i32
    %dma_start3A_41 = tpu.memref_slice %arg5[%dma_start3A_39, %dma_start3A_40] : memref<80x125xi32, #tpu.memory_space<vmem>> -> memref<1x125xi32, #tpu.memory_space<vmem>>
    %dma_start3A_42 = tpu.memref_squeeze %dma_start3A_41 : memref<1x125xi32, #tpu.memory_space<vmem>> -> memref<125xi32, #tpu.memory_space<vmem>>
    %dma_start3A_43 = arith.constant 0 : i32
    %dma_start3A_44 = arith.constant 0 : i32
    %dma_start3A_45 = tpu.memref_slice %arg2[%dma_start3A_43, %dma_start3A_44] : memref<10000x64xf32, #tpu.memory_space<hbm>> -> memref<10000x64xf32, #tpu.memory_space<hbm>>
    tpu.enqueue_indirect_dma source(%dma_start3A_45 : memref<10000x64xf32, #tpu.memory_space<hbm>>) target(%arg10 : memref<125x64xf32, #tpu.memory_space<vmem>>) offsets(%dma_start3A_42 : memref<125xi32, #tpu.memory_space<vmem>>) semaphore(%arg14 : memref<!tpu.dma_semaphore, #tpu.memory_space<semaphore_mem>>)
    %barrier3A = arith.constant 0 : index
    tpu.barrier barrier_id(%barrier3A)
    %scan3A_46 = arith.constant 0 : i32
    %scan3A_47 = arith.constant 20 : i32
    %scan3A_48 = arith.addi %scan3A_46, %scan3A_47 : i32
    %scan3A_49 = arith.constant 1 : i32
    scf.for %scan3A_52 = %scan3A_46 to %scan3A_48 step %scan3A_49  : i32 {
      %mul3A_53 = arith.constant 4 : i32
      %mul3A_54 = arith.muli %scan3A_52, %mul3A_53 : i32
      %add3A_55 = arith.constant 0 : i32
      %add3A_56 = arith.addi %add3A_55, %mul3A_54 : i32
      %add3A_57 = arith.constant 0 : i32
      %add3A_58 = arith.addi %add3A_56, %add3A_57 : i32
      %dma_wait3A = arith.constant 0 : i32
      %dma_wait3A_59 = tpu.memref_slice %arg5[%add3A_58, %dma_wait3A] : memref<80x125xi32, #tpu.memory_space<vmem>> -> memref<1x125xi32, #tpu.memory_space<vmem>>
      %dma_wait3A_60 = tpu.memref_squeeze %dma_wait3A_59 : memref<1x125xi32, #tpu.memory_space<vmem>> -> memref<125xi32, #tpu.memory_space<vmem>>
      %dma_wait3A_61 = arith.constant 0 : i32
      %dma_wait3A_62 = arith.constant 0 : i32
      %dma_wait3A_63 = tpu.memref_slice %arg2[%dma_wait3A_61, %dma_wait3A_62] : memref<10000x64xf32, #tpu.memory_space<hbm>> -> memref<10000x64xf32, #tpu.memory_space<hbm>>
      tpu.wait_indirect_dma semaphore(%arg11 : memref<!tpu.dma_semaphore, #tpu.memory_space<semaphore_mem>>) src(%dma_wait3A_63 : memref<10000x64xf32, #tpu.memory_space<hbm>>) dst(%arg7 : memref<125x64xf32, #tpu.memory_space<vmem>>)
      "tpu.region"() ({
        %run_scoped3A_113 = tpu.sem_alloc : memref<!tpu.dma_semaphore, #tpu.memory_space<semaphore_mem>>
        %dma_start3A_114 = arith.constant 0 : i32
        %dma_start3A_115 = tpu.memref_slice %arg6[%add3A_58, %dma_start3A_114] : memref<80x125xi32, #tpu.memory_space<vmem>> -> memref<1x125xi32, #tpu.memory_space<vmem>>
        %dma_start3A_116 = tpu.memref_squeeze %dma_start3A_115 : memref<1x125xi32, #tpu.memory_space<vmem>> -> memref<125xi32, #tpu.memory_space<vmem>>
        %dma_start3A_117 = arith.constant 0 : i32
        %dma_start3A_118 = arith.constant 0 : i32
        %dma_start3A_119 = tpu.memref_slice %arg15[%dma_start3A_117, %dma_start3A_118] : memref<10240x64xf32, #tpu.memory_space<vmem_shared>> -> memref<10240x64xf32, #tpu.memory_space<vmem_shared>>
        tpu.enqueue_indirect_dma source(%arg7 : memref<125x64xf32, #tpu.memory_space<vmem>>) target(%dma_start3A_119 : memref<10240x64xf32, #tpu.memory_space<vmem_shared>>) offsets(%dma_start3A_116 : memref<125xi32, #tpu.memory_space<vmem>>) semaphore(%run_scoped3A_113 : memref<!tpu.dma_semaphore, #tpu.memory_space<semaphore_mem>>) {add = true}
        %dma_wait3A_120 = arith.constant 0 : i32
        %dma_wait3A_121 = tpu.memref_slice %arg6[%add3A_58, %dma_wait3A_120] : memref<80x125xi32, #tpu.memory_space<vmem>> -> memref<1x125xi32, #tpu.memory_space<vmem>>
        %dma_wait3A_122 = tpu.memref_squeeze %dma_wait3A_121 : memref<1x125xi32, #tpu.memory_space<vmem>> -> memref<125xi32, #tpu.memory_space<vmem>>
        %dma_wait3A_123 = arith.constant 0 : i32
        %dma_wait3A_124 = arith.constant 0 : i32
        %dma_wait3A_125 = tpu.memref_slice %arg15[%dma_wait3A_123, %dma_wait3A_124] : memref<10240x64xf32, #tpu.memory_space<vmem_shared>> -> memref<10240x64xf32, #tpu.memory_space<vmem_shared>>
        tpu.wait_indirect_dma semaphore(%run_scoped3A_113 : memref<!tpu.dma_semaphore, #tpu.memory_space<semaphore_mem>>) src(%arg7 : memref<125x64xf32, #tpu.memory_space<vmem>>) dst(%dma_wait3A_125 : memref<10240x64xf32, #tpu.memory_space<vmem_shared>>)
        tpu.yield
      }) : () -> ()
      %add3A_64 = arith.constant 4 : i32
      %add3A_65 = arith.addi %add3A_58, %add3A_64 : i32
      %lt3A = arith.constant 80 : i32
      %lt3A_66 = arith.cmpi slt, %add3A_65, %lt3A : i32
      %convert_element_type3A = arith.extui %lt3A_66 : i1 to i32
      %cond3A = arith.constant 0 : i32
      %cond3A_67 = arith.cmpi ne, %convert_element_type3A, %cond3A : i32
      scf.if %cond3A_67 {
        %add3A_113 = arith.constant 4 : i32
        %add3A_114 = arith.addi %add3A_58, %add3A_113 : i32
        %dma_start3A_115 = arith.constant 0 : i32
        %dma_start3A_116 = tpu.memref_slice %arg5[%add3A_114, %dma_start3A_115] : memref<80x125xi32, #tpu.memory_space<vmem>> -> memref<1x125xi32, #tpu.memory_space<vmem>>
        %dma_start3A_117 = tpu.memref_squeeze %dma_start3A_116 : memref<1x125xi32, #tpu.memory_space<vmem>> -> memref<125xi32, #tpu.memory_space<vmem>>
        %dma_start3A_118 = arith.constant 0 : i32
        %dma_start3A_119 = arith.constant 0 : i32
        %dma_start3A_120 = tpu.memref_slice %arg2[%dma_start3A_118, %dma_start3A_119] : memref<10000x64xf32, #tpu.memory_space<hbm>> -> memref<10000x64xf32, #tpu.memory_space<hbm>>
        tpu.enqueue_indirect_dma source(%dma_start3A_120 : memref<10000x64xf32, #tpu.memory_space<hbm>>) target(%arg7 : memref<125x64xf32, #tpu.memory_space<vmem>>) offsets(%dma_start3A_117 : memref<125xi32, #tpu.memory_space<vmem>>) semaphore(%arg11 : memref<!tpu.dma_semaphore, #tpu.memory_space<semaphore_mem>>)
      } else {
      }
      %add3A_68 = arith.constant 1 : i32
      %add3A_69 = arith.addi %add3A_56, %add3A_68 : i32
      %dma_wait3A_70 = arith.constant 0 : i32
      %dma_wait3A_71 = tpu.memref_slice %arg5[%add3A_69, %dma_wait3A_70] : memref<80x125xi32, #tpu.memory_space<vmem>> -> memref<1x125xi32, #tpu.memory_space<vmem>>
      %dma_wait3A_72 = tpu.memref_squeeze %dma_wait3A_71 : memref<1x125xi32, #tpu.memory_space<vmem>> -> memref<125xi32, #tpu.memory_space<vmem>>
      %dma_wait3A_73 = arith.constant 0 : i32
      %dma_wait3A_74 = arith.constant 0 : i32
      %dma_wait3A_75 = tpu.memref_slice %arg2[%dma_wait3A_73, %dma_wait3A_74] : memref<10000x64xf32, #tpu.memory_space<hbm>> -> memref<10000x64xf32, #tpu.memory_space<hbm>>
      tpu.wait_indirect_dma semaphore(%arg12 : memref<!tpu.dma_semaphore, #tpu.memory_space<semaphore_mem>>) src(%dma_wait3A_75 : memref<10000x64xf32, #tpu.memory_space<hbm>>) dst(%arg8 : memref<125x64xf32, #tpu.memory_space<vmem>>)
      "tpu.region"() ({
        %run_scoped3A_113 = tpu.sem_alloc : memref<!tpu.dma_semaphore, #tpu.memory_space<semaphore_mem>>
        %dma_start3A_114 = arith.constant 0 : i32
        %dma_start3A_115 = tpu.memref_slice %arg6[%add3A_69, %dma_start3A_114] : memref<80x125xi32, #tpu.memory_space<vmem>> -> memref<1x125xi32, #tpu.memory_space<vmem>>
        %dma_start3A_116 = tpu.memref_squeeze %dma_start3A_115 : memref<1x125xi32, #tpu.memory_space<vmem>> -> memref<125xi32, #tpu.memory_space<vmem>>
        %dma_start3A_117 = arith.constant 0 : i32
        %dma_start3A_118 = arith.constant 0 : i32
        %dma_start3A_119 = tpu.memref_slice %arg15[%dma_start3A_117, %dma_start3A_118] : memref<10240x64xf32, #tpu.memory_space<vmem_shared>> -> memref<10240x64xf32, #tpu.memory_space<vmem_shared>>
        tpu.enqueue_indirect_dma source(%arg8 : memref<125x64xf32, #tpu.memory_space<vmem>>) target(%dma_start3A_119 : memref<10240x64xf32, #tpu.memory_space<vmem_shared>>) offsets(%dma_start3A_116 : memref<125xi32, #tpu.memory_space<vmem>>) semaphore(%run_scoped3A_113 : memref<!tpu.dma_semaphore, #tpu.memory_space<semaphore_mem>>) {add = true}
        %dma_wait3A_120 = arith.constant 0 : i32
        %dma_wait3A_121 = tpu.memref_slice %arg6[%add3A_69, %dma_wait3A_120] : memref<80x125xi32, #tpu.memory_space<vmem>> -> memref<1x125xi32, #tpu.memory_space<vmem>>
        %dma_wait3A_122 = tpu.memref_squeeze %dma_wait3A_121 : memref<1x125xi32, #tpu.memory_space<vmem>> -> memref<125xi32, #tpu.memory_space<vmem>>
        %dma_wait3A_123 = arith.constant 0 : i32
        %dma_wait3A_124 = arith.constant 0 : i32
        %dma_wait3A_125 = tpu.memref_slice %arg15[%dma_wait3A_123, %dma_wait3A_124] : memref<10240x64xf32, #tpu.memory_space<vmem_shared>> -> memref<10240x64xf32, #tpu.memory_space<vmem_shared>>
        tpu.wait_indirect_dma semaphore(%run_scoped3A_113 : memref<!tpu.dma_semaphore, #tpu.memory_space<semaphore_mem>>) src(%arg8 : memref<125x64xf32, #tpu.memory_space<vmem>>) dst(%dma_wait3A_125 : memref<10240x64xf32, #tpu.memory_space<vmem_shared>>)
        tpu.yield
      }) : () -> ()
      %add3A_76 = arith.constant 4 : i32
      %add3A_77 = arith.addi %add3A_69, %add3A_76 : i32
      %lt3A_78 = arith.constant 80 : i32
      %lt3A_79 = arith.cmpi slt, %add3A_77, %lt3A_78 : i32
      %convert_element_type3A_80 = arith.extui %lt3A_79 : i1 to i32
      %cond3A_81 = arith.constant 0 : i32
      %cond3A_82 = arith.cmpi ne, %convert_element_type3A_80, %cond3A_81 : i32
      scf.if %cond3A_82 {
        %add3A_113 = arith.constant 4 : i32
        %add3A_114 = arith.addi %add3A_69, %add3A_113 : i32
        %dma_start3A_115 = arith.constant 0 : i32
        %dma_start3A_116 = tpu.memref_slice %arg5[%add3A_114, %dma_start3A_115] : memref<80x125xi32, #tpu.memory_space<vmem>> -> memref<1x125xi32, #tpu.memory_space<vmem>>
        %dma_start3A_117 = tpu.memref_squeeze %dma_start3A_116 : memref<1x125xi32, #tpu.memory_space<vmem>> -> memref<125xi32, #tpu.memory_space<vmem>>
        %dma_start3A_118 = arith.constant 0 : i32
        %dma_start3A_119 = arith.constant 0 : i32
        %dma_start3A_120 = tpu.memref_slice %arg2[%dma_start3A_118, %dma_start3A_119] : memref<10000x64xf32, #tpu.memory_space<hbm>> -> memref<10000x64xf32, #tpu.memory_space<hbm>>
        tpu.enqueue_indirect_dma source(%dma_start3A_120 : memref<10000x64xf32, #tpu.memory_space<hbm>>) target(%arg8 : memref<125x64xf32, #tpu.memory_space<vmem>>) offsets(%dma_start3A_117 : memref<125xi32, #tpu.memory_space<vmem>>) semaphore(%arg12 : memref<!tpu.dma_semaphore, #tpu.memory_space<semaphore_mem>>)
      } else {
      }
      %add3A_83 = arith.constant 2 : i32
      %add3A_84 = arith.addi %add3A_56, %add3A_83 : i32
      %dma_wait3A_85 = arith.constant 0 : i32
      %dma_wait3A_86 = tpu.memref_slice %arg5[%add3A_84, %dma_wait3A_85] : memref<80x125xi32, #tpu.memory_space<vmem>> -> memref<1x125xi32, #tpu.memory_space<vmem>>
      %dma_wait3A_87 = tpu.memref_squeeze %dma_wait3A_86 : memref<1x125xi32, #tpu.memory_space<vmem>> -> memref<125xi32, #tpu.memory_space<vmem>>
      %dma_wait3A_88 = arith.constant 0 : i32
      %dma_wait3A_89 = arith.constant 0 : i32
      %dma_wait3A_90 = tpu.memref_slice %arg2[%dma_wait3A_88, %dma_wait3A_89] : memref<10000x64xf32, #tpu.memory_space<hbm>> -> memref<10000x64xf32, #tpu.memory_space<hbm>>
      tpu.wait_indirect_dma semaphore(%arg13 : memref<!tpu.dma_semaphore, #tpu.memory_space<semaphore_mem>>) src(%dma_wait3A_90 : memref<10000x64xf32, #tpu.memory_space<hbm>>) dst(%arg9 : memref<125x64xf32, #tpu.memory_space<vmem>>)
      "tpu.region"() ({
        %run_scoped3A_113 = tpu.sem_alloc : memref<!tpu.dma_semaphore, #tpu.memory_space<semaphore_mem>>
        %dma_start3A_114 = arith.constant 0 : i32
        %dma_start3A_115 = tpu.memref_slice %arg6[%add3A_84, %dma_start3A_114] : memref<80x125xi32, #tpu.memory_space<vmem>> -> memref<1x125xi32, #tpu.memory_space<vmem>>
        %dma_start3A_116 = tpu.memref_squeeze %dma_start3A_115 : memref<1x125xi32, #tpu.memory_space<vmem>> -> memref<125xi32, #tpu.memory_space<vmem>>
        %dma_start3A_117 = arith.constant 0 : i32
        %dma_start3A_118 = arith.constant 0 : i32
        %dma_start3A_119 = tpu.memref_slice %arg15[%dma_start3A_117, %dma_start3A_118] : memref<10240x64xf32, #tpu.memory_space<vmem_shared>> -> memref<10240x64xf32, #tpu.memory_space<vmem_shared>>
        tpu.enqueue_indirect_dma source(%arg9 : memref<125x64xf32, #tpu.memory_space<vmem>>) target(%dma_start3A_119 : memref<10240x64xf32, #tpu.memory_space<vmem_shared>>) offsets(%dma_start3A_116 : memref<125xi32, #tpu.memory_space<vmem>>) semaphore(%run_scoped3A_113 : memref<!tpu.dma_semaphore, #tpu.memory_space<semaphore_mem>>) {add = true}
        %dma_wait3A_120 = arith.constant 0 : i32
        %dma_wait3A_121 = tpu.memref_slice %arg6[%add3A_84, %dma_wait3A_120] : memref<80x125xi32, #tpu.memory_space<vmem>> -> memref<1x125xi32, #tpu.memory_space<vmem>>
        %dma_wait3A_122 = tpu.memref_squeeze %dma_wait3A_121 : memref<1x125xi32, #tpu.memory_space<vmem>> -> memref<125xi32, #tpu.memory_space<vmem>>
        %dma_wait3A_123 = arith.constant 0 : i32
        %dma_wait3A_124 = arith.constant 0 : i32
        %dma_wait3A_125 = tpu.memref_slice %arg15[%dma_wait3A_123, %dma_wait3A_124] : memref<10240x64xf32, #tpu.memory_space<vmem_shared>> -> memref<10240x64xf32, #tpu.memory_space<vmem_shared>>
        tpu.wait_indirect_dma semaphore(%run_scoped3A_113 : memref<!tpu.dma_semaphore, #tpu.memory_space<semaphore_mem>>) src(%arg9 : memref<125x64xf32, #tpu.memory_space<vmem>>) dst(%dma_wait3A_125 : memref<10240x64xf32, #tpu.memory_space<vmem_shared>>)
        tpu.yield
      }) : () -> ()
      %add3A_91 = arith.constant 4 : i32
      %add3A_92 = arith.addi %add3A_84, %add3A_91 : i32
      %lt3A_93 = arith.constant 80 : i32
      %lt3A_94 = arith.cmpi slt, %add3A_92, %lt3A_93 : i32
      %convert_element_type3A_95 = arith.extui %lt3A_94 : i1 to i32
      %cond3A_96 = arith.constant 0 : i32
      %cond3A_97 = arith.cmpi ne, %convert_element_type3A_95, %cond3A_96 : i32
      scf.if %cond3A_97 {
        %add3A_113 = arith.constant 4 : i32
        %add3A_114 = arith.addi %add3A_84, %add3A_113 : i32
        %dma_start3A_115 = arith.constant 0 : i32
        %dma_start3A_116 = tpu.memref_slice %arg5[%add3A_114, %dma_start3A_115] : memref<80x125xi32, #tpu.memory_space<vmem>> -> memref<1x125xi32, #tpu.memory_space<vmem>>
        %dma_start3A_117 = tpu.memref_squeeze %dma_start3A_116 : memref<1x125xi32, #tpu.memory_space<vmem>> -> memref<125xi32, #tpu.memory_space<vmem>>
        %dma_start3A_118 = arith.constant 0 : i32
        %dma_start3A_119 = arith.constant 0 : i32
        %dma_start3A_120 = tpu.memref_slice %arg2[%dma_start3A_118, %dma_start3A_119] : memref<10000x64xf32, #tpu.memory_space<hbm>> -> memref<10000x64xf32, #tpu.memory_space<hbm>>
        tpu.enqueue_indirect_dma source(%dma_start3A_120 : memref<10000x64xf32, #tpu.memory_space<hbm>>) target(%arg9 : memref<125x64xf32, #tpu.memory_space<vmem>>) offsets(%dma_start3A_117 : memref<125xi32, #tpu.memory_space<vmem>>) semaphore(%arg13 : memref<!tpu.dma_semaphore, #tpu.memory_space<semaphore_mem>>)
      } else {
      }
      %add3A_98 = arith.constant 3 : i32
      %add3A_99 = arith.addi %add3A_56, %add3A_98 : i32
      %dma_wait3A_100 = arith.constant 0 : i32
      %dma_wait3A_101 = tpu.memref_slice %arg5[%add3A_99, %dma_wait3A_100] : memref<80x125xi32, #tpu.memory_space<vmem>> -> memref<1x125xi32, #tpu.memory_space<vmem>>
      %dma_wait3A_102 = tpu.memref_squeeze %dma_wait3A_101 : memref<1x125xi32, #tpu.memory_space<vmem>> -> memref<125xi32, #tpu.memory_space<vmem>>
      %dma_wait3A_103 = arith.constant 0 : i32
      %dma_wait3A_104 = arith.constant 0 : i32
      %dma_wait3A_105 = tpu.memref_slice %arg2[%dma_wait3A_103, %dma_wait3A_104] : memref<10000x64xf32, #tpu.memory_space<hbm>> -> memref<10000x64xf32, #tpu.memory_space<hbm>>
      tpu.wait_indirect_dma semaphore(%arg14 : memref<!tpu.dma_semaphore, #tpu.memory_space<semaphore_mem>>) src(%dma_wait3A_105 : memref<10000x64xf32, #tpu.memory_space<hbm>>) dst(%arg10 : memref<125x64xf32, #tpu.memory_space<vmem>>)
      "tpu.region"() ({
        %run_scoped3A_113 = tpu.sem_alloc : memref<!tpu.dma_semaphore, #tpu.memory_space<semaphore_mem>>
        %dma_start3A_114 = arith.constant 0 : i32
        %dma_start3A_115 = tpu.memref_slice %arg6[%add3A_99, %dma_start3A_114] : memref<80x125xi32, #tpu.memory_space<vmem>> -> memref<1x125xi32, #tpu.memory_space<vmem>>
        %dma_start3A_116 = tpu.memref_squeeze %dma_start3A_115 : memref<1x125xi32, #tpu.memory_space<vmem>> -> memref<125xi32, #tpu.memory_space<vmem>>
        %dma_start3A_117 = arith.constant 0 : i32
        %dma_start3A_118 = arith.constant 0 : i32
        %dma_start3A_119 = tpu.memref_slice %arg15[%dma_start3A_117, %dma_start3A_118] : memref<10240x64xf32, #tpu.memory_space<vmem_shared>> -> memref<10240x64xf32, #tpu.memory_space<vmem_shared>>
        tpu.enqueue_indirect_dma source(%arg10 : memref<125x64xf32, #tpu.memory_space<vmem>>) target(%dma_start3A_119 : memref<10240x64xf32, #tpu.memory_space<vmem_shared>>) offsets(%dma_start3A_116 : memref<125xi32, #tpu.memory_space<vmem>>) semaphore(%run_scoped3A_113 : memref<!tpu.dma_semaphore, #tpu.memory_space<semaphore_mem>>) {add = true}
        %dma_wait3A_120 = arith.constant 0 : i32
        %dma_wait3A_121 = tpu.memref_slice %arg6[%add3A_99, %dma_wait3A_120] : memref<80x125xi32, #tpu.memory_space<vmem>> -> memref<1x125xi32, #tpu.memory_space<vmem>>
        %dma_wait3A_122 = tpu.memref_squeeze %dma_wait3A_121 : memref<1x125xi32, #tpu.memory_space<vmem>> -> memref<125xi32, #tpu.memory_space<vmem>>
        %dma_wait3A_123 = arith.constant 0 : i32
        %dma_wait3A_124 = arith.constant 0 : i32
        %dma_wait3A_125 = tpu.memref_slice %arg15[%dma_wait3A_123, %dma_wait3A_124] : memref<10240x64xf32, #tpu.memory_space<vmem_shared>> -> memref<10240x64xf32, #tpu.memory_space<vmem_shared>>
        tpu.wait_indirect_dma semaphore(%run_scoped3A_113 : memref<!tpu.dma_semaphore, #tpu.memory_space<semaphore_mem>>) src(%arg10 : memref<125x64xf32, #tpu.memory_space<vmem>>) dst(%dma_wait3A_125 : memref<10240x64xf32, #tpu.memory_space<vmem_shared>>)
        tpu.yield
      }) : () -> ()
      %add3A_106 = arith.constant 4 : i32
      %add3A_107 = arith.addi %add3A_99, %add3A_106 : i32
      %lt3A_108 = arith.constant 80 : i32
      %lt3A_109 = arith.cmpi slt, %add3A_107, %lt3A_108 : i32
      %convert_element_type3A_110 = arith.extui %lt3A_109 : i1 to i32
      %cond3A_111 = arith.constant 0 : i32
      %cond3A_112 = arith.cmpi ne, %convert_element_type3A_110, %cond3A_111 : i32
      scf.if %cond3A_112 {
        %add3A_113 = arith.constant 4 : i32
        %add3A_114 = arith.addi %add3A_99, %add3A_113 : i32
        %dma_start3A_115 = arith.constant 0 : i32
        %dma_start3A_116 = tpu.memref_slice %arg5[%add3A_114, %dma_start3A_115] : memref<80x125xi32, #tpu.memory_space<vmem>> -> memref<1x125xi32, #tpu.memory_space<vmem>>
        %dma_start3A_117 = tpu.memref_squeeze %dma_start3A_116 : memref<1x125xi32, #tpu.memory_space<vmem>> -> memref<125xi32, #tpu.memory_space<vmem>>
        %dma_start3A_118 = arith.constant 0 : i32
        %dma_start3A_119 = arith.constant 0 : i32
        %dma_start3A_120 = tpu.memref_slice %arg2[%dma_start3A_118, %dma_start3A_119] : memref<10000x64xf32, #tpu.memory_space<hbm>> -> memref<10000x64xf32, #tpu.memory_space<hbm>>
        tpu.enqueue_indirect_dma source(%dma_start3A_120 : memref<10000x64xf32, #tpu.memory_space<hbm>>) target(%arg10 : memref<125x64xf32, #tpu.memory_space<vmem>>) offsets(%dma_start3A_117 : memref<125xi32, #tpu.memory_space<vmem>>) semaphore(%arg14 : memref<!tpu.dma_semaphore, #tpu.memory_space<semaphore_mem>>)
      } else {
      }
    }
    %scan3A_50 = arith.constant 20 : i32
    %barrier3A_51 = arith.constant 0 : index
    tpu.barrier barrier_id(%barrier3A_51)
    "tpu.region"() ({
      %run_scoped3A_52 = tpu.sem_alloc : memref<!tpu.dma_semaphore, #tpu.memory_space<semaphore_mem>>
      %dma_start3A_53 = arith.constant 0 : i32
      %dma_start3A_54 = arith.constant 0 : i32
      %dma_start3A_55 = tpu.memref_slice %arg4[%arg0, %dma_start3A_53, %dma_start3A_54] : memref<2x10240x64xf32, #tpu.memory_space<hbm>> -> memref<1x10240x64xf32, #tpu.memory_space<hbm>>
      %dma_start3A_56 = tpu.memref_squeeze %dma_start3A_55 : memref<1x10240x64xf32, #tpu.memory_space<hbm>> -> memref<10240x64xf32, #tpu.memory_space<hbm>>
      %dma_start3A_57 = arith.constant 0 : i32
      %dma_start3A_58 = tpu.memref_slice %dma_start3A_56[%mul3A_11, %dma_start3A_57] : memref<10240x64xf32, #tpu.memory_space<hbm>> -> memref<640x64xf32, #tpu.memory_space<hbm>>
      %dma_start3A_59 = arith.constant 0 : i32
      %dma_start3A_60 = tpu.memref_slice %arg15[%mul3A_11, %dma_start3A_59] : memref<10240x64xf32, #tpu.memory_space<vmem_shared>> -> memref<640x64xf32, #tpu.memory_space<vmem_shared>>
      tpu.enqueue_dma source(%dma_start3A_60 : memref<640x64xf32, #tpu.memory_space<vmem_shared>>) target(%dma_start3A_58 : memref<640x64xf32, #tpu.memory_space<hbm>>) target_semaphore(%run_scoped3A_52 : memref<!tpu.dma_semaphore, #tpu.memory_space<semaphore_mem>>)
      %dma_wait3A = arith.constant 0 : i32
      %dma_wait3A_61 = arith.constant 0 : i32
      %dma_wait3A_62 = tpu.memref_slice %arg4[%arg0, %dma_wait3A, %dma_wait3A_61] : memref<2x10240x64xf32, #tpu.memory_space<hbm>> -> memref<1x10240x64xf32, #tpu.memory_space<hbm>>
      %dma_wait3A_63 = tpu.memref_squeeze %dma_wait3A_62 : memref<1x10240x64xf32, #tpu.memory_space<hbm>> -> memref<10240x64xf32, #tpu.memory_space<hbm>>
      %dma_wait3A_64 = arith.constant 0 : i32
      %dma_wait3A_65 = tpu.memref_slice %dma_wait3A_63[%mul3A_11, %dma_wait3A_64] : memref<10240x64xf32, #tpu.memory_space<hbm>> -> memref<640x64xf32, #tpu.memory_space<hbm>>
      %dma_wait3A_66 = arith.constant 0 : i32
      %dma_wait3A_67 = tpu.memref_slice %arg15[%mul3A_11, %dma_wait3A_66] : memref<10240x64xf32, #tpu.memory_space<vmem_shared>> -> memref<640x64xf32, #tpu.memory_space<vmem_shared>>
      tpu.wait_dma2 semaphore(%run_scoped3A_52 : memref<!tpu.dma_semaphore, #tpu.memory_space<semaphore_mem>>) src(%dma_wait3A_67 : memref<640x64xf32, #tpu.memory_space<vmem_shared>>) dst(%dma_wait3A_65 : memref<640x64xf32, #tpu.memory_space<hbm>>)
      tpu.yield
    }) : () -> ()
    return
  }
}

module attributes {stable_mosaic.version = 14 : i64} {
  func.func @_embed_body(%arg0: memref<5000x256xf32, #tpu.memory_space<vmem>>, %arg1: memref<256x128xf32, #tpu.memory_space<vmem>>, %arg2: memref<1x128xf32, #tpu.memory_space<vmem>>, %arg3: memref<5000x128xf32, #tpu.memory_space<vmem>>) attributes {dimension_semantics = [], scalar_prefetch = 0 : i64, scratch_operands = 0 : i64, tpu.core_type = #tpu.core_type<tc>} {
    %get3A = arith.constant 0 : index
    %get3A_0 = arith.constant 0 : index
    %get3A_1 = vector.load %arg0[%get3A, %get3A_0] : memref<5000x256xf32, #tpu.memory_space<vmem>>, vector<5000x256xf32>
    %get3A_2 = arith.constant 0 : index
    %get3A_3 = arith.constant 0 : index
    %get3A_4 = vector.load %arg1[%get3A_2, %get3A_3] : memref<256x128xf32, #tpu.memory_space<vmem>>, vector<256x128xf32>
    %dot_general3A = arith.constant dense<0.000000e+00> : vector<5000x128xf32>
    %dot_general3A_5 = tpu.matmul %get3A_1, %get3A_4, %dot_general3A {dimension_numbers = #tpu.dot_dimension_numbers<[1], [0], [0], [1], [0, 0, 1, 1], [], []>, transpose_lhs_hint = false} : vector<5000x256xf32>, vector<256x128xf32>, vector<5000x128xf32> -> vector<5000x128xf32>
    %get3A_6 = arith.constant 0 : index
    %get3A_7 = arith.constant 0 : index
    %get3A_8 = vector.load %arg2[%get3A_6, %get3A_7] : memref<1x128xf32, #tpu.memory_space<vmem>>, vector<1x128xf32>
    %add3A = vector.broadcast %get3A_8 : vector<1x128xf32> to vector<5000x128xf32>
    %add3A_9 = arith.addf %dot_general3A_5, %add3A : vector<5000x128xf32>
    %max3A = arith.constant 0.000000e+00 : f32
    %max3A_10 = vector.broadcast %max3A : f32 to vector<5000x128xf32>
    %max3A_11 = arith.maximumf %add3A_9, %max3A_10 : vector<5000x128xf32>
    %swap3A = arith.constant 0 : index
    %swap3A_12 = arith.constant 0 : index
    %swap3A_13 = vector.load %arg3[%swap3A, %swap3A_12] : memref<5000x128xf32, #tpu.memory_space<vmem>>, vector<5000x128xf32>
    tpu.vector_store %arg3[%swap3A, %swap3A_12], %max3A_11 {strides = array<i32>} : memref<5000x128xf32, #tpu.memory_space<vmem>>, vector<5000x128xf32>,
    return
  }
}

module attributes {stable_mosaic.version = 14 : i64} {
  func.func @_p0_body(%arg0: memref<2x5120x128xf32, #tpu.memory_space<vmem>>, %arg1: memref<5000x128xf32, #tpu.memory_space<vmem>>, %arg2: memref<128x128xf32, #tpu.memory_space<vmem>>, %arg3: memref<5000x128xf32, #tpu.memory_space<vmem>>, %arg4: memref<5000x128xf32, #tpu.memory_space<vmem>>) attributes {dimension_semantics = [], scalar_prefetch = 0 : i64, scratch_operands = 0 : i64, tpu.core_type = #tpu.core_type<tc>} {
    %get3A = arith.constant 0 : index
    %get3A_0 = arith.constant 0 : index
    %get3A_1 = arith.constant 0 : index
    %get3A_2 = vector.load %arg0[%get3A, %get3A_0, %get3A_1] : memref<2x5120x128xf32, #tpu.memory_space<vmem>>, vector<1x5000x128xf32>
    %get3A_3 = vector.shape_cast %get3A_2 : vector<1x5000x128xf32> to vector<5000x128xf32>
    %get3A_4 = arith.constant 1 : index
    %get3A_5 = arith.constant 0 : index
    %get3A_6 = arith.constant 0 : index
    %get3A_7 = vector.load %arg0[%get3A_4, %get3A_5, %get3A_6] : memref<2x5120x128xf32, #tpu.memory_space<vmem>>, vector<1x5000x128xf32>
    %get3A_8 = vector.shape_cast %get3A_7 : vector<1x5000x128xf32> to vector<5000x128xf32>
    %add3A = arith.addf %get3A_3, %get3A_8 : vector<5000x128xf32>
    %add3A_9 = arith.constant 1.000000e+00 : f32
    %add3A_10 = vector.broadcast %add3A_9 : f32 to vector<5000x128xf32>
    %add3A_11 = arith.addf %add3A_10, %add3A : vector<5000x128xf32>
    %sqrt3A = math.sqrt %add3A_11 : vector<5000x128xf32>
    %div3A = arith.constant 1.000000e+00 : f32
    %div3A_12 = vector.broadcast %div3A : f32 to vector<5000x128xf32>
    %div3A_13 = arith.divf %div3A_12, %sqrt3A : vector<5000x128xf32>
    %swap3A = arith.constant 0 : index
    %swap3A_14 = arith.constant 0 : index
    %swap3A_15 = vector.load %arg3[%swap3A, %swap3A_14] : memref<5000x128xf32, #tpu.memory_space<vmem>>, vector<5000x128xf32>
    tpu.vector_store %arg3[%swap3A, %swap3A_14], %div3A_13 {strides = array<i32>} : memref<5000x128xf32, #tpu.memory_space<vmem>>, vector<5000x128xf32>,
    %get3A_16 = arith.constant 0 : index
    %get3A_17 = arith.constant 0 : index
    %get3A_18 = vector.load %arg1[%get3A_16, %get3A_17] : memref<5000x128xf32, #tpu.memory_space<vmem>>, vector<5000x128xf32>
    %get3A_19 = arith.constant 0 : index
    %get3A_20 = arith.constant 0 : index
    %get3A_21 = vector.load %arg2[%get3A_19, %get3A_20] : memref<128x128xf32, #tpu.memory_space<vmem>>, vector<128x128xf32>
    %dot_general3A = arith.constant dense<0.000000e+00> : vector<5000x128xf32>
    %dot_general3A_22 = tpu.matmul %get3A_18, %get3A_21, %dot_general3A {dimension_numbers = #tpu.dot_dimension_numbers<[1], [0], [0], [1], [0, 0, 1, 1], [], []>, transpose_lhs_hint = false} : vector<5000x128xf32>, vector<128x128xf32>, vector<5000x128xf32> -> vector<5000x128xf32>
    %mul3A = arith.mulf %div3A_13, %dot_general3A_22 : vector<5000x128xf32>
    %swap3A_23 = arith.constant 0 : index
    %swap3A_24 = arith.constant 0 : index
    %swap3A_25 = vector.load %arg4[%swap3A_23, %swap3A_24] : memref<5000x128xf32, #tpu.memory_space<vmem>>, vector<5000x128xf32>
    tpu.vector_store %arg4[%swap3A_23, %swap3A_24], %mul3A {strides = array<i32>} : memref<5000x128xf32, #tpu.memory_space<vmem>>, vector<5000x128xf32>,
    return
  }
}

module attributes {stable_mosaic.version = 14 : i64} {
  func.func @_combine_body(%arg0: memref<2x5120x128xf32, #tpu.memory_space<vmem>>, %arg1: memref<5000x128xf32, #tpu.memory_space<vmem>>, %arg2: memref<5000x128xf32, #tpu.memory_space<vmem>>, %arg3: memref<5000x128xf32, #tpu.memory_space<vmem>>, %arg4: memref<1x128xf32, #tpu.memory_space<vmem>>, %arg5: memref<1x128xf32, #tpu.memory_space<vmem>>, %arg6: memref<1x128xf32, #tpu.memory_space<vmem>>, %arg7: memref<1x128xf32, #tpu.memory_space<vmem>>, %arg8: memref<1x128xf32, #tpu.memory_space<vmem>>, %arg9: memref<128x128xf32, #tpu.memory_space<vmem>>, %arg10: memref<5000x128xf32, #tpu.memory_space<vmem>>, %arg11: memref<5000x128xf32, #tpu.memory_space<vmem>>) attributes {dimension_semantics = [], scalar_prefetch = 0 : i64, scratch_operands = 0 : i64, tpu.core_type = #tpu.core_type<tc>} {
    %get3A = arith.constant 0 : index
    %get3A_0 = arith.constant 0 : index
    %get3A_1 = vector.load %arg3[%get3A, %get3A_0] : memref<5000x128xf32, #tpu.memory_space<vmem>>, vector<5000x128xf32>
    %get3A_2 = arith.constant 0 : index
    %get3A_3 = arith.constant 0 : index
    %get3A_4 = arith.constant 0 : index
    %get3A_5 = vector.load %arg0[%get3A_2, %get3A_3, %get3A_4] : memref<2x5120x128xf32, #tpu.memory_space<vmem>>, vector<1x5000x128xf32>
    %get3A_6 = vector.shape_cast %get3A_5 : vector<1x5000x128xf32> to vector<5000x128xf32>
    %get3A_7 = arith.constant 1 : index
    %get3A_8 = arith.constant 0 : index
    %get3A_9 = arith.constant 0 : index
    %get3A_10 = vector.load %arg0[%get3A_7, %get3A_8, %get3A_9] : memref<2x5120x128xf32, #tpu.memory_space<vmem>>, vector<1x5000x128xf32>
    %get3A_11 = vector.shape_cast %get3A_10 : vector<1x5000x128xf32> to vector<5000x128xf32>
    %add3A = arith.addf %get3A_6, %get3A_11 : vector<5000x128xf32>
    %get3A_12 = arith.constant 0 : index
    %get3A_13 = arith.constant 0 : index
    %get3A_14 = vector.load %arg1[%get3A_12, %get3A_13] : memref<5000x128xf32, #tpu.memory_space<vmem>>, vector<5000x128xf32>
    %add3A_15 = arith.addf %add3A, %get3A_14 : vector<5000x128xf32>
    %mul3A = arith.mulf %get3A_1, %add3A_15 : vector<5000x128xf32>
    %get3A_16 = arith.constant 0 : index
    %get3A_17 = arith.constant 0 : index
    %get3A_18 = vector.load %arg4[%get3A_16, %get3A_17] : memref<1x128xf32, #tpu.memory_space<vmem>>, vector<1x128xf32>
    %add3A_19 = vector.broadcast %get3A_18 : vector<1x128xf32> to vector<5000x128xf32>
    %add3A_20 = arith.addf %mul3A, %add3A_19 : vector<5000x128xf32>
    %get3A_21 = arith.constant 0 : index
    %get3A_22 = arith.constant 0 : index
    %get3A_23 = vector.load %arg8[%get3A_21, %get3A_22] : memref<1x128xf32, #tpu.memory_space<vmem>>, vector<1x128xf32>
    %add3A_24 = arith.constant 9.99999974E-6 : f32
    %add3A_25 = vector.broadcast %add3A_24 : f32 to vector<1x128xf32>
    %add3A_26 = arith.addf %get3A_23, %add3A_25 : vector<1x128xf32>
    %sqrt3A = math.sqrt %add3A_26 : vector<1x128xf32>
    %div3A = arith.constant 1.000000e+00 : f32
    %div3A_27 = vector.broadcast %div3A : f32 to vector<1x128xf32>
    %div3A_28 = arith.divf %div3A_27, %sqrt3A : vector<1x128xf32>
    %get3A_29 = arith.constant 0 : index
    %get3A_30 = arith.constant 0 : index
    %get3A_31 = vector.load %arg7[%get3A_29, %get3A_30] : memref<1x128xf32, #tpu.memory_space<vmem>>, vector<1x128xf32>
    %sub3A = vector.broadcast %get3A_31 : vector<1x128xf32> to vector<5000x128xf32>
    %sub3A_32 = arith.subf %add3A_20, %sub3A : vector<5000x128xf32>
    %mul3A_33 = vector.broadcast %div3A_28 : vector<1x128xf32> to vector<5000x128xf32>
    %mul3A_34 = arith.mulf %sub3A_32, %mul3A_33 : vector<5000x128xf32>
    %get3A_35 = arith.constant 0 : index
    %get3A_36 = arith.constant 0 : index
    %get3A_37 = vector.load %arg5[%get3A_35, %get3A_36] : memref<1x128xf32, #tpu.memory_space<vmem>>, vector<1x128xf32>
    %mul3A_38 = vector.broadcast %get3A_37 : vector<1x128xf32> to vector<5000x128xf32>
    %mul3A_39 = arith.mulf %mul3A_34, %mul3A_38 : vector<5000x128xf32>
    %get3A_40 = arith.constant 0 : index
    %get3A_41 = arith.constant 0 : index
    %get3A_42 = vector.load %arg6[%get3A_40, %get3A_41] : memref<1x128xf32, #tpu.memory_space<vmem>>, vector<1x128xf32>
    %add3A_43 = vector.broadcast %get3A_42 : vector<1x128xf32> to vector<5000x128xf32>
    %add3A_44 = arith.addf %mul3A_39, %add3A_43 : vector<5000x128xf32>
    %max3A = arith.constant 0.000000e+00 : f32
    %max3A_45 = vector.broadcast %max3A : f32 to vector<5000x128xf32>
    %max3A_46 = arith.maximumf %add3A_44, %max3A_45 : vector<5000x128xf32>
    %get3A_47 = arith.constant 0 : index
    %get3A_48 = arith.constant 0 : index
    %get3A_49 = vector.load %arg2[%get3A_47, %get3A_48] : memref<5000x128xf32, #tpu.memory_space<vmem>>, vector<5000x128xf32>
    %add3A_50 = arith.addf %max3A_46, %get3A_49 : vector<5000x128xf32>
    %swap3A = arith.constant 0 : index
    %swap3A_51 = arith.constant 0 : index
    %swap3A_52 = vector.load %arg10[%swap3A, %swap3A_51] : memref<5000x128xf32, #tpu.memory_space<vmem>>, vector<5000x128xf32>
    tpu.vector_store %arg10[%swap3A, %swap3A_51], %add3A_50 {strides = array<i32>} : memref<5000x128xf32, #tpu.memory_space<vmem>>, vector<5000x128xf32>,
    %get3A_53 = arith.constant 0 : index
    %get3A_54 = arith.constant 0 : index
    %get3A_55 = vector.load %arg9[%get3A_53, %get3A_54] : memref<128x128xf32, #tpu.memory_space<vmem>>, vector<128x128xf32>
    %dot_general3A = arith.constant dense<0.000000e+00> : vector<5000x128xf32>
    %dot_general3A_56 = tpu.matmul %add3A_50, %get3A_55, %dot_general3A {dimension_numbers = #tpu.dot_dimension_numbers<[1], [0], [0], [1], [0, 0, 1, 1], [], []>, transpose_lhs_hint = false} : vector<5000x128xf32>, vector<128x128xf32>, vector<5000x128xf32> -> vector<5000x128xf32>
    %mul3A_57 = arith.mulf %get3A_1, %dot_general3A_56 : vector<5000x128xf32>
    %swap3A_58 = arith.constant 0 : index
    %swap3A_59 = arith.constant 0 : index
    %swap3A_60 = vector.load %arg11[%swap3A_58, %swap3A_59] : memref<5000x128xf32, #tpu.memory_space<vmem>>, vector<5000x128xf32>
    tpu.vector_store %arg11[%swap3A_58, %swap3A_59], %mul3A_57 {strides = array<i32>} : memref<5000x128xf32, #tpu.memory_space<vmem>>, vector<5000x128xf32>,
    return
  }
}

module attributes {stable_mosaic.version = 14 : i64} {
  func.func @_combine_body(%arg0: memref<2x5120x128xf32, #tpu.memory_space<vmem>>, %arg1: memref<5000x128xf32, #tpu.memory_space<vmem>>, %arg2: memref<5000x128xf32, #tpu.memory_space<vmem>>, %arg3: memref<5000x128xf32, #tpu.memory_space<vmem>>, %arg4: memref<1x128xf32, #tpu.memory_space<vmem>>, %arg5: memref<1x128xf32, #tpu.memory_space<vmem>>, %arg6: memref<1x128xf32, #tpu.memory_space<vmem>>, %arg7: memref<1x128xf32, #tpu.memory_space<vmem>>, %arg8: memref<1x128xf32, #tpu.memory_space<vmem>>, %arg9: memref<128x128xf32, #tpu.memory_space<vmem>>, %arg10: memref<5000x128xf32, #tpu.memory_space<vmem>>, %arg11: memref<5000x128xf32, #tpu.memory_space<vmem>>) attributes {dimension_semantics = [], scalar_prefetch = 0 : i64, scratch_operands = 0 : i64, tpu.core_type = #tpu.core_type<tc>} {
    %get3A = arith.constant 0 : index
    %get3A_0 = arith.constant 0 : index
    %get3A_1 = vector.load %arg3[%get3A, %get3A_0] : memref<5000x128xf32, #tpu.memory_space<vmem>>, vector<5000x128xf32>
    %get3A_2 = arith.constant 0 : index
    %get3A_3 = arith.constant 0 : index
    %get3A_4 = arith.constant 0 : index
    %get3A_5 = vector.load %arg0[%get3A_2, %get3A_3, %get3A_4] : memref<2x5120x128xf32, #tpu.memory_space<vmem>>, vector<1x5000x128xf32>
    %get3A_6 = vector.shape_cast %get3A_5 : vector<1x5000x128xf32> to vector<5000x128xf32>
    %get3A_7 = arith.constant 1 : index
    %get3A_8 = arith.constant 0 : index
    %get3A_9 = arith.constant 0 : index
    %get3A_10 = vector.load %arg0[%get3A_7, %get3A_8, %get3A_9] : memref<2x5120x128xf32, #tpu.memory_space<vmem>>, vector<1x5000x128xf32>
    %get3A_11 = vector.shape_cast %get3A_10 : vector<1x5000x128xf32> to vector<5000x128xf32>
    %add3A = arith.addf %get3A_6, %get3A_11 : vector<5000x128xf32>
    %get3A_12 = arith.constant 0 : index
    %get3A_13 = arith.constant 0 : index
    %get3A_14 = vector.load %arg1[%get3A_12, %get3A_13] : memref<5000x128xf32, #tpu.memory_space<vmem>>, vector<5000x128xf32>
    %add3A_15 = arith.addf %add3A, %get3A_14 : vector<5000x128xf32>
    %mul3A = arith.mulf %get3A_1, %add3A_15 : vector<5000x128xf32>
    %get3A_16 = arith.constant 0 : index
    %get3A_17 = arith.constant 0 : index
    %get3A_18 = vector.load %arg4[%get3A_16, %get3A_17] : memref<1x128xf32, #tpu.memory_space<vmem>>, vector<1x128xf32>
    %add3A_19 = vector.broadcast %get3A_18 : vector<1x128xf32> to vector<5000x128xf32>
    %add3A_20 = arith.addf %mul3A, %add3A_19 : vector<5000x128xf32>
    %get3A_21 = arith.constant 0 : index
    %get3A_22 = arith.constant 0 : index
    %get3A_23 = vector.load %arg8[%get3A_21, %get3A_22] : memref<1x128xf32, #tpu.memory_space<vmem>>, vector<1x128xf32>
    %add3A_24 = arith.constant 9.99999974E-6 : f32
    %add3A_25 = vector.broadcast %add3A_24 : f32 to vector<1x128xf32>
    %add3A_26 = arith.addf %get3A_23, %add3A_25 : vector<1x128xf32>
    %sqrt3A = math.sqrt %add3A_26 : vector<1x128xf32>
    %div3A = arith.constant 1.000000e+00 : f32
    %div3A_27 = vector.broadcast %div3A : f32 to vector<1x128xf32>
    %div3A_28 = arith.divf %div3A_27, %sqrt3A : vector<1x128xf32>
    %get3A_29 = arith.constant 0 : index
    %get3A_30 = arith.constant 0 : index
    %get3A_31 = vector.load %arg7[%get3A_29, %get3A_30] : memref<1x128xf32, #tpu.memory_space<vmem>>, vector<1x128xf32>
    %sub3A = vector.broadcast %get3A_31 : vector<1x128xf32> to vector<5000x128xf32>
    %sub3A_32 = arith.subf %add3A_20, %sub3A : vector<5000x128xf32>
    %mul3A_33 = vector.broadcast %div3A_28 : vector<1x128xf32> to vector<5000x128xf32>
    %mul3A_34 = arith.mulf %sub3A_32, %mul3A_33 : vector<5000x128xf32>
    %get3A_35 = arith.constant 0 : index
    %get3A_36 = arith.constant 0 : index
    %get3A_37 = vector.load %arg5[%get3A_35, %get3A_36] : memref<1x128xf32, #tpu.memory_space<vmem>>, vector<1x128xf32>
    %mul3A_38 = vector.broadcast %get3A_37 : vector<1x128xf32> to vector<5000x128xf32>
    %mul3A_39 = arith.mulf %mul3A_34, %mul3A_38 : vector<5000x128xf32>
    %get3A_40 = arith.constant 0 : index
    %get3A_41 = arith.constant 0 : index
    %get3A_42 = vector.load %arg6[%get3A_40, %get3A_41] : memref<1x128xf32, #tpu.memory_space<vmem>>, vector<1x128xf32>
    %add3A_43 = vector.broadcast %get3A_42 : vector<1x128xf32> to vector<5000x128xf32>
    %add3A_44 = arith.addf %mul3A_39, %add3A_43 : vector<5000x128xf32>
    %max3A = arith.constant 0.000000e+00 : f32
    %max3A_45 = vector.broadcast %max3A : f32 to vector<5000x128xf32>
    %max3A_46 = arith.maximumf %add3A_44, %max3A_45 : vector<5000x128xf32>
    %get3A_47 = arith.constant 0 : index
    %get3A_48 = arith.constant 0 : index
    %get3A_49 = vector.load %arg2[%get3A_47, %get3A_48] : memref<5000x128xf32, #tpu.memory_space<vmem>>, vector<5000x128xf32>
    %add3A_50 = arith.addf %max3A_46, %get3A_49 : vector<5000x128xf32>
    %swap3A = arith.constant 0 : index
    %swap3A_51 = arith.constant 0 : index
    %swap3A_52 = vector.load %arg10[%swap3A, %swap3A_51] : memref<5000x128xf32, #tpu.memory_space<vmem>>, vector<5000x128xf32>
    tpu.vector_store %arg10[%swap3A, %swap3A_51], %add3A_50 {strides = array<i32>} : memref<5000x128xf32, #tpu.memory_space<vmem>>, vector<5000x128xf32>,
    %get3A_53 = arith.constant 0 : index
    %get3A_54 = arith.constant 0 : index
    %get3A_55 = vector.load %arg9[%get3A_53, %get3A_54] : memref<128x128xf32, #tpu.memory_space<vmem>>, vector<128x128xf32>
    %dot_general3A = arith.constant dense<0.000000e+00> : vector<5000x128xf32>
    %dot_general3A_56 = tpu.matmul %add3A_50, %get3A_55, %dot_general3A {dimension_numbers = #tpu.dot_dimension_numbers<[1], [0], [0], [1], [0, 0, 1, 1], [], []>, transpose_lhs_hint = false} : vector<5000x128xf32>, vector<128x128xf32>, vector<5000x128xf32> -> vector<5000x128xf32>
    %mul3A_57 = arith.mulf %get3A_1, %dot_general3A_56 : vector<5000x128xf32>
    %swap3A_58 = arith.constant 0 : index
    %swap3A_59 = arith.constant 0 : index
    %swap3A_60 = vector.load %arg11[%swap3A_58, %swap3A_59] : memref<5000x128xf32, #tpu.memory_space<vmem>>, vector<5000x128xf32>
    tpu.vector_store %arg11[%swap3A_58, %swap3A_59], %mul3A_57 {strides = array<i32>} : memref<5000x128xf32, #tpu.memory_space<vmem>>, vector<5000x128xf32>,
    return
  }
}

</mosaic_0001>

<sc_bundles>
// kernel: kernel.11.cloned.1.call-start
scs
__scs_entry_jumppad:
0x0: {  	(pc) =	sbr.rel $0x88, $3  }
0x1: {  	(tag) =	ssettag $0x0;
	lr =	simm.s32 $0x1  }
0x2: {  	[smem:$0x3F97] =	sst lr;
	_ =	strace $0xD0000000  }
0x3: {  	_ = 	snop  }
0x4: {  	_ = 	snop  }
0x5: {  	_ = 	snop  }
0x6: {  	_ = 	snop  }
0x7: {  	_ = 	snop  }
__scs_overlays_trampoline_lowered:
0x8: {  	[smem:$0x3FA6] =	sst s0  }
0x9: {  	[smem:$0x3FA7] =	sst s1  }
0xa: {  	[smem:$0x3FA8] =	sst s2  }
0xb: {  	[smem:$0x3FA9] =	sst s3  }
0xc: {  	[smem:$0x3FAA] =	sst s4  }
0xd: {  	[smem:$0x3FAB] =	sst s5  }
0xe: {  	[smem:$0x3FAC] =	sst s6  }
0xf: {  	[smem:$0x3FAD] =	sst s7  }
0x10: {  	[smem:$0x3FAE] =	sst s8  }
0x11: {  	[smem:$0x3FAF] =	sst s9;
	s0 =	simm.s32 @!p0 $0x0  }
0x12: {  	s1 =	sld [smem:$0x3F95];
	s0 =	simm.s32 @p0 $0x1  }
0x13: {  	[smem:$0x3FB0] =	sst s0;
	s0 =	simm.s32 @!p1 $0x0  }
0x14: {  	s2 =	sld [smem:$0x3F94];
	s0 =	simm.s32 @p1 $0x1  }
0x15: {  	[smem:$0x3FB1] =	sst s0;
	s0 =	simm.s32 @!p2 $0x0  }
0x16: {  	s3 =	sld [smem:$0x3FDB];
	s0 =	simm.s32 @p2 $0x1  }
0x17: {  	s4 =	simm.s32 $0x1BF5;
	[smem:$0x3FB3] =	sst s0  }
0x18: {  	s0 =	sld [smem:$0x3F96];
	_ =	swait.ge [sflag:s4], $0x0  }
0x19: {  	s7 =	sld [smem:$0x3F97]  }
0x1a: {  	s8 =	sadd.s32 $0xFFFFE003, lr  }
0x1b: {  	s9 =	sadd.s32 $0xFFFFFEF7, lr;
	s5 =	simm.s32 $0xFFFFFFFF;
	p2 =	slt.u32 s8, $0xFFFFF086  }
0x1c: {  	p1 =	slt.u32 s9, $0xF7A;
	s5 =	simm.s32 @!p2 $0x0  }
0x1d: {  	s5 =	simm.s32 @p1 $0x1;
	p0 =	seq.s32 s7, s2  }
0x1e: {  	s7 =	smul.u32 @!p0 $0xF7A, s2;
	p2 =	seq.s32 @!p0 s5, $0x0  }
0x1f: {  	s9 =	smul.u32 $0xF7A, s1;
	s8 =	simm.s32 @!p0 $0x1BF5;
	p2 =	por !p2, p0  }
0x20: {  	[sflag:s8] =	ssyncset.s32 @!p0 $0xFFFFF086;
	s6 =	sadd.s32 @!p0 s3, s7;
	s7 =	simm.s32 @!p0 $0x108  }
0x21: {  	s3 =	sadd.s32 s3, s9;
	s6 =	sadd.s32 @!p0 $0x88, s6;
	s7 =	simm.s32 @p2 $0x1082  }
0x22: {  	[simem:s7], [sflag:s8] =	dma.local @!p0 [hbm:s6], $0xF7A  }
0x23: {  	s9 =	sor.u32 $0xD0000000, s2;
	s6 =	simm.s32 $0x108;
	_ =	swait.ge @!p0 [sflag:s8], $0x0  }
0x24: {  	s3 =	sadd.s32 $0x88, s3;
	s6 =	simm.s32 @!p1 $0x1082;
	[sflag:s4] =	ssyncset.s32 $0xFFFFF086  }
0x25: {  	[simem:s6], [sflag:s4] =	dma.local [hbm:s3], $0xF7A  }
0x26: {  	[smem:$0x3F97] =	sst s1;
	(tag) =	ssettag s2;
	_ =	strace s9  }
0x27: {  	s1 =	sld [smem:$0x3FA7]  }
0x28: {  	s2 =	sld [smem:$0x3FA8]  }
0x29: {  	s4 =	sld [smem:$0x3FAA]  }
0x2a: {  	p0 =	seq.s32 s5, $0x0;
	s5 =	sld [smem:$0x3FAB]  }
0x2b: {  	s6 =	sld [smem:$0x3FAC]  }
0x2c: {  	s7 =	sld [smem:$0x3FAD]  }
0x2d: {  	s3 =	simm.s32 $0x108;
	s8 =	sld [smem:$0x3FAE]  }
0x2e: {  	s3 =	simm.s32 @!p0 $0x1082;
	s9 =	sld [smem:$0x3FAF]  }
0x2f: {  	lr =	sadd.s32 s0, s3;
	s0 =	sld [smem:$0x3FA6]  }
0x30: {  	s3 =	sld [smem:$0x3FA9]  }
0x31: {  	[smem:$0x3FB2] =	sst s10  }
0x32: {  	s10 =	sld [smem:$0x3FB0];
	_ =	sdelay $0x3  }
0x33: {  	p0 =	seq.s32 s10, $0x1;
	s10 =	sld [smem:$0x3FB2];
	_ =	sdelay $0x3  }
0x34: {  	[smem:$0x3FB2] =	sst s10  }
0x35: {  	s10 =	sld [smem:$0x3FB1];
	_ =	sdelay $0x3  }
0x36: {  	p1 =	seq.s32 s10, $0x1;
	s10 =	sld [smem:$0x3FB2];
	_ =	sdelay $0x3  }
0x37: {  	[smem:$0x3FB2] =	sst s10  }
0x38: {  	s10 =	sld [smem:$0x3FB3]  }
0x39: {  	_ = 	snop;
	(pc) =	sbr.ind lr, $3  }
0x3a: {  	_ = 	snop  }
0x3b: {  	_ = 	snop  }
0x3c: {  	p2 =	seq.s32 s10, $0x1;
	s10 =	sld [smem:$0x3FB2]  }
0x3d: {  	_ =	shalt  }
0x3e: {  	_ =	shalt  }
0x3f: {  	_ =	shalt  }
0x40: {  	_ =	shalt  }
0x41: {  	_ =	shalt  }
0x42: {  	_ =	shalt  }
0x43: {  	_ =	shalt  }
0x44: {  	_ =	shalt  }
0x45: {  	_ =	shalt  }
0x46: {  	_ =	shalt  }
0x47: {  	_ =	shalt  }
0x48: {  	_ =	shalt  }
0x49: {  	_ =	shalt  }
0x4a: {  	_ =	shalt  }
0x4b: {  	_ =	shalt  }
0x4c: {  	_ =	shalt  }
0x4d: {  	_ =	shalt  }
0x4e: {  	_ =	shalt  }
0x4f: {  	_ =	shalt  }
0x50: {  	_ =	shalt  }
0x51: {  	_ =	shalt  }
0x52: {  	_ =	shalt  }
0x53: {  	_ =	shalt  }
0x54: {  	_ =	shalt  }
0x55: {  	_ =	shalt  }
0x56: {  	_ =	shalt  }
0x57: {  	_ =	shalt  }
0x58: {  	_ =	shalt  }
0x59: {  	_ =	shalt  }
0x5a: {  	_ =	shalt  }
0x5b: {  	_ =	shalt  }
0x5c: {  	_ =	shalt  }
0x5d: {  	_ =	shalt  }
0x5e: {  	_ =	shalt  }
0x5f: {  	_ =	shalt  }
0x60: {  	_ =	shalt  }
0x61: {  	_ =	shalt  }
0x62: {  	_ =	shalt  }
0x63: {  	_ =	shalt  }
0x64: {  	_ =	shalt  }
0x65: {  	_ =	shalt  }
0x66: {  	_ =	shalt  }
0x67: {  	_ =	shalt  }
0x68: {  	_ =	shalt  }
0x69: {  	_ =	shalt  }
0x6a: {  	_ =	shalt  }
0x6b: {  	_ =	shalt  }
0x6c: {  	_ =	shalt  }
0x6d: {  	_ =	shalt  }
0x6e: {  	_ =	shalt  }
0x6f: {  	_ =	shalt  }
0x70: {  	_ =	shalt  }
0x71: {  	_ =	shalt  }
0x72: {  	_ =	shalt  }
0x73: {  	_ =	shalt  }
0x74: {  	_ =	shalt  }
0x75: {  	_ =	shalt  }
0x76: {  	_ =	shalt  }
0x77: {  	_ =	shalt  }
0x78: {  	_ =	shalt  }
0x79: {  	_ =	shalt  }
0x7a: {  	_ =	shalt  }
0x7b: {  	_ =	shalt  }
0x7c: {  	_ =	shalt  }
0x7d: {  	_ =	shalt  }
0x7e: {  	_ =	shalt  }
0x7f: {  	_ =	shalt  }
0x80: {  	_ =	shalt  }
0x81: {  	_ =	shalt  }
0x82: {  	_ =	shalt  }
0x83: {  	_ =	shalt  }
0x84: {  	_ =	shalt  }
0x85: {  	_ =	shalt  }
0x86: {  	_ =	shalt  }
0x87: {  	_ =	shalt  }
.Lfunc_end0:
.L_simem_size_0:
called_computation_lowered:
.L_overlay_start_0:
0x88: {  	s2 =	sld [smem:$0x3FD9]  }
0x89: {  	s3 =	sld [smem:$0x3FFE];
	_ =	sdelay $0x1  }
0x8a: {  	s1 =	srdreg.scid  }
0x8b: {  	s0 =	sand.u32 $0x1, s1  }
0x8c: {  	s16 =	sshll.u32 s0, $0xA;
	s2 =	sadd.s32 s3, s2  }
0x8d: {  	s2 =	sadd.s32 s2, s16  }
0x8e: {  	[smem:$0x3FBE] =	sst s2  }
0x8f: {  	_ = 	snop  }
0x90: {  	(tm) =	ssettm $0x1  }
0x91: {  	s17 =	sld [smem:$0x3FFB];
	_ =	sdelay $0x3  }
0x92: {  	_ =	strace s17  }
0x93: {  	s2 =	sld [smem:$0x3FFC];
	_ =	sdelay $0x3  }
0x94: {  	_ =	strace s2  }
0x95: {  	s2 =	sld [smem:$0x3FFD];
	_ =	sdelay $0x3  }
0x96: {  	_ =	strace s2  }
0x97: {  	_ =	strace $0x8FFFFFFF  }
0x98: {  	s18 =	sld [smem:$0x3FDB];
	_ =	sdelay $0x1  }
0x99: {  	s19 =	simm.s32 $_scs_section_size  }
0x9a: {  	s4 =	simm.s32 $_size__tile_overlayer_lowered;
	s5 =	simm.s32 $_tile_overlayer_lowered  }
0x9b: {  	s22 =	simm.s32 $0x1BFF;
	s21 =	sshll.u32 s5, $0x1;
	s2 =	sadd.s32 s19, s18  }
0x9c: {  	s6 =	simm.s32 $0x0;
	s20 =	sshll.u32 s4, $0x1;
	s4 =	sadd.s32 s21, s2  }
0x9d: {  	[timem:s6], [sflag:s22] =	dma.local [hbm:s4], s20  }
0x9e: {  	_ =	swait.ge [sflag:s22], s20  }
0x9f: {  	s3 =	ssub.s32 $0x0, s20;
	[sflag:s22] =	ssyncset.done $0x0  }
0xa0: {  	[sflag:s22] =	ssyncadd.s32 s3;
	_ =	sdelay $0x1  }
0xa1: {  	s23 =	simm.s32 $0x1B8B  }
0xa2: {  	_ =	swait.ge [sflag:s23], $0x1  }
0xa3: {  	[sflag:s23] =	ssyncset.done $0x0  }
0xa4: {  	s25 =	simm.s32 $0x1B8E;
	s24 =	sld [smem:$0x3FFE];
	[sflag:s23] =	ssyncadd.s32 $0xFFFFFFFF  }
0xa5: {  	s26 =	simm.s32 $execute0_lowered;
	[smem:$0x3FD2] =	sst s25  }
0xa6: {  	s4 =	sshll.u32 s26, $0x1;
	_ =	strace $0x80000046;
	[dreg:$0x1] =	wrdreg $0xFFFFFFFF  }
0xa7: {  	s28 =	simm.s32 $_size_execute0_lowered;
	s2 =	sadd.s32 s2, s4;
	[dreg:$0x0] =	wrdreg $0x0  }
0xa8: {  	s4 =	sshll.u32 s28, $0x1;
	[dreg:$0x2] =	wrdreg s2  }
0xa9: {  	[dreg:$0x3] =	wrdreg s4  }
0xaa: {  	[dreg:$0x4] =	wrdreg $0xC0  }
0xab: {  	_ =	task [dreg:s6], $0x5FFFF  }
0xac: {  	[dreg:$0x1] =	wrdreg $0xFFFFFFFF  }
0xad: {  	[dreg:$0x0] =	wrdreg $0x60  }
0xae: {  	[dreg:$0x2] =	wrdreg s24  }
0xaf: {  	[dreg:$0x3] =	wrdreg $0x37D00  }
0xb0: {  	[dreg:$0x4] =	wrdreg $0x9  }
0xb1: {  	_ =	task.clear_ibuf [dreg:s6], $0x5FFFF;
	_ =	strace $0x90000046  }
0xb2: {  	s29 =	simm.s32 $0x9;
	_ =	strace $0x80000048  }
0xb3: {  	_ =	swait.ge [sflag:s29], $0x1  }
0xb4: {  	[sflag:s29] =	ssyncadd.s32 $0xFFFFFFFF  }
0xb5: {  	_ =	strace $0x90000048  }
0xb6: {  	_ =	sfence  }
0xb7: {  	s30 =	sld [smem:$0x0];
	_ =	sdelay $0x2  }
0xb8: {  	s31 =	sshll.u32 s1, $0xD;
	s1 =	sshrl.u32 s1, $0x2  }
0xb9: {  	s3 =	sand.u32 $0x4000, s31;
	s1 =	sadd.s32 s1, s30  }
0xba: {  	s0 =	sor.u32 s3, s0;
	s1 =	sshll.u32 s1, $0x11  }
0xbb: {  	s0 =	sor.u32 s1, s0  }
0xbc: {  	s0 =	sadd.s32 $0x8F2B, s0  }
0xbd: {  	[sflag:s0] =	ssyncadd.remote.s32 $0x1  }
0xbe: {  	_ =	sfence.sel $0xFFFF  }
0xbf: {  	[dreg:$0x0] =	wrdreg $0xFFFFFFFF;
	(pc) =	sbr.abs _section_cstart, $3  }
0xc0: {  	[dreg:$0x1] =	wrdreg $0xFFFFFFFF  }
0xc1: {  	_ =	task.clear_ibuf [dreg:s6], $0x2FFFF;
	_ =	strace $0x9FFFFFFF  }
0xc2: {  	(tm) =	ssettm $0x7FFFFFFF  }
0xc3: {  	_ =	shalt  }
tec
execute0_lowered:
.L_overlay_start_1:
0x0: {  	(tag) =	ssettag $0x1  }
0x1: {  	s1 =	srdreg.scid  }
0x2: {  	s0 =	stileid.u32;
	s4 =	rddreg [dreg:$0x0]  }
0x3: {  	s2 =	rddreg [dreg:$0x1];
	s3 =	simm.s32 $0x0;
	s13 =	simm.s32 $0x2  }
0x4: {  	s14 =	simm.s32 $0x2FD0;
	s15 =	simm.s32 $0x7D;
	s16 =	simm.s32 $0x2800  }
0x5: {  	s17 =	simm.s32 $0x1;
	s18 =	simm.s32 $0x8;
	s22 =	simm.s32 $0x0  }
0x6: {  	s5 =	sand.u32 $0x1, s1;
	s29 =	sshll.u32 s0, $0x1;
	s1 =	rddreg [dreg:$0x2]  }
0x7: {  	[smem:$0x7FF] =	sst s3;
	s8 =	smul.u32 $0xA000, s0;
	s6 =	sor.u32 s5, s29  }
0x8: {  	s7 =	smul.u32 $0x14000, s5;
	_ =	strace $0x80000047;
	s5 =	ssub.s32 $0x2, s5  }
0x9: {  	s6 =	smul.u32 $0x500, s6;
	s30 =	sshrl.u32 s5, $0x1;
	s31 =	sshrl.u32 s8, $0x2  }
0xa: {  	s7 =	sadd.s32 s7, s4;
	s9 =	ssub.s32 s5, s30;
	s5 =	sadd.s32 s31, s2  }
0xb: {  	s6 =	sadd.s32 s6, s4;
	s10 =	sadd.s32 $0x1000, s5;
	s11 =	sadd.s32 $0x1800, s5  }
0xc: {  	s12 =	sadd.s32 $0x2000, s5;
	s4 =	sadd.s32 $0xF200, s6;
	s6 =	sadd.s32 $0x19200, s7  }
0xd: {  	s7 =	sshrl.u32 s8, $0x3;
	s8 =	smax.u32 s9, $0x1;
	s9 =	sadd.s32 $0x800, s5  }
0xe: {  	s19 =	sor.u32 $0x2, s7;
	s20 =	sor.u32 $0x4, s7;
	s21 =	sor.u32 $0x6, s7  }
0xf: {  	v0 =	vimm.f32 $1.000000000e+00;
	v1 =	vimm.f32 $0.0e+00;
	s19 =	sadd.s32 s6, s19;
	s20 =	sadd.s32 s6, s20;
	s21 =	sadd.s32 s6, s21  }
.LBB2_1:
0x10: {  	[tilespmem:s3], [sflag:$0x2] =	stream.linear.gather [hbm4b:s4+s3], $0x2800, $0x38;
	[tilespmem:$0x5FD0] =	vst v63  }
0x11: {  	_ =	swait.ge [sflag:s13], $0x2800  }
0x12: {  	[sflag:s13] =	ssyncset.done $0x0  }
0x13: {  	s23 =	simm.s32 $0x0;
	[sflag:s13] =	ssyncadd.s32 $0xFFFFD800  }
.LBB2_2:
0x14: {  	p0 =	sne.s32 s23, $0x1F00  }
.Ltmp0:
0x15: {  	_ = 	snop;
	(pc) =	sbr.rel @p0 .LBB2_2-.Ltmp0, $3  }
0x16: {  	_ =	sdelay $0x1  }
0x17: {  	s24 =	sshra.s32 s23, $0x2  }
0x18: {  	s23 =	sadd.s32 $0x40, s23;
	[tilespmem:s24+$0x2800] =	vst v0  }
0x19: {  	s23 =	simm.s32 $0x40;
	s24 =	simm.s32 $0x0  }
.LBB2_4:
0x1a: {  	p0 =	sne.s32 s23, $0x1FC0;
	[tilespmem:s24+$0x2FD0] =	vst v1;
	s24 =	smov.u32 s23;
	s23 =	sadd.s32 $0x40, s23  }
.Ltmp1:
0x1b: {  	(pc) =	sbr.rel @p0 .LBB2_4-.Ltmp1, $2  }
0x1c: {  	_ =	sdelay $0x2  }
0x1d: {  	s24 =	sshra.s32 s24, $0x2  }
0x1e: {  	[tilespmem:s24+$0x2FD0] =	vst v1  }
0x1f: {  	[spmem:s5] =	stream.linear.scatter [tilespmem:s14], [sflag:$0x2], $0x800, $0x38;
	[tilespmem:$0x5FD0] =	vst v63  }
0x20: {  	_ =	swait.ge [sflag:s13], $0x800  }
0x21: {  	[sflag:s13] =	ssyncset.done $0x0  }
0x22: {  	[sflag:s13] =	ssyncadd.s32 $0xFFFFF800  }
0x23: {  	[spmem:s9] =	stream.linear.scatter [tilespmem:s14], [sflag:$0x2], $0x800, $0x38;
	[tilespmem:$0x5FD0] =	vst v63  }
0x24: {  	_ =	swait.ge [sflag:s13], $0x800  }
0x25: {  	[sflag:s13] =	ssyncset.done $0x0  }
0x26: {  	[sflag:s13] =	ssyncadd.s32 $0xFFFFF800  }
0x27: {  	[spmem:s10] =	stream.linear.scatter [tilespmem:s14], [sflag:$0x2], $0x800, $0x38;
	[tilespmem:$0x5FD0] =	vst v63  }
0x28: {  	_ =	swait.ge [sflag:s13], $0x800  }
0x29: {  	[sflag:s13] =	ssyncset.done $0x0  }
0x2a: {  	[sflag:s13] =	ssyncadd.s32 $0xFFFFF800  }
0x2b: {  	[spmem:s11] =	stream.linear.scatter [tilespmem:s14], [sflag:$0x2], $0x800, $0x38;
	[tilespmem:$0x5FD0] =	vst v63  }
0x2c: {  	_ =	swait.ge [sflag:s13], $0x800  }
0x2d: {  	[sflag:s13] =	ssyncset.done $0x0  }
0x2e: {  	[sflag:s13] =	ssyncadd.s32 $0xFFFFF800  }
0x2f: {  	[spmem:s12] =	stream.linear.scatter [tilespmem:s14], [sflag:$0x2], $0x800, $0x38;
	[tilespmem:$0x5FD0] =	vst v63  }
0x30: {  	_ =	swait.ge [sflag:s13], $0x800  }
0x31: {  	[sflag:s13] =	ssyncset.done $0x0  }
0x32: {  	[sflag:s13] =	ssyncadd.s32 $0xFFFFF800  }
0x33: {  	s23 =	simm.s32 $0x0;
	[bflag:$0x0] =	sbarrier.arrive $0xFFFF  }
0x34: {  	[spmem:s2] =	stream.indirect.scatter.add.f32 [tilespmem:s16], [sflag:$0x1], $0x10, s23, s15, $0xb8;
	[tilespmem:$0x5FD0] =	vst v63  }
0x35: {  	s24 =	simm.s32 $0x80  }
0x36: {  	[spmem:s2] =	stream.indirect.scatter.add.f32 [tilespmem:s16], [sflag:$0x1], $0x10, s24, s15, $0xb8;
	[tilespmem:$0x5FD0] =	vst v63  }
0x37: {  	s25 =	simm.s32 $0x100  }
0x38: {  	[spmem:s2] =	stream.indirect.scatter.add.f32 [tilespmem:s16], [sflag:$0x1], $0x10, s25, s15, $0xb8;
	[tilespmem:$0x5FD0] =	vst v63  }
0x39: {  	s26 =	simm.s32 $0x180  }
0x3a: {  	[spmem:s2] =	stream.indirect.scatter.add.f32 [tilespmem:s16], [sflag:$0x1], $0x10, s26, s15, $0xb8;
	[tilespmem:$0x5FD0] =	vst v63  }
0x3b: {  	s28 =	simm.s32 $0x200  }
0x3c: {  	[spmem:s2] =	stream.indirect.scatter.add.f32 [tilespmem:s16], [sflag:$0x1], $0x10, s28, s15, $0xb8;
	[tilespmem:$0x5FD0] =	vst v63  }
0x3d: {  	s29 =	simm.s32 $0x280  }
0x3e: {  	[spmem:s2] =	stream.indirect.scatter.add.f32 [tilespmem:s16], [sflag:$0x1], $0x10, s29, s15, $0xb8;
	[tilespmem:$0x5FD0] =	vst v63  }
0x3f: {  	s30 =	simm.s32 $0x300  }
0x40: {  	[spmem:s2] =	stream.indirect.scatter.add.f32 [tilespmem:s16], [sflag:$0x1], $0x10, s30, s15, $0xb8;
	[tilespmem:$0x5FD0] =	vst v63  }
0x41: {  	s31 =	simm.s32 $0x380  }
0x42: {  	[spmem:s2] =	stream.indirect.scatter.add.f32 [tilespmem:s16], [sflag:$0x1], $0x10, s31, s15, $0xb8;
	[tilespmem:$0x5FD0] =	vst v63  }
0x43: {  	_ =	swait.ge [sflag:s17], $0x7D0  }
0x44: {  	[sflag:s17] =	ssyncset.done $0x0  }
0x45: {  	[sflag:s17] =	ssyncadd.s32 $0xFFFFF830  }
0x46: {  	_ =	swait.ge [sflag:s17], $0x7D0  }
0x47: {  	[sflag:s17] =	ssyncset.done $0x0  }
0x48: {  	[sflag:s17] =	ssyncadd.s32 $0xFFFFF830  }
0x49: {  	_ =	swait.ge [sflag:s17], $0x7D0  }
0x4a: {  	[sflag:s17] =	ssyncset.done $0x0  }
0x4b: {  	[sflag:s17] =	ssyncadd.s32 $0xFFFFF830  }
0x4c: {  	_ =	swait.ge [sflag:s17], $0x7D0  }
0x4d: {  	[sflag:s17] =	ssyncset.done $0x0  }
0x4e: {  	[sflag:s17] =	ssyncadd.s32 $0xFFFFF830  }
0x4f: {  	_ =	swait.ge [sflag:s17], $0x7D0  }
0x50: {  	[sflag:s17] =	ssyncset.done $0x0  }
0x51: {  	[sflag:s17] =	ssyncadd.s32 $0xFFFFF830  }
0x52: {  	_ =	swait.ge [sflag:s17], $0x7D0  }
0x53: {  	[sflag:s17] =	ssyncset.done $0x0  }
0x54: {  	[sflag:s17] =	ssyncadd.s32 $0xFFFFF830  }
0x55: {  	_ =	swait.ge [sflag:s17], $0x7D0  }
0x56: {  	[sflag:s17] =	ssyncset.done $0x0  }
0x57: {  	[sflag:s17] =	ssyncadd.s32 $0xFFFFF830  }
0x58: {  	_ =	swait.ge [sflag:s17], $0x7D0  }
0x59: {  	s23 =	simm.s32 $0x1000;
	s25 =	simm.s32 $0x2000;
	[sflag:s17] =	ssyncset.done $0x0  }
.LBB2_6:
0x5a: {  	s26 =	sshra.s32 s23, $0x2  }
0x5b: {  	[sflag:s17] =	ssyncadd.s32 $0xFFFFF830;
	s23 =	smov.u32 s25;
	s24 =	sadd.s32 $0x1000, s25  }
0x5c: {  	[spmem:s2] =	stream.indirect.scatter.add.f32 [tilespmem:s16], [sflag:$0x1], $0x10, s26, s15, $0xb8;
	[tilespmem:$0x5FD0] =	vst v63  }
0x5d: {  	p0 =	sne.s32 s25, $0x9000;
	s25 =	sadd.s32 $0x80, s26  }
0x5e: {  	[spmem:s2] =	stream.indirect.scatter.add.f32 [tilespmem:s16], [sflag:$0x1], $0x10, s25, s15, $0xb8;
	[tilespmem:$0x5FD0] =	vst v63  }
0x5f: {  	s25 =	sadd.s32 $0x100, s26  }
0x60: {  	[spmem:s2] =	stream.indirect.scatter.add.f32 [tilespmem:s16], [sflag:$0x1], $0x10, s25, s15, $0xb8;
	[tilespmem:$0x5FD0] =	vst v63  }
0x61: {  	s25 =	sadd.s32 $0x180, s26  }
0x62: {  	[spmem:s2] =	stream.indirect.scatter.add.f32 [tilespmem:s16], [sflag:$0x1], $0x10, s25, s15, $0xb8;
	[tilespmem:$0x5FD0] =	vst v63  }
0x63: {  	s25 =	sadd.s32 $0x200, s26  }
0x64: {  	[spmem:s2] =	stream.indirect.scatter.add.f32 [tilespmem:s16], [sflag:$0x1], $0x10, s25, s15, $0xb8;
	[tilespmem:$0x5FD0] =	vst v63  }
0x65: {  	s25 =	sadd.s32 $0x280, s26  }
0x66: {  	[spmem:s2] =	stream.indirect.scatter.add.f32 [tilespmem:s16], [sflag:$0x1], $0x10, s25, s15, $0xb8;
	[tilespmem:$0x5FD0] =	vst v63  }
0x67: {  	s25 =	sadd.s32 $0x300, s26  }
0x68: {  	[spmem:s2] =	stream.indirect.scatter.add.f32 [tilespmem:s16], [sflag:$0x1], $0x10, s25, s15, $0xb8;
	[tilespmem:$0x5FD0] =	vst v63  }
0x69: {  	s25 =	sadd.s32 $0x380, s26  }
0x6a: {  	[spmem:s2] =	stream.indirect.scatter.add.f32 [tilespmem:s16], [sflag:$0x1], $0x10, s25, s15, $0xb8;
	[tilespmem:$0x5FD0] =	vst v63  }
0x6b: {  	_ =	swait.ge [sflag:s17], $0x7D0  }
0x6c: {  	[sflag:s17] =	ssyncset.done $0x0  }
0x6d: {  	[sflag:s17] =	ssyncadd.s32 $0xFFFFF830  }
0x6e: {  	_ =	swait.ge [sflag:s17], $0x7D0  }
0x6f: {  	[sflag:s17] =	ssyncset.done $0x0  }
0x70: {  	[sflag:s17] =	ssyncadd.s32 $0xFFFFF830  }
0x71: {  	_ =	swait.ge [sflag:s17], $0x7D0  }
0x72: {  	[sflag:s17] =	ssyncset.done $0x0  }
0x73: {  	[sflag:s17] =	ssyncadd.s32 $0xFFFFF830  }
0x74: {  	_ =	swait.ge [sflag:s17], $0x7D0  }
0x75: {  	[sflag:s17] =	ssyncset.done $0x0  }
0x76: {  	[sflag:s17] =	ssyncadd.s32 $0xFFFFF830  }
0x77: {  	_ =	swait.ge [sflag:s17], $0x7D0  }
0x78: {  	[sflag:s17] =	ssyncset.done $0x0  }
0x79: {  	[sflag:s17] =	ssyncadd.s32 $0xFFFFF830  }
0x7a: {  	_ =	swait.ge [sflag:s17], $0x7D0  }
0x7b: {  	[sflag:s17] =	ssyncset.done $0x0  }
0x7c: {  	[sflag:s17] =	ssyncadd.s32 $0xFFFFF830  }
.Ltmp2:
0x7d: {  	_ =	swait.ge [sflag:s17], $0x7D0;
	(pc) =	sbr.rel @p0 .LBB2_6-.Ltmp2, $4  }
0x7e: {  	[sflag:s17] =	ssyncset.done $0x0  }
0x7f: {  	[sflag:s17] =	ssyncadd.s32 $0xFFFFF830  }
0x80: {  	_ =	swait.ge [sflag:s17], $0x7D0  }
0x81: {  	s25 =	smov.u32 s24;
	[sflag:s17] =	ssyncset.done $0x0  }
0x82: {  	s23 =	sshra.s32 s23, $0x2;
	[sflag:s17] =	ssyncadd.s32 $0xFFFFF830  }
0x83: {  	[spmem:s2] =	stream.indirect.scatter.add.f32 [tilespmem:s16], [sflag:$0x1], $0x10, s23, s15, $0xb8;
	[tilespmem:$0x5FD0] =	vst v63  }
0x84: {  	s24 =	sadd.s32 $0x80, s23  }
0x85: {  	[spmem:s2] =	stream.indirect.scatter.add.f32 [tilespmem:s16], [sflag:$0x1], $0x10, s24, s15, $0xb8;
	[tilespmem:$0x5FD0] =	vst v63  }
0x86: {  	s31 =	sadd.s32 $0x100, s23  }
0x87: {  	[spmem:s2] =	stream.indirect.scatter.add.f32 [tilespmem:s16], [sflag:$0x1], $0x10, s31, s15, $0xb8;
	[tilespmem:$0x5FD0] =	vst v63  }
0x88: {  	s25 =	sadd.s32 $0x180, s23  }
0x89: {  	[spmem:s2] =	stream.indirect.scatter.add.f32 [tilespmem:s16], [sflag:$0x1], $0x10, s25, s15, $0xb8;
	[tilespmem:$0x5FD0] =	vst v63  }
0x8a: {  	s26 =	sadd.s32 $0x200, s23  }
0x8b: {  	[spmem:s2] =	stream.indirect.scatter.add.f32 [tilespmem:s16], [sflag:$0x1], $0x10, s26, s15, $0xb8;
	[tilespmem:$0x5FD0] =	vst v63  }
0x8c: {  	s28 =	sadd.s32 $0x280, s23  }
0x8d: {  	[spmem:s2] =	stream.indirect.scatter.add.f32 [tilespmem:s16], [sflag:$0x1], $0x10, s28, s15, $0xb8;
	[tilespmem:$0x5FD0] =	vst v63  }
0x8e: {  	s29 =	sadd.s32 $0x300, s23  }
0x8f: {  	[spmem:s2] =	stream.indirect.scatter.add.f32 [tilespmem:s16], [sflag:$0x1], $0x10, s29, s15, $0xb8;
	[tilespmem:$0x5FD0] =	vst v63  }
0x90: {  	s23 =	sadd.s32 $0x380, s23  }
0x91: {  	[spmem:s2] =	stream.indirect.scatter.add.f32 [tilespmem:s16], [sflag:$0x1], $0x10, s23, s15, $0xb8;
	[tilespmem:$0x5FD0] =	vst v63  }
0x92: {  	_ =	swait.ge [sflag:s17], $0x7D0  }
0x93: {  	[sflag:s17] =	ssyncset.done $0x0  }
0x94: {  	[sflag:s17] =	ssyncadd.s32 $0xFFFFF830  }
0x95: {  	_ =	swait.ge [sflag:s17], $0x7D0  }
0x96: {  	[sflag:s17] =	ssyncset.done $0x0  }
0x97: {  	[sflag:s17] =	ssyncadd.s32 $0xFFFFF830  }
0x98: {  	_ =	swait.ge [sflag:s17], $0x7D0  }
0x99: {  	[sflag:s17] =	ssyncset.done $0x0  }
0x9a: {  	[sflag:s17] =	ssyncadd.s32 $0xFFFFF830  }
0x9b: {  	_ =	swait.ge [sflag:s17], $0x7D0  }
0x9c: {  	[sflag:s17] =	ssyncset.done $0x0  }
0x9d: {  	[sflag:s17] =	ssyncadd.s32 $0xFFFFF830  }
0x9e: {  	_ =	swait.ge [sflag:s17], $0x7D0  }
0x9f: {  	[sflag:s17] =	ssyncset.done $0x0  }
0xa0: {  	[sflag:s17] =	ssyncadd.s32 $0xFFFFF830  }
0xa1: {  	_ =	swait.ge [sflag:s17], $0x7D0  }
0xa2: {  	[sflag:s17] =	ssyncset.done $0x0  }
0xa3: {  	[sflag:s17] =	ssyncadd.s32 $0xFFFFF830  }
0xa4: {  	_ =	swait.ge [sflag:s17], $0x7D0  }
0xa5: {  	[sflag:s17] =	ssyncset.done $0x0  }
0xa6: {  	[sflag:s17] =	ssyncadd.s32 $0xFFFFF830  }
0xa7: {  	_ =	swait.ge [sflag:s17], $0x7D0  }
0xa8: {  	[sflag:s17] =	ssyncset.done $0x0  }
0xa9: {  	s30 =	sshll.u32 s0, $0x6;
	s31 =	sadd.s32 s7, s6;
	[sflag:s17] =	ssyncadd.s32 $0xFFFFF830  }
0xaa: {  	s25 =	sshrl.u32 s5, $0x3;
	s23 =	sor.u32 $0x1C02, s30;
	[bflag:$0x0] =	sbarrier.arrive $0xFFFF  }
0xab: {  	[hbm:s31@s18], [sflag:s23] =	dma.strided [spmem:s25@s13], $0x500, s17, $0x2   }
0xac: {  	_ =	swait.ge [sflag:s13], $0x500  }
0xad: {  	[sflag:s13] =	ssyncset.done $0x0  }
0xae: {  	[sflag:s13] =	ssyncadd.s32 $0xFFFFFB00  }
0xaf: {  	[hbm:s19@s18], [sflag:s23] =	dma.strided [spmem:s25@s13], $0x500, s17, $0x2   }
0xb0: {  	_ =	swait.ge [sflag:s13], $0x500  }
0xb1: {  	[sflag:s13] =	ssyncset.done $0x0  }
0xb2: {  	[sflag:s13] =	ssyncadd.s32 $0xFFFFFB00  }
0xb3: {  	[hbm:s20@s18], [sflag:s23] =	dma.strided [spmem:s25@s13], $0x500, s17, $0x2   }
0xb4: {  	s22 =	sadd.s32 $0x1, s22;
	_ =	swait.ge [sflag:s13], $0x500  }
0xb5: {  	p0 =	sne.s32 s22, s8;
	[sflag:s13] =	ssyncset.done $0x0  }
.Ltmp3:
0xb6: {  	[sflag:s13] =	ssyncadd.s32 $0xFFFFFB00;
	(pc) =	sbr.rel @p0 .LBB2_1-.Ltmp3, $4  }
0xb7: {  	[hbm:s21@s18], [sflag:s23] =	dma.strided [spmem:s25@s13], $0x500, s17, $0x2   }
0xb8: {  	_ =	swait.ge [sflag:s13], $0x500  }
0xb9: {  	[sflag:s13] =	ssyncset.done $0x0  }
0xba: {  	[sflag:s13] =	ssyncadd.s32 $0xFFFFFB00  }
0xbb: {  	_ =	sfence.sel $0x180000  }
0xbc: {  	[bflag:$0x0] =	sbarrier.arrive $0xFFFF  }
0xbd: {  	p0 =	sne.s32 s0, $0x0;
	_ =	strace $0x90000047  }
0xbe: {  	s0 =	sadd.s32 @!p0 $0x100000, s1;
	[bflag:$0x2] =	sbarrier.arrive $0xFFFF  }
0xbf: {  	[sflag:s0] =	ssyncadd.tile.s32 @!p0 $0x1;
	_ =	shalt  }
.Lfunc_end2:
_tile_overlayer_lowered:
.L_overlay_start_2:
0xc0: {  	(tag) =	ssettag $0x2  }
0xc1: {  	s0 =	rddreg [dreg:$0x0];
	s2 =	stileid.u32  }
0xc2: {  	s1 =	rddreg [dreg:$0x1];
	p0 =	sne.s32 s2, $0x0  }
0xc3: {  	s3 =	rddreg [dreg:$0x2];
	[bflag:$0x3] =	sbarrier.arrive $0xFFFF;
	s2 =	simm.s32 @!p0 $0x1C02  }
0xc4: {  	[timem:s3], [sflag:s2] =	dma.local @!p0 [hbm:s0], s1  }
0xc5: {  	s0 =	simm.s32 @!p0 $0x2  }
0xc6: {  	_ =	swait.ge @!p0 [sflag:s0], s1  }
0xc7: {  	s1 =	ssub.s32 @!p0 $0x0, s1;
	[sflag:s0] =	ssyncset.done @!p0 $0x0  }
0xc8: {  	[sflag:s0] =	ssyncadd.s32 @!p0 s1  }
0xc9: {  	[bflag:$0x3] =	sbarrier.arrive $0xFFFF  }
0xca: {  	_ =	shalt  }

// kernel: kernel.14.cloned.1.call-start
scs
__scs_entry_jumppad:
0x0: {  	(pc) =	sbr.rel $0x88, $3  }
0x1: {  	(tag) =	ssettag $0x0;
	lr =	simm.s32 $0x1  }
0x2: {  	[smem:$0x3F97] =	sst lr;
	_ =	strace $0xD0000000  }
0x3: {  	_ = 	snop  }
0x4: {  	_ = 	snop  }
0x5: {  	_ = 	snop  }
0x6: {  	_ = 	snop  }
0x7: {  	_ = 	snop  }
__scs_overlays_trampoline_lowered:
0x8: {  	[smem:$0x3FA6] =	sst s0  }
0x9: {  	[smem:$0x3FA7] =	sst s1  }
0xa: {  	[smem:$0x3FA8] =	sst s2  }
0xb: {  	[smem:$0x3FA9] =	sst s3  }
0xc: {  	[smem:$0x3FAA] =	sst s4  }
0xd: {  	[smem:$0x3FAB] =	sst s5  }
0xe: {  	[smem:$0x3FAC] =	sst s6  }
0xf: {  	[smem:$0x3FAD] =	sst s7  }
0x10: {  	[smem:$0x3FAE] =	sst s8  }
0x11: {  	[smem:$0x3FAF] =	sst s9;
	s0 =	simm.s32 @!p0 $0x0  }
0x12: {  	s1 =	sld [smem:$0x3F95];
	s0 =	simm.s32 @p0 $0x1  }
0x13: {  	[smem:$0x3FB0] =	sst s0;
	s0 =	simm.s32 @!p1 $0x0  }
0x14: {  	s2 =	sld [smem:$0x3F94];
	s0 =	simm.s32 @p1 $0x1  }
0x15: {  	[smem:$0x3FB1] =	sst s0;
	s0 =	simm.s32 @!p2 $0x0  }
0x16: {  	s3 =	sld [smem:$0x3FDB];
	s0 =	simm.s32 @p2 $0x1  }
0x17: {  	s4 =	simm.s32 $0x1BF5;
	[smem:$0x3FB3] =	sst s0  }
0x18: {  	s0 =	sld [smem:$0x3F96];
	_ =	swait.ge [sflag:s4], $0x0  }
0x19: {  	s7 =	sld [smem:$0x3F97]  }
0x1a: {  	s8 =	sadd.s32 $0xFFFFE003, lr  }
0x1b: {  	s9 =	sadd.s32 $0xFFFFFEF7, lr;
	s5 =	simm.s32 $0xFFFFFFFF;
	p2 =	slt.u32 s8, $0xFFFFF086  }
0x1c: {  	p1 =	slt.u32 s9, $0xF7A;
	s5 =	simm.s32 @!p2 $0x0  }
0x1d: {  	s5 =	simm.s32 @p1 $0x1;
	p0 =	seq.s32 s7, s2  }
0x1e: {  	s7 =	smul.u32 @!p0 $0xF7A, s2;
	p2 =	seq.s32 @!p0 s5, $0x0  }
0x1f: {  	s9 =	smul.u32 $0xF7A, s1;
	s8 =	simm.s32 @!p0 $0x1BF5;
	p2 =	por !p2, p0  }
0x20: {  	[sflag:s8] =	ssyncset.s32 @!p0 $0xFFFFF086;
	s6 =	sadd.s32 @!p0 s3, s7;
	s7 =	simm.s32 @!p0 $0x108  }
0x21: {  	s3 =	sadd.s32 s3, s9;
	s6 =	sadd.s32 @!p0 $0x88, s6;
	s7 =	simm.s32 @p2 $0x1082  }
0x22: {  	[simem:s7], [sflag:s8] =	dma.local @!p0 [hbm:s6], $0xF7A  }
0x23: {  	s9 =	sor.u32 $0xD0000000, s2;
	s6 =	simm.s32 $0x108;
	_ =	swait.ge @!p0 [sflag:s8], $0x0  }
0x24: {  	s3 =	sadd.s32 $0x88, s3;
	s6 =	simm.s32 @!p1 $0x1082;
	[sflag:s4] =	ssyncset.s32 $0xFFFFF086  }
0x25: {  	[simem:s6], [sflag:s4] =	dma.local [hbm:s3], $0xF7A  }
0x26: {  	[smem:$0x3F97] =	sst s1;
	(tag) =	ssettag s2;
	_ =	strace s9  }
0x27: {  	s1 =	sld [smem:$0x3FA7]  }
0x28: {  	s2 =	sld [smem:$0x3FA8]  }
0x29: {  	s4 =	sld [smem:$0x3FAA]  }
0x2a: {  	p0 =	seq.s32 s5, $0x0;
	s5 =	sld [smem:$0x3FAB]  }
0x2b: {  	s6 =	sld [smem:$0x3FAC]  }
0x2c: {  	s7 =	sld [smem:$0x3FAD]  }
0x2d: {  	s3 =	simm.s32 $0x108;
	s8 =	sld [smem:$0x3FAE]  }
0x2e: {  	s3 =	simm.s32 @!p0 $0x1082;
	s9 =	sld [smem:$0x3FAF]  }
0x2f: {  	lr =	sadd.s32 s0, s3;
	s0 =	sld [smem:$0x3FA6]  }
0x30: {  	s3 =	sld [smem:$0x3FA9]  }
0x31: {  	[smem:$0x3FB2] =	sst s10  }
0x32: {  	s10 =	sld [smem:$0x3FB0];
	_ =	sdelay $0x3  }
0x33: {  	p0 =	seq.s32 s10, $0x1;
	s10 =	sld [smem:$0x3FB2];
	_ =	sdelay $0x3  }
0x34: {  	[smem:$0x3FB2] =	sst s10  }
0x35: {  	s10 =	sld [smem:$0x3FB1];
	_ =	sdelay $0x3  }
0x36: {  	p1 =	seq.s32 s10, $0x1;
	s10 =	sld [smem:$0x3FB2];
	_ =	sdelay $0x3  }
0x37: {  	[smem:$0x3FB2] =	sst s10  }
0x38: {  	s10 =	sld [smem:$0x3FB3]  }
0x39: {  	_ = 	snop;
	(pc) =	sbr.ind lr, $3  }
0x3a: {  	_ = 	snop  }
0x3b: {  	_ = 	snop  }
0x3c: {  	p2 =	seq.s32 s10, $0x1;
	s10 =	sld [smem:$0x3FB2]  }
0x3d: {  	_ =	shalt  }
0x3e: {  	_ =	shalt  }
0x3f: {  	_ =	shalt  }
0x40: {  	_ =	shalt  }
0x41: {  	_ =	shalt  }
0x42: {  	_ =	shalt  }
0x43: {  	_ =	shalt  }
0x44: {  	_ =	shalt  }
0x45: {  	_ =	shalt  }
0x46: {  	_ =	shalt  }
0x47: {  	_ =	shalt  }
0x48: {  	_ =	shalt  }
0x49: {  	_ =	shalt  }
0x4a: {  	_ =	shalt  }
0x4b: {  	_ =	shalt  }
0x4c: {  	_ =	shalt  }
0x4d: {  	_ =	shalt  }
0x4e: {  	_ =	shalt  }
0x4f: {  	_ =	shalt  }
0x50: {  	_ =	shalt  }
0x51: {  	_ =	shalt  }
0x52: {  	_ =	shalt  }
0x53: {  	_ =	shalt  }
0x54: {  	_ =	shalt  }
0x55: {  	_ =	shalt  }
0x56: {  	_ =	shalt  }
0x57: {  	_ =	shalt  }
0x58: {  	_ =	shalt  }
0x59: {  	_ =	shalt  }
0x5a: {  	_ =	shalt  }
0x5b: {  	_ =	shalt  }
0x5c: {  	_ =	shalt  }
0x5d: {  	_ =	shalt  }
0x5e: {  	_ =	shalt  }
0x5f: {  	_ =	shalt  }
0x60: {  	_ =	shalt  }
0x61: {  	_ =	shalt  }
0x62: {  	_ =	shalt  }
0x63: {  	_ =	shalt  }
0x64: {  	_ =	shalt  }
0x65: {  	_ =	shalt  }
0x66: {  	_ =	shalt  }
0x67: {  	_ =	shalt  }
0x68: {  	_ =	shalt  }
0x69: {  	_ =	shalt  }
0x6a: {  	_ =	shalt  }
0x6b: {  	_ =	shalt  }
0x6c: {  	_ =	shalt  }
0x6d: {  	_ =	shalt  }
0x6e: {  	_ =	shalt  }
0x6f: {  	_ =	shalt  }
0x70: {  	_ =	shalt  }
0x71: {  	_ =	shalt  }
0x72: {  	_ =	shalt  }
0x73: {  	_ =	shalt  }
0x74: {  	_ =	shalt  }
0x75: {  	_ =	shalt  }
0x76: {  	_ =	shalt  }
0x77: {  	_ =	shalt  }
0x78: {  	_ =	shalt  }
0x79: {  	_ =	shalt  }
0x7a: {  	_ =	shalt  }
0x7b: {  	_ =	shalt  }
0x7c: {  	_ =	shalt  }
0x7d: {  	_ =	shalt  }
0x7e: {  	_ =	shalt  }
0x7f: {  	_ =	shalt  }
0x80: {  	_ =	shalt  }
0x81: {  	_ =	shalt  }
0x82: {  	_ =	shalt  }
0x83: {  	_ =	shalt  }
0x84: {  	_ =	shalt  }
0x85: {  	_ =	shalt  }
0x86: {  	_ =	shalt  }
0x87: {  	_ =	shalt  }
.Lfunc_end0:
.L_simem_size_0:
called_computation.1_lowered:
.L_overlay_start_0:
0x88: {  	s2 =	sld [smem:$0x3FD9]  }
0x89: {  	s3 =	sld [smem:$0x3FFE];
	_ =	sdelay $0x1  }
0x8a: {  	s1 =	srdreg.scid  }
0x8b: {  	s0 =	sand.u32 $0x1, s1  }
0x8c: {  	s17 =	sshll.u32 s0, $0xA;
	s2 =	sadd.s32 s3, s2  }
0x8d: {  	s2 =	sadd.s32 s2, s17  }
0x8e: {  	[smem:$0x3FBE] =	sst s2  }
0x8f: {  	_ = 	snop  }
0x90: {  	s2 =	sld [smem:$0x3FD0];
	(tm) =	ssettm $0x1  }
0x91: {  	s18 =	sld [smem:$0x3FFB];
	_ =	sdelay $0x3  }
0x92: {  	_ =	strace s18  }
0x93: {  	s3 =	sld [smem:$0x3FFC];
	_ =	sdelay $0x3  }
0x94: {  	_ =	strace s3  }
0x95: {  	s3 =	sld [smem:$0x3FFD];
	_ =	sdelay $0x3  }
0x96: {  	_ =	strace s3  }
0x97: {  	_ =	strace $0x8FFFFFFF  }
0x98: {  	s19 =	sld [smem:$0x3FDB];
	_ =	sdelay $0x1  }
0x99: {  	s4 =	simm.s32 $_scs_section_size  }
0x9a: {  	s5 =	simm.s32 $_size__tile_overlayer_lowered;
	s6 =	simm.s32 $_tile_overlayer_lowered  }
0x9b: {  	s22 =	simm.s32 $0x1BFF;
	s21 =	sshll.u32 s6, $0x1;
	s3 =	sadd.s32 s4, s19  }
0x9c: {  	s7 =	simm.s32 $0x0;
	s20 =	sshll.u32 s5, $0x1;
	s5 =	sadd.s32 s21, s3  }
0x9d: {  	[timem:s7], [sflag:s22] =	dma.local [hbm:s5], s20  }
0x9e: {  	_ =	swait.ge [sflag:s22], s20  }
0x9f: {  	s4 =	ssub.s32 $0x0, s20;
	[sflag:s22] =	ssyncset.done $0x0  }
0xa0: {  	[sflag:s22] =	ssyncadd.s32 s4;
	_ =	sdelay $0x1  }
0xa1: {  	s23 =	simm.s32 $0x1B8B  }
0xa2: {  	_ =	swait.ge [sflag:s23], $0x1  }
0xa3: {  	[sflag:s23] =	ssyncset.done $0x0  }
0xa4: {  	s25 =	simm.s32 $0x1B8E;
	s24 =	sld [smem:$0x3FFE];
	[sflag:s23] =	ssyncadd.s32 $0xFFFFFFFF  }
0xa5: {  	s26 =	simm.s32 $execute0_lowered;
	[smem:$0x3FD2] =	sst s25  }
0xa6: {  	s5 =	sshll.u32 s26, $0x1;
	_ =	strace $0x80000049;
	[dreg:$0x1] =	wrdreg $0xFFFFFFFF  }
0xa7: {  	s28 =	simm.s32 $_size_execute0_lowered;
	s3 =	sadd.s32 s3, s5;
	[dreg:$0x0] =	wrdreg $0x0  }
0xa8: {  	s5 =	sshll.u32 s28, $0x1;
	[dreg:$0x2] =	wrdreg s3  }
0xa9: {  	[dreg:$0x3] =	wrdreg s5  }
0xaa: {  	[dreg:$0x4] =	wrdreg $0xC0  }
0xab: {  	_ =	task [dreg:s7], $0x5FFFF  }
0xac: {  	[dreg:$0x1] =	wrdreg $0xFFFFFFFF  }
0xad: {  	[dreg:$0x0] =	wrdreg $0x60  }
0xae: {  	[dreg:$0x2] =	wrdreg s2  }
0xaf: {  	[dreg:$0x3] =	wrdreg s24  }
0xb0: {  	[dreg:$0x4] =	wrdreg $0xCD000  }
0xb1: {  	[dreg:$0x5] =	wrdreg $0x9  }
0xb2: {  	_ =	task.clear_ibuf [dreg:s7], $0x6FFFF;
	_ =	strace $0x90000049  }
0xb3: {  	s29 =	simm.s32 $0x9;
	_ =	strace $0x8000004B  }
0xb4: {  	_ =	swait.ge [sflag:s29], $0x1  }
0xb5: {  	[sflag:s29] =	ssyncadd.s32 $0xFFFFFFFF  }
0xb6: {  	_ =	strace $0x9000004B  }
0xb7: {  	_ =	sfence  }
0xb8: {  	s30 =	sld [smem:$0x0];
	_ =	sdelay $0x2  }
0xb9: {  	s31 =	sshll.u32 s1, $0xD;
	s1 =	sshrl.u32 s1, $0x2  }
0xba: {  	s3 =	sand.u32 $0x4000, s31;
	s1 =	sadd.s32 s1, s30  }
0xbb: {  	s0 =	sor.u32 s3, s0;
	s1 =	sshll.u32 s1, $0x11  }
0xbc: {  	s0 =	sor.u32 s1, s0  }
0xbd: {  	s0 =	sadd.s32 $0x8F2B, s0  }
0xbe: {  	[sflag:s0] =	ssyncadd.remote.s32 $0x1  }
0xbf: {  	_ =	sfence.sel $0xFFFF  }
0xc0: {  	[dreg:$0x0] =	wrdreg $0xFFFFFFFF;
	(pc) =	sbr.abs _section_cstart, $3  }
0xc1: {  	[dreg:$0x1] =	wrdreg $0xFFFFFFFF  }
0xc2: {  	_ =	task.clear_ibuf [dreg:s7], $0x2FFFF;
	_ =	strace $0x9FFFFFFF  }
0xc3: {  	(tm) =	ssettm $0x7FFFFFFF  }
tec
execute0_lowered:
.L_overlay_start_1:
0x0: {  	(tag) =	ssettag $0x1  }
0x1: {  	s1 =	rddreg [dreg:$0x0]  }
0x2: {  	s0 =	srdreg.scid;
	s7 =	rddreg [dreg:$0x1]  }
0x3: {  	s10 =	stileid.u32;
	s3 =	rddreg [dreg:$0x2]  }
0x4: {  	s4 =	simm.s32 $0x0;
	s13 =	simm.s32 $0x5;
	s16 =	simm.s32 $0x5000  }
0x5: {  	s17 =	simm.s32 $0x7D;
	s19 =	simm.s32 $0x6F40;
	s21 =	simm.s32 $0x8E80  }
0x6: {  	s24 =	simm.s32 $0xADC0;
	s26 =	simm.s32 $0x1;
	s28 =	simm.s32 $0x2  }
0x7: {  	s29 =	simm.s32 $0x3;
	s30 =	simm.s32 $0x4;
	s0 =	sand.u32 $0x1, s0  }
0x8: {  	s2 =	sshll.u32 s10, $0x1;
	[smem:$0x7FF] =	sst s4;
	s6 =	smul.u32 $0x28000, s10  }
0x9: {  	s10 =	smul.u32 $0xA000, s10;
	s14 =	sadd.s32 $0xF200, s7;
	s2 =	sor.u32 s0, s2  }
0xa: {  	s5 =	smul.u32 $0x14000, s0;
	_ =	strace $0x8000004A;
	s0 =	ssub.s32 $0x2, s0  }
0xb: {  	s2 =	smul.u32 $0x500, s2;
	s31 =	sshrl.u32 s0, $0x1;
	s6 =	sshrl.u32 s6, $0x2  }
0xc: {  	s18 =	sshrl.u32 s10, $0x3;
	s20 =	sadd.s32 s10, s3;
	s9 =	sadd.s32 s5, s7  }
0xd: {  	s0 =	ssub.s32 s0, s31;
	s5 =	sadd.s32 s6, s3;
	s25 =	sshrl.u32 s20, $0x3  }
0xe: {  	s8 =	sadd.s32 s2, s7;
	s7 =	sadd.s32 $0x9C40, s5;
	s15 =	sadd.s32 $0x19200, s9  }
0xf: {  	s9 =	sadd.s32 $0x1F40, s5;
	s10 =	sadd.s32 $0x3E80, s5;
	s11 =	sadd.s32 $0x5DC0, s5  }
0x10: {  	s12 =	sadd.s32 $0x7D00, s5;
	s14 =	sadd.s32 s2, s14;
	s2 =	simm.s32 $0x4E80  }
0x11: {  	s6 =	sadd.s32 $0x5200, s8;
	s8 =	smax.u32 s0, $0x1;
	s23 =	sadd.s32 s18, s15  }
0x12: {  	v0 =	vimm.f32 $0.0e+00;
	s0 =	simm.s32 $0x4F00;
	s15 =	simm.s32 $0x4F80;
	s18 =	simm.s32 $0x0  }
.LBB2_1:
0x13: {  	[tilespmem:s4], [sflag:$0x5] =	stream.linear.gather [hbm4b:s6+s4], $0x2800, $0x38;
	[tilespmem:$0x16D00] =	vst v63  }
0x14: {  	_ =	swait.ge [sflag:s13], $0x2800  }
0x15: {  	[sflag:s13] =	ssyncset.done $0x0  }
0x16: {  	s20 =	simm.s32 $0x2800;
	[sflag:s13] =	ssyncadd.s32 $0xFFFFD800  }
0x17: {  	[tilespmem:s20], [sflag:$0x5] =	stream.linear.gather [hbm4b:s14+s4], $0x2800, $0x38;
	[tilespmem:$0x16D00] =	vst v63  }
0x18: {  	_ =	swait.ge [sflag:s13], $0x2800  }
0x19: {  	[sflag:s13] =	ssyncset.done $0x0  }
0x1a: {  	s22 =	simm.s32 $0x100;
	s20 =	simm.s32 $0x0;
	[sflag:s13] =	ssyncadd.s32 $0xFFFFD800  }
.LBB2_2:
0x1b: {  	p0 =	sne.s32 s22, $0x7C00;
	[tilespmem:s20+$0x5030] =	vst v0;
	s31 =	smov.u32 s22;
	s22 =	sadd.s32 $0x100, s22  }
.Ltmp0:
0x1c: {  	[tilespmem:s20+$0x5020] =	vst v0;
	(pc) =	sbr.rel @p0 .LBB2_2-.Ltmp0, $3  }
0x1d: {  	[tilespmem:s20+$0x5000] =	vst v0  }
0x1e: {  	[tilespmem:s20+$0x5010] =	vst v0;
	_ =	sdelay $0x1  }
0x1f: {  	s20 =	sshra.s32 s31, $0x2  }
0x20: {  	[tilespmem:s20+$0x5030] =	vst v0  }
0x21: {  	[tilespmem:s20+$0x5020] =	vst v0  }
0x22: {  	[tilespmem:s20+$0x5000] =	vst v0  }
0x23: {  	[tilespmem:s20+$0x5010] =	vst v0  }
0x24: {  	[spmem:s5] =	stream.linear.scatter [tilespmem:s16], [sflag:$0x5], $0x1F40, $0x38;
	[tilespmem:$0x16D00] =	vst v63  }
0x25: {  	_ =	swait.ge [sflag:s13], $0x1F40  }
0x26: {  	[sflag:s13] =	ssyncset.done $0x0  }
0x27: {  	[sflag:s13] =	ssyncadd.s32 $0xFFFFE0C0  }
0x28: {  	[spmem:s9] =	stream.linear.scatter [tilespmem:s16], [sflag:$0x5], $0x1F40, $0x38;
	[tilespmem:$0x16D00] =	vst v63  }
0x29: {  	_ =	swait.ge [sflag:s13], $0x1F40  }
0x2a: {  	[sflag:s13] =	ssyncset.done $0x0  }
0x2b: {  	[sflag:s13] =	ssyncadd.s32 $0xFFFFE0C0  }
0x2c: {  	[spmem:s10] =	stream.linear.scatter [tilespmem:s16], [sflag:$0x5], $0x1F40, $0x38;
	[tilespmem:$0x16D00] =	vst v63  }
0x2d: {  	_ =	swait.ge [sflag:s13], $0x1F40  }
0x2e: {  	[sflag:s13] =	ssyncset.done $0x0  }
0x2f: {  	[sflag:s13] =	ssyncadd.s32 $0xFFFFE0C0  }
0x30: {  	[spmem:s11] =	stream.linear.scatter [tilespmem:s16], [sflag:$0x5], $0x1F40, $0x38;
	[tilespmem:$0x16D00] =	vst v63  }
0x31: {  	_ =	swait.ge [sflag:s13], $0x1F40  }
0x32: {  	[sflag:s13] =	ssyncset.done $0x0  }
0x33: {  	[sflag:s13] =	ssyncadd.s32 $0xFFFFE0C0  }
0x34: {  	[spmem:s12] =	stream.linear.scatter [tilespmem:s16], [sflag:$0x5], $0x1F40, $0x38;
	[tilespmem:$0x16D00] =	vst v63  }
0x35: {  	_ =	swait.ge [sflag:s13], $0x1F40  }
0x36: {  	[sflag:s13] =	ssyncset.done $0x0  }
0x37: {  	[sflag:s13] =	ssyncadd.s32 $0xFFFFE0C0  }
0x38: {  	[spmem:s7] =	stream.linear.scatter [tilespmem:s16], [sflag:$0x5], $0x3C0, $0x38;
	[tilespmem:$0x16D00] =	vst v63  }
0x39: {  	_ =	swait.ge [sflag:s13], $0x3C0  }
0x3a: {  	[sflag:s13] =	ssyncset.done $0x0  }
0x3b: {  	s31 =	simm.s32 $0x0;
	[sflag:s13] =	ssyncadd.s32 $0xFFFFFC40  }
0x3c: {  	[tilespmem:s16], [sflag:$0x1] =	stream.indirect.gather [hbm4b:s1+s17], $0x40, s31, s17, $0xb8;
	[tilespmem:$0x16D00] =	vst v63  }
0x3d: {  	s22 =	simm.s32 $0x80  }
0x3e: {  	[tilespmem:s19], [sflag:$0x2] =	stream.indirect.gather [hbm4b:s1+s17], $0x40, s22, s17, $0xb8;
	[tilespmem:$0x16D00] =	vst v63  }
0x3f: {  	s31 =	simm.s32 $0x100  }
0x40: {  	[tilespmem:s21], [sflag:$0x3] =	stream.indirect.gather [hbm4b:s1+s17], $0x40, s31, s17, $0xb8;
	[tilespmem:$0x16D00] =	vst v63  }
0x41: {  	s22 =	simm.s32 $0x180  }
0x42: {  	[tilespmem:s24], [sflag:$0x4] =	stream.indirect.gather [hbm4b:s1+s17], $0x40, s22, s17, $0xb8;
	[tilespmem:$0x16D00] =	vst v63  }
0x43: {  	[bflag:$0x0] =	sbarrier.arrive $0xFFFF  }
0x44: {  	_ =	swait.ge [sflag:s26], $0x1F40  }
0x45: {  	[sflag:s26] =	ssyncset.done $0x0  }
0x46: {  	s31 =	simm.s32 $0x2800;
	[sflag:s26] =	ssyncadd.s32 $0xFFFFE0C0  }
0x47: {  	[spmem:s3] =	stream.indirect.scatter.add.f32 [tilespmem:s16], [sflag:$0x5], $0x40, s31, s17, $0xb8;
	[tilespmem:$0x16D00] =	vst v63  }
0x48: {  	_ =	swait.ge [sflag:s13], $0x1F40  }
0x49: {  	[sflag:s13] =	ssyncset.done $0x0  }
0x4a: {  	s22 =	simm.s32 $0x200;
	[sflag:s13] =	ssyncadd.s32 $0xFFFFE0C0  }
0x4b: {  	[tilespmem:s16], [sflag:$0x1] =	stream.indirect.gather [hbm4b:s1+s17], $0x40, s22, s17, $0xb8;
	[tilespmem:$0x16D00] =	vst v63  }
0x4c: {  	_ =	swait.ge [sflag:s28], $0x1F40  }
0x4d: {  	[sflag:s28] =	ssyncset.done $0x0  }
0x4e: {  	s31 =	simm.s32 $0x2880;
	[sflag:s28] =	ssyncadd.s32 $0xFFFFE0C0  }
0x4f: {  	[spmem:s3] =	stream.indirect.scatter.add.f32 [tilespmem:s19], [sflag:$0x5], $0x40, s31, s17, $0xb8;
	[tilespmem:$0x16D00] =	vst v63  }
0x50: {  	_ =	swait.ge [sflag:s13], $0x1F40  }
0x51: {  	[sflag:s13] =	ssyncset.done $0x0  }
0x52: {  	s22 =	simm.s32 $0x280;
	[sflag:s13] =	ssyncadd.s32 $0xFFFFE0C0  }
0x53: {  	[tilespmem:s19], [sflag:$0x2] =	stream.indirect.gather [hbm4b:s1+s17], $0x40, s22, s17, $0xb8;
	[tilespmem:$0x16D00] =	vst v63  }
0x54: {  	_ =	swait.ge [sflag:s29], $0x1F40  }
0x55: {  	[sflag:s29] =	ssyncset.done $0x0  }
0x56: {  	s31 =	simm.s32 $0x2900;
	[sflag:s29] =	ssyncadd.s32 $0xFFFFE0C0  }
0x57: {  	[spmem:s3] =	stream.indirect.scatter.add.f32 [tilespmem:s21], [sflag:$0x5], $0x40, s31, s17, $0xb8;
	[tilespmem:$0x16D00] =	vst v63  }
0x58: {  	_ =	swait.ge [sflag:s13], $0x1F40  }
0x59: {  	[sflag:s13] =	ssyncset.done $0x0  }
0x5a: {  	s22 =	simm.s32 $0x300;
	[sflag:s13] =	ssyncadd.s32 $0xFFFFE0C0  }
0x5b: {  	[tilespmem:s21], [sflag:$0x3] =	stream.indirect.gather [hbm4b:s1+s17], $0x40, s22, s17, $0xb8;
	[tilespmem:$0x16D00] =	vst v63  }
0x5c: {  	_ =	swait.ge [sflag:s30], $0x1F40  }
0x5d: {  	[sflag:s30] =	ssyncset.done $0x0  }
0x5e: {  	s31 =	simm.s32 $0x2980;
	[sflag:s30] =	ssyncadd.s32 $0xFFFFE0C0  }
0x5f: {  	[spmem:s3] =	stream.indirect.scatter.add.f32 [tilespmem:s24], [sflag:$0x5], $0x40, s31, s17, $0xb8;
	[tilespmem:$0x16D00] =	vst v63  }
0x60: {  	_ =	swait.ge [sflag:s13], $0x1F40  }
0x61: {  	[sflag:s13] =	ssyncset.done $0x0  }
0x62: {  	s20 =	simm.s32 $0x800;
	s22 =	simm.s32 $0x380;
	[sflag:s13] =	ssyncadd.s32 $0xFFFFE0C0  }
.LBB2_4:
0x63: {  	[tilespmem:s24], [sflag:$0x4] =	stream.indirect.gather [hbm4b:s1+s17], $0x40, s22, s17, $0xb8;
	[tilespmem:$0x16D00] =	vst v63  }
0x64: {  	s22 =	smov.u32 s20  }
0x65: {  	p0 =	sne.s32 s20, $0x9000;
	s20 =	sadd.s32 $0x800, s20;
	_ =	swait.ge [sflag:s26], $0x1F40  }
0x66: {  	s22 =	sshra.s32 s22, $0x2;
	[sflag:s26] =	ssyncset.done $0x0  }
0x67: {  	s31 =	sadd.s32 $0x2800, s22;
	[sflag:s26] =	ssyncadd.s32 $0xFFFFE0C0  }
0x68: {  	[spmem:s3] =	stream.indirect.scatter.add.f32 [tilespmem:s16], [sflag:$0x5], $0x40, s31, s17, $0xb8;
	[tilespmem:$0x16D00] =	vst v63  }
0x69: {  	_ =	swait.ge [sflag:s13], $0x1F40  }
0x6a: {  	[sflag:s13] =	ssyncset.done $0x0  }
0x6b: {  	s31 =	sadd.s32 $0x200, s22;
	[sflag:s13] =	ssyncadd.s32 $0xFFFFE0C0  }
0x6c: {  	[tilespmem:s16], [sflag:$0x1] =	stream.indirect.gather [hbm4b:s1+s17], $0x40, s31, s17, $0xb8;
	[tilespmem:$0x16D00] =	vst v63  }
0x6d: {  	_ =	swait.ge [sflag:s28], $0x1F40  }
0x6e: {  	[sflag:s28] =	ssyncset.done $0x0  }
0x6f: {  	s31 =	sadd.s32 $0x2880, s22;
	[sflag:s28] =	ssyncadd.s32 $0xFFFFE0C0  }
0x70: {  	[spmem:s3] =	stream.indirect.scatter.add.f32 [tilespmem:s19], [sflag:$0x5], $0x40, s31, s17, $0xb8;
	[tilespmem:$0x16D00] =	vst v63  }
0x71: {  	_ =	swait.ge [sflag:s13], $0x1F40  }
0x72: {  	[sflag:s13] =	ssyncset.done $0x0  }
0x73: {  	s31 =	sadd.s32 $0x280, s22;
	[sflag:s13] =	ssyncadd.s32 $0xFFFFE0C0  }
0x74: {  	[tilespmem:s19], [sflag:$0x2] =	stream.indirect.gather [hbm4b:s1+s17], $0x40, s31, s17, $0xb8;
	[tilespmem:$0x16D00] =	vst v63  }
0x75: {  	_ =	swait.ge [sflag:s29], $0x1F40  }
0x76: {  	[sflag:s29] =	ssyncset.done $0x0  }
0x77: {  	s31 =	sadd.s32 $0x2900, s22;
	[sflag:s29] =	ssyncadd.s32 $0xFFFFE0C0  }
0x78: {  	[spmem:s3] =	stream.indirect.scatter.add.f32 [tilespmem:s21], [sflag:$0x5], $0x40, s31, s17, $0xb8;
	[tilespmem:$0x16D00] =	vst v63  }
0x79: {  	_ =	swait.ge [sflag:s13], $0x1F40  }
0x7a: {  	[sflag:s13] =	ssyncset.done $0x0  }
0x7b: {  	s31 =	sadd.s32 $0x300, s22;
	[sflag:s13] =	ssyncadd.s32 $0xFFFFE0C0  }
0x7c: {  	[tilespmem:s21], [sflag:$0x3] =	stream.indirect.gather [hbm4b:s1+s17], $0x40, s31, s17, $0xb8;
	[tilespmem:$0x16D00] =	vst v63  }
0x7d: {  	_ =	swait.ge [sflag:s30], $0x1F40  }
0x7e: {  	[sflag:s30] =	ssyncset.done $0x0  }
.Ltmp1:
0x7f: {  	s31 =	sadd.s32 $0x2980, s22;
	[sflag:s30] =	ssyncadd.s32 $0xFFFFE0C0;
	(pc) =	sbr.rel @p0 .LBB2_4-.Ltmp1, $4  }
0x80: {  	[spmem:s3] =	stream.indirect.scatter.add.f32 [tilespmem:s24], [sflag:$0x5], $0x40, s31, s17, $0xb8;
	[tilespmem:$0x16D00] =	vst v63  }
0x81: {  	_ =	swait.ge [sflag:s13], $0x1F40  }
0x82: {  	[sflag:s13] =	ssyncset.done $0x0  }
0x83: {  	s22 =	sadd.s32 $0x380, s22;
	[sflag:s13] =	ssyncadd.s32 $0xFFFFE0C0  }
0x84: {  	[tilespmem:s24], [sflag:$0x4] =	stream.indirect.gather [hbm4b:s1+s17], $0x40, s22, s17, $0xb8;
	[tilespmem:$0x16D00] =	vst v63  }
0x85: {  	_ =	swait.ge [sflag:s26], $0x1F40  }
0x86: {  	[sflag:s26] =	ssyncset.done $0x0  }
0x87: {  	s20 =	simm.s32 $0x4E00;
	[sflag:s26] =	ssyncadd.s32 $0xFFFFE0C0  }
0x88: {  	[spmem:s3] =	stream.indirect.scatter.add.f32 [tilespmem:s16], [sflag:$0x5], $0x40, s20, s17, $0xb8;
	[tilespmem:$0x16D00] =	vst v63  }
0x89: {  	_ =	swait.ge [sflag:s13], $0x1F40  }
0x8a: {  	[sflag:s13] =	ssyncset.done $0x0  }
0x8b: {  	[sflag:s13] =	ssyncadd.s32 $0xFFFFE0C0  }
0x8c: {  	_ =	swait.ge [sflag:s28], $0x1F40  }
0x8d: {  	[sflag:s28] =	ssyncset.done $0x0  }
0x8e: {  	[sflag:s28] =	ssyncadd.s32 $0xFFFFE0C0  }
0x8f: {  	[spmem:s3] =	stream.indirect.scatter.add.f32 [tilespmem:s19], [sflag:$0x5], $0x40, s2, s17, $0xb8;
	[tilespmem:$0x16D00] =	vst v63  }
0x90: {  	_ =	swait.ge [sflag:s13], $0x1F40  }
0x91: {  	[sflag:s13] =	ssyncset.done $0x0  }
0x92: {  	[sflag:s13] =	ssyncadd.s32 $0xFFFFE0C0  }
0x93: {  	_ =	swait.ge [sflag:s29], $0x1F40  }
0x94: {  	[sflag:s29] =	ssyncset.done $0x0  }
0x95: {  	[sflag:s29] =	ssyncadd.s32 $0xFFFFE0C0  }
0x96: {  	[spmem:s3] =	stream.indirect.scatter.add.f32 [tilespmem:s21], [sflag:$0x5], $0x40, s0, s17, $0xb8;
	[tilespmem:$0x16D00] =	vst v63  }
0x97: {  	_ =	swait.ge [sflag:s13], $0x1F40  }
0x98: {  	[sflag:s13] =	ssyncset.done $0x0  }
0x99: {  	[sflag:s13] =	ssyncadd.s32 $0xFFFFE0C0  }
0x9a: {  	_ =	swait.ge [sflag:s30], $0x1F40  }
0x9b: {  	[sflag:s30] =	ssyncset.done $0x0  }
0x9c: {  	[sflag:s30] =	ssyncadd.s32 $0xFFFFE0C0  }
0x9d: {  	[spmem:s3] =	stream.indirect.scatter.add.f32 [tilespmem:s24], [sflag:$0x5], $0x40, s15, s17, $0xb8;
	[tilespmem:$0x16D00] =	vst v63  }
0x9e: {  	_ =	swait.ge [sflag:s13], $0x1F40  }
0x9f: {  	s31 =	stileid.u32;
	s18 =	sadd.s32 $0x1, s18;
	[sflag:s13] =	ssyncset.done $0x0  }
0xa0: {  	p0 =	sne.s32 s18, s8;
	s20 =	sshll.u32 s31, $0x6;
	[sflag:s13] =	ssyncadd.s32 $0xFFFFE0C0  }
.Ltmp2:
0xa1: {  	s20 =	sor.u32 $0x1C05, s20;
	[bflag:$0x0] =	sbarrier.arrive $0xFFFF;
	(pc) =	sbr.rel @p0 .LBB2_1-.Ltmp2, $4  }
0xa2: {  	[hbm:s23], [sflag:s20] =	dma.local [spmem:s25], $0x1400  }
0xa3: {  	_ =	swait.ge [sflag:s13], $0x1400  }
0xa4: {  	[sflag:s13] =	ssyncset.done $0x0  }
0xa5: {  	[sflag:s13] =	ssyncadd.s32 $0xFFFFEC00  }
0xa6: {  	_ =	sfence.sel $0x180000  }
0xa7: {  	[bflag:$0x0] =	sbarrier.arrive $0xFFFF  }
0xa8: {  	_ =	strace $0x9000004A  }
0xa9: {  	s0 =	stileid.u32;
	[bflag:$0x2] =	sbarrier.arrive $0xFFFF  }
0xaa: {  	p0 =	sne.s32 s0, $0x0;
	s0 =	rddreg [dreg:$0x3]  }
0xab: {  	s0 =	sadd.s32 @!p0 $0x100000, s0  }
0xac: {  	[sflag:s0] =	ssyncadd.tile.s32 @!p0 $0x1;
	_ =	shalt  }
.Lfunc_end2:
_tile_overlayer_lowered:
.L_overlay_start_2:
0xad: {  	(tag) =	ssettag $0x2  }
0xae: {  	s0 =	rddreg [dreg:$0x0];
	s2 =	stileid.u32  }
0xaf: {  	s1 =	rddreg [dreg:$0x1];
	p0 =	sne.s32 s2, $0x0  }
0xb0: {  	s3 =	rddreg [dreg:$0x2];
	[bflag:$0x3] =	sbarrier.arrive $0xFFFF;
	s2 =	simm.s32 @!p0 $0x1C05  }
0xb1: {  	[timem:s3], [sflag:s2] =	dma.local @!p0 [hbm:s0], s1  }
0xb2: {  	s0 =	simm.s32 @!p0 $0x5  }
0xb3: {  	_ =	swait.ge @!p0 [sflag:s0], s1  }
0xb4: {  	s1 =	ssub.s32 @!p0 $0x0, s1;
	[sflag:s0] =	ssyncset.done @!p0 $0x0  }
0xb5: {  	[sflag:s0] =	ssyncadd.s32 @!p0 s1  }
0xb6: {  	[bflag:$0x3] =	sbarrier.arrive $0xFFFF  }
0xb7: {  	_ =	shalt  }

// kernel: kernel.17.cloned.1.call-start
scs
__scs_entry_jumppad:
0x0: {  	(pc) =	sbr.rel $0x88, $3  }
0x1: {  	(tag) =	ssettag $0x0;
	lr =	simm.s32 $0x1  }
0x2: {  	[smem:$0x3F97] =	sst lr;
	_ =	strace $0xD0000000  }
0x3: {  	_ = 	snop  }
0x4: {  	_ = 	snop  }
0x5: {  	_ = 	snop  }
0x6: {  	_ = 	snop  }
0x7: {  	_ = 	snop  }
__scs_overlays_trampoline_lowered:
0x8: {  	[smem:$0x3FA6] =	sst s0  }
0x9: {  	[smem:$0x3FA7] =	sst s1  }
0xa: {  	[smem:$0x3FA8] =	sst s2  }
0xb: {  	[smem:$0x3FA9] =	sst s3  }
0xc: {  	[smem:$0x3FAA] =	sst s4  }
0xd: {  	[smem:$0x3FAB] =	sst s5  }
0xe: {  	[smem:$0x3FAC] =	sst s6  }
0xf: {  	[smem:$0x3FAD] =	sst s7  }
0x10: {  	[smem:$0x3FAE] =	sst s8  }
0x11: {  	[smem:$0x3FAF] =	sst s9;
	s0 =	simm.s32 @!p0 $0x0  }
0x12: {  	s1 =	sld [smem:$0x3F95];
	s0 =	simm.s32 @p0 $0x1  }
0x13: {  	[smem:$0x3FB0] =	sst s0;
	s0 =	simm.s32 @!p1 $0x0  }
0x14: {  	s2 =	sld [smem:$0x3F94];
	s0 =	simm.s32 @p1 $0x1  }
0x15: {  	[smem:$0x3FB1] =	sst s0;
	s0 =	simm.s32 @!p2 $0x0  }
0x16: {  	s3 =	sld [smem:$0x3FDB];
	s0 =	simm.s32 @p2 $0x1  }
0x17: {  	s4 =	simm.s32 $0x1BF5;
	[smem:$0x3FB3] =	sst s0  }
0x18: {  	s0 =	sld [smem:$0x3F96];
	_ =	swait.ge [sflag:s4], $0x0  }
0x19: {  	s7 =	sld [smem:$0x3F97]  }
0x1a: {  	s8 =	sadd.s32 $0xFFFFE003, lr  }
0x1b: {  	s9 =	sadd.s32 $0xFFFFFEF7, lr;
	s5 =	simm.s32 $0xFFFFFFFF;
	p2 =	slt.u32 s8, $0xFFFFF086  }
0x1c: {  	p1 =	slt.u32 s9, $0xF7A;
	s5 =	simm.s32 @!p2 $0x0  }
0x1d: {  	s5 =	simm.s32 @p1 $0x1;
	p0 =	seq.s32 s7, s2  }
0x1e: {  	s7 =	smul.u32 @!p0 $0xF7A, s2;
	p2 =	seq.s32 @!p0 s5, $0x0  }
0x1f: {  	s9 =	smul.u32 $0xF7A, s1;
	s8 =	simm.s32 @!p0 $0x1BF5;
	p2 =	por !p2, p0  }
0x20: {  	[sflag:s8] =	ssyncset.s32 @!p0 $0xFFFFF086;
	s6 =	sadd.s32 @!p0 s3, s7;
	s7 =	simm.s32 @!p0 $0x108  }
0x21: {  	s3 =	sadd.s32 s3, s9;
	s6 =	sadd.s32 @!p0 $0x88, s6;
	s7 =	simm.s32 @p2 $0x1082  }
0x22: {  	[simem:s7], [sflag:s8] =	dma.local @!p0 [hbm:s6], $0xF7A  }
0x23: {  	s9 =	sor.u32 $0xD0000000, s2;
	s6 =	simm.s32 $0x108;
	_ =	swait.ge @!p0 [sflag:s8], $0x0  }
0x24: {  	s3 =	sadd.s32 $0x88, s3;
	s6 =	simm.s32 @!p1 $0x1082;
	[sflag:s4] =	ssyncset.s32 $0xFFFFF086  }
0x25: {  	[simem:s6], [sflag:s4] =	dma.local [hbm:s3], $0xF7A  }
0x26: {  	[smem:$0x3F97] =	sst s1;
	(tag) =	ssettag s2;
	_ =	strace s9  }
0x27: {  	s1 =	sld [smem:$0x3FA7]  }
0x28: {  	s2 =	sld [smem:$0x3FA8]  }
0x29: {  	s4 =	sld [smem:$0x3FAA]  }
0x2a: {  	p0 =	seq.s32 s5, $0x0;
	s5 =	sld [smem:$0x3FAB]  }
0x2b: {  	s6 =	sld [smem:$0x3FAC]  }
0x2c: {  	s7 =	sld [smem:$0x3FAD]  }
0x2d: {  	s3 =	simm.s32 $0x108;
	s8 =	sld [smem:$0x3FAE]  }
0x2e: {  	s3 =	simm.s32 @!p0 $0x1082;
	s9 =	sld [smem:$0x3FAF]  }
0x2f: {  	lr =	sadd.s32 s0, s3;
	s0 =	sld [smem:$0x3FA6]  }
0x30: {  	s3 =	sld [smem:$0x3FA9]  }
0x31: {  	[smem:$0x3FB2] =	sst s10  }
0x32: {  	s10 =	sld [smem:$0x3FB0];
	_ =	sdelay $0x3  }
0x33: {  	p0 =	seq.s32 s10, $0x1;
	s10 =	sld [smem:$0x3FB2];
	_ =	sdelay $0x3  }
0x34: {  	[smem:$0x3FB2] =	sst s10  }
0x35: {  	s10 =	sld [smem:$0x3FB1];
	_ =	sdelay $0x3  }
0x36: {  	p1 =	seq.s32 s10, $0x1;
	s10 =	sld [smem:$0x3FB2];
	_ =	sdelay $0x3  }
0x37: {  	[smem:$0x3FB2] =	sst s10  }
0x38: {  	s10 =	sld [smem:$0x3FB3]  }
0x39: {  	_ = 	snop;
	(pc) =	sbr.ind lr, $3  }
0x3a: {  	_ = 	snop  }
0x3b: {  	_ = 	snop  }
0x3c: {  	p2 =	seq.s32 s10, $0x1;
	s10 =	sld [smem:$0x3FB2]  }
0x3d: {  	_ =	shalt  }
0x3e: {  	_ =	shalt  }
0x3f: {  	_ =	shalt  }
0x40: {  	_ =	shalt  }
0x41: {  	_ =	shalt  }
0x42: {  	_ =	shalt  }
0x43: {  	_ =	shalt  }
0x44: {  	_ =	shalt  }
0x45: {  	_ =	shalt  }
0x46: {  	_ =	shalt  }
0x47: {  	_ =	shalt  }
0x48: {  	_ =	shalt  }
0x49: {  	_ =	shalt  }
0x4a: {  	_ =	shalt  }
0x4b: {  	_ =	shalt  }
0x4c: {  	_ =	shalt  }
0x4d: {  	_ =	shalt  }
0x4e: {  	_ =	shalt  }
0x4f: {  	_ =	shalt  }
0x50: {  	_ =	shalt  }
0x51: {  	_ =	shalt  }
0x52: {  	_ =	shalt  }
0x53: {  	_ =	shalt  }
0x54: {  	_ =	shalt  }
0x55: {  	_ =	shalt  }
0x56: {  	_ =	shalt  }
0x57: {  	_ =	shalt  }
0x58: {  	_ =	shalt  }
0x59: {  	_ =	shalt  }
0x5a: {  	_ =	shalt  }
0x5b: {  	_ =	shalt  }
0x5c: {  	_ =	shalt  }
0x5d: {  	_ =	shalt  }
0x5e: {  	_ =	shalt  }
0x5f: {  	_ =	shalt  }
0x60: {  	_ =	shalt  }
0x61: {  	_ =	shalt  }
0x62: {  	_ =	shalt  }
0x63: {  	_ =	shalt  }
0x64: {  	_ =	shalt  }
0x65: {  	_ =	shalt  }
0x66: {  	_ =	shalt  }
0x67: {  	_ =	shalt  }
0x68: {  	_ =	shalt  }
0x69: {  	_ =	shalt  }
0x6a: {  	_ =	shalt  }
0x6b: {  	_ =	shalt  }
0x6c: {  	_ =	shalt  }
0x6d: {  	_ =	shalt  }
0x6e: {  	_ =	shalt  }
0x6f: {  	_ =	shalt  }
0x70: {  	_ =	shalt  }
0x71: {  	_ =	shalt  }
0x72: {  	_ =	shalt  }
0x73: {  	_ =	shalt  }
0x74: {  	_ =	shalt  }
0x75: {  	_ =	shalt  }
0x76: {  	_ =	shalt  }
0x77: {  	_ =	shalt  }
0x78: {  	_ =	shalt  }
0x79: {  	_ =	shalt  }
0x7a: {  	_ =	shalt  }
0x7b: {  	_ =	shalt  }
0x7c: {  	_ =	shalt  }
0x7d: {  	_ =	shalt  }
0x7e: {  	_ =	shalt  }
0x7f: {  	_ =	shalt  }
0x80: {  	_ =	shalt  }
0x81: {  	_ =	shalt  }
0x82: {  	_ =	shalt  }
0x83: {  	_ =	shalt  }
0x84: {  	_ =	shalt  }
0x85: {  	_ =	shalt  }
0x86: {  	_ =	shalt  }
0x87: {  	_ =	shalt  }
.Lfunc_end0:
.L_simem_size_0:
called_computation.2_lowered:
.L_overlay_start_0:
0x88: {  	s2 =	sld [smem:$0x3FD9]  }
0x89: {  	s3 =	sld [smem:$0x3FFE];
	_ =	sdelay $0x1  }
0x8a: {  	s1 =	srdreg.scid  }
0x8b: {  	s0 =	sand.u32 $0x1, s1  }
0x8c: {  	s17 =	sshll.u32 s0, $0xA;
	s2 =	sadd.s32 s3, s2  }
0x8d: {  	s2 =	sadd.s32 s2, s17  }
0x8e: {  	[smem:$0x3FBE] =	sst s2  }
0x8f: {  	_ = 	snop  }
0x90: {  	s2 =	sld [smem:$0x3FD0];
	(tm) =	ssettm $0x1  }
0x91: {  	s18 =	sld [smem:$0x3FFB];
	_ =	sdelay $0x3  }
0x92: {  	_ =	strace s18  }
0x93: {  	s3 =	sld [smem:$0x3FFC];
	_ =	sdelay $0x3  }
0x94: {  	_ =	strace s3  }
0x95: {  	s3 =	sld [smem:$0x3FFD];
	_ =	sdelay $0x3  }
0x96: {  	_ =	strace s3  }
0x97: {  	_ =	strace $0x8FFFFFFF  }
0x98: {  	s19 =	sld [smem:$0x3FDB];
	_ =	sdelay $0x1  }
0x99: {  	s4 =	simm.s32 $_scs_section_size  }
0x9a: {  	s5 =	simm.s32 $_size__tile_overlayer_lowered;
	s6 =	simm.s32 $_tile_overlayer_lowered  }
0x9b: {  	s22 =	simm.s32 $0x1BFF;
	s21 =	sshll.u32 s6, $0x1;
	s3 =	sadd.s32 s4, s19  }
0x9c: {  	s7 =	simm.s32 $0x0;
	s20 =	sshll.u32 s5, $0x1;
	s5 =	sadd.s32 s21, s3  }
0x9d: {  	[timem:s7], [sflag:s22] =	dma.local [hbm:s5], s20  }
0x9e: {  	_ =	swait.ge [sflag:s22], s20  }
0x9f: {  	s4 =	ssub.s32 $0x0, s20;
	[sflag:s22] =	ssyncset.done $0x0  }
0xa0: {  	[sflag:s22] =	ssyncadd.s32 s4;
	_ =	sdelay $0x1  }
0xa1: {  	s23 =	simm.s32 $0x1B8B  }
0xa2: {  	_ =	swait.ge [sflag:s23], $0x1  }
0xa3: {  	[sflag:s23] =	ssyncset.done $0x0  }
0xa4: {  	s25 =	simm.s32 $0x1B8E;
	s24 =	sld [smem:$0x3FFE];
	[sflag:s23] =	ssyncadd.s32 $0xFFFFFFFF  }
0xa5: {  	s26 =	simm.s32 $execute0_lowered;
	[smem:$0x3FD2] =	sst s25  }
0xa6: {  	s5 =	sshll.u32 s26, $0x1;
	_ =	strace $0x8000004C;
	[dreg:$0x1] =	wrdreg $0xFFFFFFFF  }
0xa7: {  	s28 =	simm.s32 $_size_execute0_lowered;
	s3 =	sadd.s32 s3, s5;
	[dreg:$0x0] =	wrdreg $0x0  }
0xa8: {  	s5 =	sshll.u32 s28, $0x1;
	[dreg:$0x2] =	wrdreg s3  }
0xa9: {  	[dreg:$0x3] =	wrdreg s5  }
0xaa: {  	[dreg:$0x4] =	wrdreg $0xC0  }
0xab: {  	_ =	task [dreg:s7], $0x5FFFF  }
0xac: {  	[dreg:$0x1] =	wrdreg $0xFFFFFFFF  }
0xad: {  	[dreg:$0x0] =	wrdreg $0x60  }
0xae: {  	[dreg:$0x2] =	wrdreg s2  }
0xaf: {  	[dreg:$0x3] =	wrdreg s24  }
0xb0: {  	[dreg:$0x4] =	wrdreg $0xCD000  }
0xb1: {  	[dreg:$0x5] =	wrdreg $0x9  }
0xb2: {  	_ =	task.clear_ibuf [dreg:s7], $0x6FFFF;
	_ =	strace $0x9000004C  }
0xb3: {  	s29 =	simm.s32 $0x9;
	_ =	strace $0x8000004E  }
0xb4: {  	_ =	swait.ge [sflag:s29], $0x1  }
0xb5: {  	[sflag:s29] =	ssyncadd.s32 $0xFFFFFFFF  }
0xb6: {  	_ =	strace $0x9000004E  }
0xb7: {  	_ =	sfence  }
0xb8: {  	s30 =	sld [smem:$0x0];
	_ =	sdelay $0x2  }
0xb9: {  	s31 =	sshll.u32 s1, $0xD;
	s1 =	sshrl.u32 s1, $0x2  }
0xba: {  	s3 =	sand.u32 $0x4000, s31;
	s1 =	sadd.s32 s1, s30  }
0xbb: {  	s0 =	sor.u32 s3, s0;
	s1 =	sshll.u32 s1, $0x11  }
0xbc: {  	s0 =	sor.u32 s1, s0  }
0xbd: {  	s0 =	sadd.s32 $0x8F2B, s0  }
0xbe: {  	[sflag:s0] =	ssyncadd.remote.s32 $0x1  }
0xbf: {  	_ =	sfence.sel $0xFFFF  }
0xc0: {  	[dreg:$0x0] =	wrdreg $0xFFFFFFFF;
	(pc) =	sbr.abs _section_cstart, $3  }
0xc1: {  	[dreg:$0x1] =	wrdreg $0xFFFFFFFF  }
0xc2: {  	_ =	task.clear_ibuf [dreg:s7], $0x2FFFF;
	_ =	strace $0x9FFFFFFF  }
0xc3: {  	(tm) =	ssettm $0x7FFFFFFF  }
tec
execute0_lowered:
.L_overlay_start_1:
0x0: {  	(tag) =	ssettag $0x1  }
0x1: {  	s1 =	rddreg [dreg:$0x0]  }
0x2: {  	s0 =	srdreg.scid;
	s7 =	rddreg [dreg:$0x1]  }
0x3: {  	s10 =	stileid.u32;
	s3 =	rddreg [dreg:$0x2]  }
0x4: {  	s4 =	simm.s32 $0x0;
	s13 =	simm.s32 $0x5;
	s16 =	simm.s32 $0x5000  }
0x5: {  	s17 =	simm.s32 $0x7D;
	s19 =	simm.s32 $0x6F40;
	s21 =	simm.s32 $0x8E80  }
0x6: {  	s24 =	simm.s32 $0xADC0;
	s26 =	simm.s32 $0x1;
	s28 =	simm.s32 $0x2  }
0x7: {  	s29 =	simm.s32 $0x3;
	s30 =	simm.s32 $0x4;
	s0 =	sand.u32 $0x1, s0  }
0x8: {  	s2 =	sshll.u32 s10, $0x1;
	[smem:$0x7FF] =	sst s4;
	s6 =	smul.u32 $0x28000, s10  }
0x9: {  	s10 =	smul.u32 $0xA000, s10;
	s14 =	sadd.s32 $0xF200, s7;
	s2 =	sor.u32 s0, s2  }
0xa: {  	s5 =	smul.u32 $0x14000, s0;
	_ =	strace $0x8000004D;
	s0 =	ssub.s32 $0x2, s0  }
0xb: {  	s2 =	smul.u32 $0x500, s2;
	s31 =	sshrl.u32 s0, $0x1;
	s6 =	sshrl.u32 s6, $0x2  }
0xc: {  	s18 =	sshrl.u32 s10, $0x3;
	s20 =	sadd.s32 s10, s3;
	s9 =	sadd.s32 s5, s7  }
0xd: {  	s0 =	ssub.s32 s0, s31;
	s5 =	sadd.s32 s6, s3;
	s25 =	sshrl.u32 s20, $0x3  }
0xe: {  	s8 =	sadd.s32 s2, s7;
	s7 =	sadd.s32 $0x9C40, s5;
	s15 =	sadd.s32 $0x19200, s9  }
0xf: {  	s9 =	sadd.s32 $0x1F40, s5;
	s10 =	sadd.s32 $0x3E80, s5;
	s11 =	sadd.s32 $0x5DC0, s5  }
0x10: {  	s12 =	sadd.s32 $0x7D00, s5;
	s14 =	sadd.s32 s2, s14;
	s2 =	simm.s32 $0x4E80  }
0x11: {  	s6 =	sadd.s32 $0x5200, s8;
	s8 =	smax.u32 s0, $0x1;
	s23 =	sadd.s32 s18, s15  }
0x12: {  	v0 =	vimm.f32 $0.0e+00;
	s0 =	simm.s32 $0x4F00;
	s15 =	simm.s32 $0x4F80;
	s18 =	simm.s32 $0x0  }
.LBB2_1:
0x13: {  	[tilespmem:s4], [sflag:$0x5] =	stream.linear.gather [hbm4b:s6+s4], $0x2800, $0x38;
	[tilespmem:$0x16D00] =	vst v63  }
0x14: {  	_ =	swait.ge [sflag:s13], $0x2800  }
0x15: {  	[sflag:s13] =	ssyncset.done $0x0  }
0x16: {  	s20 =	simm.s32 $0x2800;
	[sflag:s13] =	ssyncadd.s32 $0xFFFFD800  }
0x17: {  	[tilespmem:s20], [sflag:$0x5] =	stream.linear.gather [hbm4b:s14+s4], $0x2800, $0x38;
	[tilespmem:$0x16D00] =	vst v63  }
0x18: {  	_ =	swait.ge [sflag:s13], $0x2800  }
0x19: {  	[sflag:s13] =	ssyncset.done $0x0  }
0x1a: {  	s22 =	simm.s32 $0x100;
	s20 =	simm.s32 $0x0;
	[sflag:s13] =	ssyncadd.s32 $0xFFFFD800  }
.LBB2_2:
0x1b: {  	p0 =	sne.s32 s22, $0x7C00;
	[tilespmem:s20+$0x5030] =	vst v0;
	s31 =	smov.u32 s22;
	s22 =	sadd.s32 $0x100, s22  }
.Ltmp0:
0x1c: {  	[tilespmem:s20+$0x5020] =	vst v0;
	(pc) =	sbr.rel @p0 .LBB2_2-.Ltmp0, $3  }
0x1d: {  	[tilespmem:s20+$0x5000] =	vst v0  }
0x1e: {  	[tilespmem:s20+$0x5010] =	vst v0;
	_ =	sdelay $0x1  }
0x1f: {  	s20 =	sshra.s32 s31, $0x2  }
0x20: {  	[tilespmem:s20+$0x5030] =	vst v0  }
0x21: {  	[tilespmem:s20+$0x5020] =	vst v0  }
0x22: {  	[tilespmem:s20+$0x5000] =	vst v0  }
0x23: {  	[tilespmem:s20+$0x5010] =	vst v0  }
0x24: {  	[spmem:s5] =	stream.linear.scatter [tilespmem:s16], [sflag:$0x5], $0x1F40, $0x38;
	[tilespmem:$0x16D00] =	vst v63  }
0x25: {  	_ =	swait.ge [sflag:s13], $0x1F40  }
0x26: {  	[sflag:s13] =	ssyncset.done $0x0  }
0x27: {  	[sflag:s13] =	ssyncadd.s32 $0xFFFFE0C0  }
0x28: {  	[spmem:s9] =	stream.linear.scatter [tilespmem:s16], [sflag:$0x5], $0x1F40, $0x38;
	[tilespmem:$0x16D00] =	vst v63  }
0x29: {  	_ =	swait.ge [sflag:s13], $0x1F40  }
0x2a: {  	[sflag:s13] =	ssyncset.done $0x0  }
0x2b: {  	[sflag:s13] =	ssyncadd.s32 $0xFFFFE0C0  }
0x2c: {  	[spmem:s10] =	stream.linear.scatter [tilespmem:s16], [sflag:$0x5], $0x1F40, $0x38;
	[tilespmem:$0x16D00] =	vst v63  }
0x2d: {  	_ =	swait.ge [sflag:s13], $0x1F40  }
0x2e: {  	[sflag:s13] =	ssyncset.done $0x0  }
0x2f: {  	[sflag:s13] =	ssyncadd.s32 $0xFFFFE0C0  }
0x30: {  	[spmem:s11] =	stream.linear.scatter [tilespmem:s16], [sflag:$0x5], $0x1F40, $0x38;
	[tilespmem:$0x16D00] =	vst v63  }
0x31: {  	_ =	swait.ge [sflag:s13], $0x1F40  }
0x32: {  	[sflag:s13] =	ssyncset.done $0x0  }
0x33: {  	[sflag:s13] =	ssyncadd.s32 $0xFFFFE0C0  }
0x34: {  	[spmem:s12] =	stream.linear.scatter [tilespmem:s16], [sflag:$0x5], $0x1F40, $0x38;
	[tilespmem:$0x16D00] =	vst v63  }
0x35: {  	_ =	swait.ge [sflag:s13], $0x1F40  }
0x36: {  	[sflag:s13] =	ssyncset.done $0x0  }
0x37: {  	[sflag:s13] =	ssyncadd.s32 $0xFFFFE0C0  }
0x38: {  	[spmem:s7] =	stream.linear.scatter [tilespmem:s16], [sflag:$0x5], $0x3C0, $0x38;
	[tilespmem:$0x16D00] =	vst v63  }
0x39: {  	_ =	swait.ge [sflag:s13], $0x3C0  }
0x3a: {  	[sflag:s13] =	ssyncset.done $0x0  }
0x3b: {  	s31 =	simm.s32 $0x0;
	[sflag:s13] =	ssyncadd.s32 $0xFFFFFC40  }
0x3c: {  	[tilespmem:s16], [sflag:$0x1] =	stream.indirect.gather [hbm4b:s1+s17], $0x40, s31, s17, $0xb8;
	[tilespmem:$0x16D00] =	vst v63  }
0x3d: {  	s22 =	simm.s32 $0x80  }
0x3e: {  	[tilespmem:s19], [sflag:$0x2] =	stream.indirect.gather [hbm4b:s1+s17], $0x40, s22, s17, $0xb8;
	[tilespmem:$0x16D00] =	vst v63  }
0x3f: {  	s31 =	simm.s32 $0x100  }
0x40: {  	[tilespmem:s21], [sflag:$0x3] =	stream.indirect.gather [hbm4b:s1+s17], $0x40, s31, s17, $0xb8;
	[tilespmem:$0x16D00] =	vst v63  }
0x41: {  	s22 =	simm.s32 $0x180  }
0x42: {  	[tilespmem:s24], [sflag:$0x4] =	stream.indirect.gather [hbm4b:s1+s17], $0x40, s22, s17, $0xb8;
	[tilespmem:$0x16D00] =	vst v63  }
0x43: {  	[bflag:$0x0] =	sbarrier.arrive $0xFFFF  }
0x44: {  	_ =	swait.ge [sflag:s26], $0x1F40  }
0x45: {  	[sflag:s26] =	ssyncset.done $0x0  }
0x46: {  	s31 =	simm.s32 $0x2800;
	[sflag:s26] =	ssyncadd.s32 $0xFFFFE0C0  }
0x47: {  	[spmem:s3] =	stream.indirect.scatter.add.f32 [tilespmem:s16], [sflag:$0x5], $0x40, s31, s17, $0xb8;
	[tilespmem:$0x16D00] =	vst v63  }
0x48: {  	_ =	swait.ge [sflag:s13], $0x1F40  }
0x49: {  	[sflag:s13] =	ssyncset.done $0x0  }
0x4a: {  	s22 =	simm.s32 $0x200;
	[sflag:s13] =	ssyncadd.s32 $0xFFFFE0C0  }
0x4b: {  	[tilespmem:s16], [sflag:$0x1] =	stream.indirect.gather [hbm4b:s1+s17], $0x40, s22, s17, $0xb8;
	[tilespmem:$0x16D00] =	vst v63  }
0x4c: {  	_ =	swait.ge [sflag:s28], $0x1F40  }
0x4d: {  	[sflag:s28] =	ssyncset.done $0x0  }
0x4e: {  	s31 =	simm.s32 $0x2880;
	[sflag:s28] =	ssyncadd.s32 $0xFFFFE0C0  }
0x4f: {  	[spmem:s3] =	stream.indirect.scatter.add.f32 [tilespmem:s19], [sflag:$0x5], $0x40, s31, s17, $0xb8;
	[tilespmem:$0x16D00] =	vst v63  }
0x50: {  	_ =	swait.ge [sflag:s13], $0x1F40  }
0x51: {  	[sflag:s13] =	ssyncset.done $0x0  }
0x52: {  	s22 =	simm.s32 $0x280;
	[sflag:s13] =	ssyncadd.s32 $0xFFFFE0C0  }
0x53: {  	[tilespmem:s19], [sflag:$0x2] =	stream.indirect.gather [hbm4b:s1+s17], $0x40, s22, s17, $0xb8;
	[tilespmem:$0x16D00] =	vst v63  }
0x54: {  	_ =	swait.ge [sflag:s29], $0x1F40  }
0x55: {  	[sflag:s29] =	ssyncset.done $0x0  }
0x56: {  	s31 =	simm.s32 $0x2900;
	[sflag:s29] =	ssyncadd.s32 $0xFFFFE0C0  }
0x57: {  	[spmem:s3] =	stream.indirect.scatter.add.f32 [tilespmem:s21], [sflag:$0x5], $0x40, s31, s17, $0xb8;
	[tilespmem:$0x16D00] =	vst v63  }
0x58: {  	_ =	swait.ge [sflag:s13], $0x1F40  }
0x59: {  	[sflag:s13] =	ssyncset.done $0x0  }
0x5a: {  	s22 =	simm.s32 $0x300;
	[sflag:s13] =	ssyncadd.s32 $0xFFFFE0C0  }
0x5b: {  	[tilespmem:s21], [sflag:$0x3] =	stream.indirect.gather [hbm4b:s1+s17], $0x40, s22, s17, $0xb8;
	[tilespmem:$0x16D00] =	vst v63  }
0x5c: {  	_ =	swait.ge [sflag:s30], $0x1F40  }
0x5d: {  	[sflag:s30] =	ssyncset.done $0x0  }
0x5e: {  	s31 =	simm.s32 $0x2980;
	[sflag:s30] =	ssyncadd.s32 $0xFFFFE0C0  }
0x5f: {  	[spmem:s3] =	stream.indirect.scatter.add.f32 [tilespmem:s24], [sflag:$0x5], $0x40, s31, s17, $0xb8;
	[tilespmem:$0x16D00] =	vst v63  }
0x60: {  	_ =	swait.ge [sflag:s13], $0x1F40  }
0x61: {  	[sflag:s13] =	ssyncset.done $0x0  }
0x62: {  	s20 =	simm.s32 $0x800;
	s22 =	simm.s32 $0x380;
	[sflag:s13] =	ssyncadd.s32 $0xFFFFE0C0  }
.LBB2_4:
0x63: {  	[tilespmem:s24], [sflag:$0x4] =	stream.indirect.gather [hbm4b:s1+s17], $0x40, s22, s17, $0xb8;
	[tilespmem:$0x16D00] =	vst v63  }
0x64: {  	s22 =	smov.u32 s20  }
0x65: {  	p0 =	sne.s32 s20, $0x9000;
	s20 =	sadd.s32 $0x800, s20;
	_ =	swait.ge [sflag:s26], $0x1F40  }
0x66: {  	s22 =	sshra.s32 s22, $0x2;
	[sflag:s26] =	ssyncset.done $0x0  }
0x67: {  	s31 =	sadd.s32 $0x2800, s22;
	[sflag:s26] =	ssyncadd.s32 $0xFFFFE0C0  }
0x68: {  	[spmem:s3] =	stream.indirect.scatter.add.f32 [tilespmem:s16], [sflag:$0x5], $0x40, s31, s17, $0xb8;
	[tilespmem:$0x16D00] =	vst v63  }
0x69: {  	_ =	swait.ge [sflag:s13], $0x1F40  }
0x6a: {  	[sflag:s13] =	ssyncset.done $0x0  }
0x6b: {  	s31 =	sadd.s32 $0x200, s22;
	[sflag:s13] =	ssyncadd.s32 $0xFFFFE0C0  }
0x6c: {  	[tilespmem:s16], [sflag:$0x1] =	stream.indirect.gather [hbm4b:s1+s17], $0x40, s31, s17, $0xb8;
	[tilespmem:$0x16D00] =	vst v63  }
0x6d: {  	_ =	swait.ge [sflag:s28], $0x1F40  }
0x6e: {  	[sflag:s28] =	ssyncset.done $0x0  }
0x6f: {  	s31 =	sadd.s32 $0x2880, s22;
	[sflag:s28] =	ssyncadd.s32 $0xFFFFE0C0  }
0x70: {  	[spmem:s3] =	stream.indirect.scatter.add.f32 [tilespmem:s19], [sflag:$0x5], $0x40, s31, s17, $0xb8;
	[tilespmem:$0x16D00] =	vst v63  }
0x71: {  	_ =	swait.ge [sflag:s13], $0x1F40  }
0x72: {  	[sflag:s13] =	ssyncset.done $0x0  }
0x73: {  	s31 =	sadd.s32 $0x280, s22;
	[sflag:s13] =	ssyncadd.s32 $0xFFFFE0C0  }
0x74: {  	[tilespmem:s19], [sflag:$0x2] =	stream.indirect.gather [hbm4b:s1+s17], $0x40, s31, s17, $0xb8;
	[tilespmem:$0x16D00] =	vst v63  }
0x75: {  	_ =	swait.ge [sflag:s29], $0x1F40  }
0x76: {  	[sflag:s29] =	ssyncset.done $0x0  }
0x77: {  	s31 =	sadd.s32 $0x2900, s22;
	[sflag:s29] =	ssyncadd.s32 $0xFFFFE0C0  }
0x78: {  	[spmem:s3] =	stream.indirect.scatter.add.f32 [tilespmem:s21], [sflag:$0x5], $0x40, s31, s17, $0xb8;
	[tilespmem:$0x16D00] =	vst v63  }
0x79: {  	_ =	swait.ge [sflag:s13], $0x1F40  }
0x7a: {  	[sflag:s13] =	ssyncset.done $0x0  }
0x7b: {  	s31 =	sadd.s32 $0x300, s22;
	[sflag:s13] =	ssyncadd.s32 $0xFFFFE0C0  }
0x7c: {  	[tilespmem:s21], [sflag:$0x3] =	stream.indirect.gather [hbm4b:s1+s17], $0x40, s31, s17, $0xb8;
	[tilespmem:$0x16D00] =	vst v63  }
0x7d: {  	_ =	swait.ge [sflag:s30], $0x1F40  }
0x7e: {  	[sflag:s30] =	ssyncset.done $0x0  }
.Ltmp1:
0x7f: {  	s31 =	sadd.s32 $0x2980, s22;
	[sflag:s30] =	ssyncadd.s32 $0xFFFFE0C0;
	(pc) =	sbr.rel @p0 .LBB2_4-.Ltmp1, $4  }
0x80: {  	[spmem:s3] =	stream.indirect.scatter.add.f32 [tilespmem:s24], [sflag:$0x5], $0x40, s31, s17, $0xb8;
	[tilespmem:$0x16D00] =	vst v63  }
0x81: {  	_ =	swait.ge [sflag:s13], $0x1F40  }
0x82: {  	[sflag:s13] =	ssyncset.done $0x0  }
0x83: {  	s22 =	sadd.s32 $0x380, s22;
	[sflag:s13] =	ssyncadd.s32 $0xFFFFE0C0  }
0x84: {  	[tilespmem:s24], [sflag:$0x4] =	stream.indirect.gather [hbm4b:s1+s17], $0x40, s22, s17, $0xb8;
	[tilespmem:$0x16D00] =	vst v63  }
0x85: {  	_ =	swait.ge [sflag:s26], $0x1F40  }
0x86: {  	[sflag:s26] =	ssyncset.done $0x0  }
0x87: {  	s20 =	simm.s32 $0x4E00;
	[sflag:s26] =	ssyncadd.s32 $0xFFFFE0C0  }
0x88: {  	[spmem:s3] =	stream.indirect.scatter.add.f32 [tilespmem:s16], [sflag:$0x5], $0x40, s20, s17, $0xb8;
	[tilespmem:$0x16D00] =	vst v63  }
0x89: {  	_ =	swait.ge [sflag:s13], $0x1F40  }
0x8a: {  	[sflag:s13] =	ssyncset.done $0x0  }
0x8b: {  	[sflag:s13] =	ssyncadd.s32 $0xFFFFE0C0  }
0x8c: {  	_ =	swait.ge [sflag:s28], $0x1F40  }
0x8d: {  	[sflag:s28] =	ssyncset.done $0x0  }
0x8e: {  	[sflag:s28] =	ssyncadd.s32 $0xFFFFE0C0  }
0x8f: {  	[spmem:s3] =	stream.indirect.scatter.add.f32 [tilespmem:s19], [sflag:$0x5], $0x40, s2, s17, $0xb8;
	[tilespmem:$0x16D00] =	vst v63  }
0x90: {  	_ =	swait.ge [sflag:s13], $0x1F40  }
0x91: {  	[sflag:s13] =	ssyncset.done $0x0  }
0x92: {  	[sflag:s13] =	ssyncadd.s32 $0xFFFFE0C0  }
0x93: {  	_ =	swait.ge [sflag:s29], $0x1F40  }
0x94: {  	[sflag:s29] =	ssyncset.done $0x0  }
0x95: {  	[sflag:s29] =	ssyncadd.s32 $0xFFFFE0C0  }
0x96: {  	[spmem:s3] =	stream.indirect.scatter.add.f32 [tilespmem:s21], [sflag:$0x5], $0x40, s0, s17, $0xb8;
	[tilespmem:$0x16D00] =	vst v63  }
0x97: {  	_ =	swait.ge [sflag:s13], $0x1F40  }
0x98: {  	[sflag:s13] =	ssyncset.done $0x0  }
0x99: {  	[sflag:s13] =	ssyncadd.s32 $0xFFFFE0C0  }
0x9a: {  	_ =	swait.ge [sflag:s30], $0x1F40  }
0x9b: {  	[sflag:s30] =	ssyncset.done $0x0  }
0x9c: {  	[sflag:s30] =	ssyncadd.s32 $0xFFFFE0C0  }
0x9d: {  	[spmem:s3] =	stream.indirect.scatter.add.f32 [tilespmem:s24], [sflag:$0x5], $0x40, s15, s17, $0xb8;
	[tilespmem:$0x16D00] =	vst v63  }
0x9e: {  	_ =	swait.ge [sflag:s13], $0x1F40  }
0x9f: {  	s31 =	stileid.u32;
	s18 =	sadd.s32 $0x1, s18;
	[sflag:s13] =	ssyncset.done $0x0  }
0xa0: {  	p0 =	sne.s32 s18, s8;
	s20 =	sshll.u32 s31, $0x6;
	[sflag:s13] =	ssyncadd.s32 $0xFFFFE0C0  }
.Ltmp2:
0xa1: {  	s20 =	sor.u32 $0x1C05, s20;
	[bflag:$0x0] =	sbarrier.arrive $0xFFFF;
	(pc) =	sbr.rel @p0 .LBB2_1-.Ltmp2, $4  }
0xa2: {  	[hbm:s23], [sflag:s20] =	dma.local [spmem:s25], $0x1400  }
0xa3: {  	_ =	swait.ge [sflag:s13], $0x1400  }
0xa4: {  	[sflag:s13] =	ssyncset.done $0x0  }
0xa5: {  	[sflag:s13] =	ssyncadd.s32 $0xFFFFEC00  }
0xa6: {  	_ =	sfence.sel $0x180000  }
0xa7: {  	[bflag:$0x0] =	sbarrier.arrive $0xFFFF  }
0xa8: {  	_ =	strace $0x9000004D  }
0xa9: {  	s0 =	stileid.u32;
	[bflag:$0x2] =	sbarrier.arrive $0xFFFF  }
0xaa: {  	p0 =	sne.s32 s0, $0x0;
	s0 =	rddreg [dreg:$0x3]  }
0xab: {  	s0 =	sadd.s32 @!p0 $0x100000, s0  }
0xac: {  	[sflag:s0] =	ssyncadd.tile.s32 @!p0 $0x1;
	_ =	shalt  }
.Lfunc_end2:
_tile_overlayer_lowered:
.L_overlay_start_2:
0xad: {  	(tag) =	ssettag $0x2  }
0xae: {  	s0 =	rddreg [dreg:$0x0];
	s2 =	stileid.u32  }
0xaf: {  	s1 =	rddreg [dreg:$0x1];
	p0 =	sne.s32 s2, $0x0  }
0xb0: {  	s3 =	rddreg [dreg:$0x2];
	[bflag:$0x3] =	sbarrier.arrive $0xFFFF;
	s2 =	simm.s32 @!p0 $0x1C05  }
0xb1: {  	[timem:s3], [sflag:s2] =	dma.local @!p0 [hbm:s0], s1  }
0xb2: {  	s0 =	simm.s32 @!p0 $0x5  }
0xb3: {  	_ =	swait.ge @!p0 [sflag:s0], s1  }
0xb4: {  	s1 =	ssub.s32 @!p0 $0x0, s1;
	[sflag:s0] =	ssyncset.done @!p0 $0x0  }
0xb5: {  	[sflag:s0] =	ssyncadd.s32 @!p0 s1  }
0xb6: {  	[bflag:$0x3] =	sbarrier.arrive $0xFFFF  }
0xb7: {  	_ =	shalt  }

// kernel: kernel.20.cloned.1.call-start
scs
__scs_entry_jumppad:
0x0: {  	(pc) =	sbr.rel $0x88, $3  }
0x1: {  	(tag) =	ssettag $0x0;
	lr =	simm.s32 $0x1  }
0x2: {  	[smem:$0x3F97] =	sst lr;
	_ =	strace $0xD0000000  }
0x3: {  	_ = 	snop  }
0x4: {  	_ = 	snop  }
0x5: {  	_ = 	snop  }
0x6: {  	_ = 	snop  }
0x7: {  	_ = 	snop  }
__scs_overlays_trampoline_lowered:
0x8: {  	[smem:$0x3FA6] =	sst s0  }
0x9: {  	[smem:$0x3FA7] =	sst s1  }
0xa: {  	[smem:$0x3FA8] =	sst s2  }
0xb: {  	[smem:$0x3FA9] =	sst s3  }
0xc: {  	[smem:$0x3FAA] =	sst s4  }
0xd: {  	[smem:$0x3FAB] =	sst s5  }
0xe: {  	[smem:$0x3FAC] =	sst s6  }
0xf: {  	[smem:$0x3FAD] =	sst s7  }
0x10: {  	[smem:$0x3FAE] =	sst s8  }
0x11: {  	[smem:$0x3FAF] =	sst s9;
	s0 =	simm.s32 @!p0 $0x0  }
0x12: {  	s1 =	sld [smem:$0x3F95];
	s0 =	simm.s32 @p0 $0x1  }
0x13: {  	[smem:$0x3FB0] =	sst s0;
	s0 =	simm.s32 @!p1 $0x0  }
0x14: {  	s2 =	sld [smem:$0x3F94];
	s0 =	simm.s32 @p1 $0x1  }
0x15: {  	[smem:$0x3FB1] =	sst s0;
	s0 =	simm.s32 @!p2 $0x0  }
0x16: {  	s3 =	sld [smem:$0x3FDB];
	s0 =	simm.s32 @p2 $0x1  }
0x17: {  	s4 =	simm.s32 $0x1BF5;
	[smem:$0x3FB3] =	sst s0  }
0x18: {  	s0 =	sld [smem:$0x3F96];
	_ =	swait.ge [sflag:s4], $0x0  }
0x19: {  	s7 =	sld [smem:$0x3F97]  }
0x1a: {  	s8 =	sadd.s32 $0xFFFFE003, lr  }
0x1b: {  	s9 =	sadd.s32 $0xFFFFFEF7, lr;
	s5 =	simm.s32 $0xFFFFFFFF;
	p2 =	slt.u32 s8, $0xFFFFF086  }
0x1c: {  	p1 =	slt.u32 s9, $0xF7A;
	s5 =	simm.s32 @!p2 $0x0  }
0x1d: {  	s5 =	simm.s32 @p1 $0x1;
	p0 =	seq.s32 s7, s2  }
0x1e: {  	s7 =	smul.u32 @!p0 $0xF7A, s2;
	p2 =	seq.s32 @!p0 s5, $0x0  }
0x1f: {  	s9 =	smul.u32 $0xF7A, s1;
	s8 =	simm.s32 @!p0 $0x1BF5;
	p2 =	por !p2, p0  }
0x20: {  	[sflag:s8] =	ssyncset.s32 @!p0 $0xFFFFF086;
	s6 =	sadd.s32 @!p0 s3, s7;
	s7 =	simm.s32 @!p0 $0x108  }
0x21: {  	s3 =	sadd.s32 s3, s9;
	s6 =	sadd.s32 @!p0 $0x88, s6;
	s7 =	simm.s32 @p2 $0x1082  }
0x22: {  	[simem:s7], [sflag:s8] =	dma.local @!p0 [hbm:s6], $0xF7A  }
0x23: {  	s9 =	sor.u32 $0xD0000000, s2;
	s6 =	simm.s32 $0x108;
	_ =	swait.ge @!p0 [sflag:s8], $0x0  }
0x24: {  	s3 =	sadd.s32 $0x88, s3;
	s6 =	simm.s32 @!p1 $0x1082;
	[sflag:s4] =	ssyncset.s32 $0xFFFFF086  }
0x25: {  	[simem:s6], [sflag:s4] =	dma.local [hbm:s3], $0xF7A  }
0x26: {  	[smem:$0x3F97] =	sst s1;
	(tag) =	ssettag s2;
	_ =	strace s9  }
0x27: {  	s1 =	sld [smem:$0x3FA7]  }
0x28: {  	s2 =	sld [smem:$0x3FA8]  }
0x29: {  	s4 =	sld [smem:$0x3FAA]  }
0x2a: {  	p0 =	seq.s32 s5, $0x0;
	s5 =	sld [smem:$0x3FAB]  }
0x2b: {  	s6 =	sld [smem:$0x3FAC]  }
0x2c: {  	s7 =	sld [smem:$0x3FAD]  }
0x2d: {  	s3 =	simm.s32 $0x108;
	s8 =	sld [smem:$0x3FAE]  }
0x2e: {  	s3 =	simm.s32 @!p0 $0x1082;
	s9 =	sld [smem:$0x3FAF]  }
0x2f: {  	lr =	sadd.s32 s0, s3;
	s0 =	sld [smem:$0x3FA6]  }
0x30: {  	s3 =	sld [smem:$0x3FA9]  }
0x31: {  	[smem:$0x3FB2] =	sst s10  }
0x32: {  	s10 =	sld [smem:$0x3FB0];
	_ =	sdelay $0x3  }
0x33: {  	p0 =	seq.s32 s10, $0x1;
	s10 =	sld [smem:$0x3FB2];
	_ =	sdelay $0x3  }
0x34: {  	[smem:$0x3FB2] =	sst s10  }
0x35: {  	s10 =	sld [smem:$0x3FB1];
	_ =	sdelay $0x3  }
0x36: {  	p1 =	seq.s32 s10, $0x1;
	s10 =	sld [smem:$0x3FB2];
	_ =	sdelay $0x3  }
0x37: {  	[smem:$0x3FB2] =	sst s10  }
0x38: {  	s10 =	sld [smem:$0x3FB3]  }
0x39: {  	_ = 	snop;
	(pc) =	sbr.ind lr, $3  }
0x3a: {  	_ = 	snop  }
0x3b: {  	_ = 	snop  }
0x3c: {  	p2 =	seq.s32 s10, $0x1;
	s10 =	sld [smem:$0x3FB2]  }
0x3d: {  	_ =	shalt  }
0x3e: {  	_ =	shalt  }
0x3f: {  	_ =	shalt  }
0x40: {  	_ =	shalt  }
0x41: {  	_ =	shalt  }
0x42: {  	_ =	shalt  }
0x43: {  	_ =	shalt  }
0x44: {  	_ =	shalt  }
0x45: {  	_ =	shalt  }
0x46: {  	_ =	shalt  }
0x47: {  	_ =	shalt  }
0x48: {  	_ =	shalt  }
0x49: {  	_ =	shalt  }
0x4a: {  	_ =	shalt  }
0x4b: {  	_ =	shalt  }
0x4c: {  	_ =	shalt  }
0x4d: {  	_ =	shalt  }
0x4e: {  	_ =	shalt  }
0x4f: {  	_ =	shalt  }
0x50: {  	_ =	shalt  }
0x51: {  	_ =	shalt  }
0x52: {  	_ =	shalt  }
0x53: {  	_ =	shalt  }
0x54: {  	_ =	shalt  }
0x55: {  	_ =	shalt  }
0x56: {  	_ =	shalt  }
0x57: {  	_ =	shalt  }
0x58: {  	_ =	shalt  }
0x59: {  	_ =	shalt  }
0x5a: {  	_ =	shalt  }
0x5b: {  	_ =	shalt  }
0x5c: {  	_ =	shalt  }
0x5d: {  	_ =	shalt  }
0x5e: {  	_ =	shalt  }
0x5f: {  	_ =	shalt  }
0x60: {  	_ =	shalt  }
0x61: {  	_ =	shalt  }
0x62: {  	_ =	shalt  }
0x63: {  	_ =	shalt  }
0x64: {  	_ =	shalt  }
0x65: {  	_ =	shalt  }
0x66: {  	_ =	shalt  }
0x67: {  	_ =	shalt  }
0x68: {  	_ =	shalt  }
0x69: {  	_ =	shalt  }
0x6a: {  	_ =	shalt  }
0x6b: {  	_ =	shalt  }
0x6c: {  	_ =	shalt  }
0x6d: {  	_ =	shalt  }
0x6e: {  	_ =	shalt  }
0x6f: {  	_ =	shalt  }
0x70: {  	_ =	shalt  }
0x71: {  	_ =	shalt  }
0x72: {  	_ =	shalt  }
0x73: {  	_ =	shalt  }
0x74: {  	_ =	shalt  }
0x75: {  	_ =	shalt  }
0x76: {  	_ =	shalt  }
0x77: {  	_ =	shalt  }
0x78: {  	_ =	shalt  }
0x79: {  	_ =	shalt  }
0x7a: {  	_ =	shalt  }
0x7b: {  	_ =	shalt  }
0x7c: {  	_ =	shalt  }
0x7d: {  	_ =	shalt  }
0x7e: {  	_ =	shalt  }
0x7f: {  	_ =	shalt  }
0x80: {  	_ =	shalt  }
0x81: {  	_ =	shalt  }
0x82: {  	_ =	shalt  }
0x83: {  	_ =	shalt  }
0x84: {  	_ =	shalt  }
0x85: {  	_ =	shalt  }
0x86: {  	_ =	shalt  }
0x87: {  	_ =	shalt  }
.Lfunc_end0:
.L_simem_size_0:
called_computation.3_lowered:
.L_overlay_start_0:
0x88: {  	s2 =	sld [smem:$0x3FD9]  }
0x89: {  	s3 =	sld [smem:$0x3FFE];
	_ =	sdelay $0x1  }
0x8a: {  	s1 =	srdreg.scid  }
0x8b: {  	s0 =	sand.u32 $0x1, s1  }
0x8c: {  	s17 =	sshll.u32 s0, $0xA;
	s2 =	sadd.s32 s3, s2  }
0x8d: {  	s2 =	sadd.s32 s2, s17  }
0x8e: {  	[smem:$0x3FBE] =	sst s2  }
0x8f: {  	_ = 	snop  }
0x90: {  	s2 =	sld [smem:$0x3FD0];
	(tm) =	ssettm $0x1  }
0x91: {  	s18 =	sld [smem:$0x3FFB];
	_ =	sdelay $0x3  }
0x92: {  	_ =	strace s18  }
0x93: {  	s3 =	sld [smem:$0x3FFC];
	_ =	sdelay $0x3  }
0x94: {  	_ =	strace s3  }
0x95: {  	s3 =	sld [smem:$0x3FFD];
	_ =	sdelay $0x3  }
0x96: {  	_ =	strace s3  }
0x97: {  	_ =	strace $0x8FFFFFFF  }
0x98: {  	s19 =	sld [smem:$0x3FDB];
	_ =	sdelay $0x1  }
0x99: {  	s4 =	simm.s32 $_scs_section_size  }
0x9a: {  	s5 =	simm.s32 $_size__tile_overlayer_lowered;
	s6 =	simm.s32 $_tile_overlayer_lowered  }
0x9b: {  	s22 =	simm.s32 $0x1BFF;
	s21 =	sshll.u32 s6, $0x1;
	s3 =	sadd.s32 s4, s19  }
0x9c: {  	s7 =	simm.s32 $0x0;
	s20 =	sshll.u32 s5, $0x1;
	s5 =	sadd.s32 s21, s3  }
0x9d: {  	[timem:s7], [sflag:s22] =	dma.local [hbm:s5], s20  }
0x9e: {  	_ =	swait.ge [sflag:s22], s20  }
0x9f: {  	s4 =	ssub.s32 $0x0, s20;
	[sflag:s22] =	ssyncset.done $0x0  }
0xa0: {  	[sflag:s22] =	ssyncadd.s32 s4;
	_ =	sdelay $0x1  }
0xa1: {  	s23 =	simm.s32 $0x1B8B  }
0xa2: {  	_ =	swait.ge [sflag:s23], $0x1  }
0xa3: {  	[sflag:s23] =	ssyncset.done $0x0  }
0xa4: {  	s25 =	simm.s32 $0x1B8E;
	s24 =	sld [smem:$0x3FFE];
	[sflag:s23] =	ssyncadd.s32 $0xFFFFFFFF  }
0xa5: {  	s26 =	simm.s32 $execute0_lowered;
	[smem:$0x3FD2] =	sst s25  }
0xa6: {  	s5 =	sshll.u32 s26, $0x1;
	_ =	strace $0x8000004F;
	[dreg:$0x1] =	wrdreg $0xFFFFFFFF  }
0xa7: {  	s28 =	simm.s32 $_size_execute0_lowered;
	s3 =	sadd.s32 s3, s5;
	[dreg:$0x0] =	wrdreg $0x0  }
0xa8: {  	s5 =	sshll.u32 s28, $0x1;
	[dreg:$0x2] =	wrdreg s3  }
0xa9: {  	[dreg:$0x3] =	wrdreg s5  }
0xaa: {  	[dreg:$0x4] =	wrdreg $0xC0  }
0xab: {  	_ =	task [dreg:s7], $0x5FFFF  }
0xac: {  	[dreg:$0x1] =	wrdreg $0xFFFFFFFF  }
0xad: {  	[dreg:$0x0] =	wrdreg $0x60  }
0xae: {  	[dreg:$0x2] =	wrdreg s2  }
0xaf: {  	[dreg:$0x3] =	wrdreg s24  }
0xb0: {  	[dreg:$0x4] =	wrdreg $0xCD000  }
0xb1: {  	[dreg:$0x5] =	wrdreg $0x9  }
0xb2: {  	_ =	task.clear_ibuf [dreg:s7], $0x6FFFF;
	_ =	strace $0x9000004F  }
0xb3: {  	s29 =	simm.s32 $0x9;
	_ =	strace $0x80000051  }
0xb4: {  	_ =	swait.ge [sflag:s29], $0x1  }
0xb5: {  	[sflag:s29] =	ssyncadd.s32 $0xFFFFFFFF  }
0xb6: {  	_ =	strace $0x90000051  }
0xb7: {  	_ =	sfence  }
0xb8: {  	s30 =	sld [smem:$0x0];
	_ =	sdelay $0x2  }
0xb9: {  	s31 =	sshll.u32 s1, $0xD;
	s1 =	sshrl.u32 s1, $0x2  }
0xba: {  	s3 =	sand.u32 $0x4000, s31;
	s1 =	sadd.s32 s1, s30  }
0xbb: {  	s0 =	sor.u32 s3, s0;
	s1 =	sshll.u32 s1, $0x11  }
0xbc: {  	s0 =	sor.u32 s1, s0  }
0xbd: {  	s0 =	sadd.s32 $0x8F2B, s0  }
0xbe: {  	[sflag:s0] =	ssyncadd.remote.s32 $0x1  }
0xbf: {  	_ =	sfence.sel $0xFFFF  }
0xc0: {  	[dreg:$0x0] =	wrdreg $0xFFFFFFFF;
	(pc) =	sbr.abs _section_cstart, $3  }
0xc1: {  	[dreg:$0x1] =	wrdreg $0xFFFFFFFF  }
0xc2: {  	_ =	task.clear_ibuf [dreg:s7], $0x2FFFF;
	_ =	strace $0x9FFFFFFF  }
0xc3: {  	(tm) =	ssettm $0x7FFFFFFF  }
tec
execute0_lowered:
.L_overlay_start_1:
0x0: {  	(tag) =	ssettag $0x1  }
0x1: {  	s1 =	rddreg [dreg:$0x0]  }
0x2: {  	s0 =	srdreg.scid;
	s7 =	rddreg [dreg:$0x1]  }
0x3: {  	s10 =	stileid.u32;
	s3 =	rddreg [dreg:$0x2]  }
0x4: {  	s4 =	simm.s32 $0x0;
	s13 =	simm.s32 $0x5;
	s16 =	simm.s32 $0x5000  }
0x5: {  	s17 =	simm.s32 $0x7D;
	s19 =	simm.s32 $0x6F40;
	s21 =	simm.s32 $0x8E80  }
0x6: {  	s24 =	simm.s32 $0xADC0;
	s26 =	simm.s32 $0x1;
	s28 =	simm.s32 $0x2  }
0x7: {  	s29 =	simm.s32 $0x3;
	s30 =	simm.s32 $0x4;
	s0 =	sand.u32 $0x1, s0  }
0x8: {  	s2 =	sshll.u32 s10, $0x1;
	[smem:$0x7FF] =	sst s4;
	s6 =	smul.u32 $0x28000, s10  }
0x9: {  	s10 =	smul.u32 $0xA000, s10;
	s14 =	sadd.s32 $0xF200, s7;
	s2 =	sor.u32 s0, s2  }
0xa: {  	s5 =	smul.u32 $0x14000, s0;
	_ =	strace $0x80000050;
	s0 =	ssub.s32 $0x2, s0  }
0xb: {  	s2 =	smul.u32 $0x500, s2;
	s31 =	sshrl.u32 s0, $0x1;
	s6 =	sshrl.u32 s6, $0x2  }
0xc: {  	s18 =	sshrl.u32 s10, $0x3;
	s20 =	sadd.s32 s10, s3;
	s9 =	sadd.s32 s5, s7  }
0xd: {  	s0 =	ssub.s32 s0, s31;
	s5 =	sadd.s32 s6, s3;
	s25 =	sshrl.u32 s20, $0x3  }
0xe: {  	s8 =	sadd.s32 s2, s7;
	s7 =	sadd.s32 $0x9C40, s5;
	s15 =	sadd.s32 $0x19200, s9  }
0xf: {  	s9 =	sadd.s32 $0x1F40, s5;
	s10 =	sadd.s32 $0x3E80, s5;
	s11 =	sadd.s32 $0x5DC0, s5  }
0x10: {  	s12 =	sadd.s32 $0x7D00, s5;
	s14 =	sadd.s32 s2, s14;
	s2 =	simm.s32 $0x4E80  }
0x11: {  	s6 =	sadd.s32 $0x5200, s8;
	s8 =	smax.u32 s0, $0x1;
	s23 =	sadd.s32 s18, s15  }
0x12: {  	v0 =	vimm.f32 $0.0e+00;
	s0 =	simm.s32 $0x4F00;
	s15 =	simm.s32 $0x4F80;
	s18 =	simm.s32 $0x0  }
.LBB2_1:
0x13: {  	[tilespmem:s4], [sflag:$0x5] =	stream.linear.gather [hbm4b:s6+s4], $0x2800, $0x38;
	[tilespmem:$0x16D00] =	vst v63  }
0x14: {  	_ =	swait.ge [sflag:s13], $0x2800  }
0x15: {  	[sflag:s13] =	ssyncset.done $0x0  }
0x16: {  	s20 =	simm.s32 $0x2800;
	[sflag:s13] =	ssyncadd.s32 $0xFFFFD800  }
0x17: {  	[tilespmem:s20], [sflag:$0x5] =	stream.linear.gather [hbm4b:s14+s4], $0x2800, $0x38;
	[tilespmem:$0x16D00] =	vst v63  }
0x18: {  	_ =	swait.ge [sflag:s13], $0x2800  }
0x19: {  	[sflag:s13] =	ssyncset.done $0x0  }
0x1a: {  	s22 =	simm.s32 $0x100;
	s20 =	simm.s32 $0x0;
	[sflag:s13] =	ssyncadd.s32 $0xFFFFD800  }
.LBB2_2:
0x1b: {  	p0 =	sne.s32 s22, $0x7C00;
	[tilespmem:s20+$0x5030] =	vst v0;
	s31 =	smov.u32 s22;
	s22 =	sadd.s32 $0x100, s22  }
.Ltmp0:
0x1c: {  	[tilespmem:s20+$0x5020] =	vst v0;
	(pc) =	sbr.rel @p0 .LBB2_2-.Ltmp0, $3  }
0x1d: {  	[tilespmem:s20+$0x5000] =	vst v0  }
0x1e: {  	[tilespmem:s20+$0x5010] =	vst v0;
	_ =	sdelay $0x1  }
0x1f: {  	s20 =	sshra.s32 s31, $0x2  }
0x20: {  	[tilespmem:s20+$0x5030] =	vst v0  }
0x21: {  	[tilespmem:s20+$0x5020] =	vst v0  }
0x22: {  	[tilespmem:s20+$0x5000] =	vst v0  }
0x23: {  	[tilespmem:s20+$0x5010] =	vst v0  }
0x24: {  	[spmem:s5] =	stream.linear.scatter [tilespmem:s16], [sflag:$0x5], $0x1F40, $0x38;
	[tilespmem:$0x16D00] =	vst v63  }
0x25: {  	_ =	swait.ge [sflag:s13], $0x1F40  }
0x26: {  	[sflag:s13] =	ssyncset.done $0x0  }
0x27: {  	[sflag:s13] =	ssyncadd.s32 $0xFFFFE0C0  }
0x28: {  	[spmem:s9] =	stream.linear.scatter [tilespmem:s16], [sflag:$0x5], $0x1F40, $0x38;
	[tilespmem:$0x16D00] =	vst v63  }
0x29: {  	_ =	swait.ge [sflag:s13], $0x1F40  }
0x2a: {  	[sflag:s13] =	ssyncset.done $0x0  }
0x2b: {  	[sflag:s13] =	ssyncadd.s32 $0xFFFFE0C0  }
0x2c: {  	[spmem:s10] =	stream.linear.scatter [tilespmem:s16], [sflag:$0x5], $0x1F40, $0x38;
	[tilespmem:$0x16D00] =	vst v63  }
0x2d: {  	_ =	swait.ge [sflag:s13], $0x1F40  }
0x2e: {  	[sflag:s13] =	ssyncset.done $0x0  }
0x2f: {  	[sflag:s13] =	ssyncadd.s32 $0xFFFFE0C0  }
0x30: {  	[spmem:s11] =	stream.linear.scatter [tilespmem:s16], [sflag:$0x5], $0x1F40, $0x38;
	[tilespmem:$0x16D00] =	vst v63  }
0x31: {  	_ =	swait.ge [sflag:s13], $0x1F40  }
0x32: {  	[sflag:s13] =	ssyncset.done $0x0  }
0x33: {  	[sflag:s13] =	ssyncadd.s32 $0xFFFFE0C0  }
0x34: {  	[spmem:s12] =	stream.linear.scatter [tilespmem:s16], [sflag:$0x5], $0x1F40, $0x38;
	[tilespmem:$0x16D00] =	vst v63  }
0x35: {  	_ =	swait.ge [sflag:s13], $0x1F40  }
0x36: {  	[sflag:s13] =	ssyncset.done $0x0  }
0x37: {  	[sflag:s13] =	ssyncadd.s32 $0xFFFFE0C0  }
0x38: {  	[spmem:s7] =	stream.linear.scatter [tilespmem:s16], [sflag:$0x5], $0x3C0, $0x38;
	[tilespmem:$0x16D00] =	vst v63  }
0x39: {  	_ =	swait.ge [sflag:s13], $0x3C0  }
0x3a: {  	[sflag:s13] =	ssyncset.done $0x0  }
0x3b: {  	s31 =	simm.s32 $0x0;
	[sflag:s13] =	ssyncadd.s32 $0xFFFFFC40  }
0x3c: {  	[tilespmem:s16], [sflag:$0x1] =	stream.indirect.gather [hbm4b:s1+s17], $0x40, s31, s17, $0xb8;
	[tilespmem:$0x16D00] =	vst v63  }
0x3d: {  	s22 =	simm.s32 $0x80  }
0x3e: {  	[tilespmem:s19], [sflag:$0x2] =	stream.indirect.gather [hbm4b:s1+s17], $0x40, s22, s17, $0xb8;
	[tilespmem:$0x16D00] =	vst v63  }
0x3f: {  	s31 =	simm.s32 $0x100  }
0x40: {  	[tilespmem:s21], [sflag:$0x3] =	stream.indirect.gather [hbm4b:s1+s17], $0x40, s31, s17, $0xb8;
	[tilespmem:$0x16D00] =	vst v63  }
0x41: {  	s22 =	simm.s32 $0x180  }
0x42: {  	[tilespmem:s24], [sflag:$0x4] =	stream.indirect.gather [hbm4b:s1+s17], $0x40, s22, s17, $0xb8;
	[tilespmem:$0x16D00] =	vst v63  }
0x43: {  	[bflag:$0x0] =	sbarrier.arrive $0xFFFF  }
0x44: {  	_ =	swait.ge [sflag:s26], $0x1F40  }
0x45: {  	[sflag:s26] =	ssyncset.done $0x0  }
0x46: {  	s31 =	simm.s32 $0x2800;
	[sflag:s26] =	ssyncadd.s32 $0xFFFFE0C0  }
0x47: {  	[spmem:s3] =	stream.indirect.scatter.add.f32 [tilespmem:s16], [sflag:$0x5], $0x40, s31, s17, $0xb8;
	[tilespmem:$0x16D00] =	vst v63  }
0x48: {  	_ =	swait.ge [sflag:s13], $0x1F40  }
0x49: {  	[sflag:s13] =	ssyncset.done $0x0  }
0x4a: {  	s22 =	simm.s32 $0x200;
	[sflag:s13] =	ssyncadd.s32 $0xFFFFE0C0  }
0x4b: {  	[tilespmem:s16], [sflag:$0x1] =	stream.indirect.gather [hbm4b:s1+s17], $0x40, s22, s17, $0xb8;
	[tilespmem:$0x16D00] =	vst v63  }
0x4c: {  	_ =	swait.ge [sflag:s28], $0x1F40  }
0x4d: {  	[sflag:s28] =	ssyncset.done $0x0  }
0x4e: {  	s31 =	simm.s32 $0x2880;
	[sflag:s28] =	ssyncadd.s32 $0xFFFFE0C0  }
0x4f: {  	[spmem:s3] =	stream.indirect.scatter.add.f32 [tilespmem:s19], [sflag:$0x5], $0x40, s31, s17, $0xb8;
	[tilespmem:$0x16D00] =	vst v63  }
0x50: {  	_ =	swait.ge [sflag:s13], $0x1F40  }
0x51: {  	[sflag:s13] =	ssyncset.done $0x0  }
0x52: {  	s22 =	simm.s32 $0x280;
	[sflag:s13] =	ssyncadd.s32 $0xFFFFE0C0  }
0x53: {  	[tilespmem:s19], [sflag:$0x2] =	stream.indirect.gather [hbm4b:s1+s17], $0x40, s22, s17, $0xb8;
	[tilespmem:$0x16D00] =	vst v63  }
0x54: {  	_ =	swait.ge [sflag:s29], $0x1F40  }
0x55: {  	[sflag:s29] =	ssyncset.done $0x0  }
0x56: {  	s31 =	simm.s32 $0x2900;
	[sflag:s29] =	ssyncadd.s32 $0xFFFFE0C0  }
0x57: {  	[spmem:s3] =	stream.indirect.scatter.add.f32 [tilespmem:s21], [sflag:$0x5], $0x40, s31, s17, $0xb8;
	[tilespmem:$0x16D00] =	vst v63  }
0x58: {  	_ =	swait.ge [sflag:s13], $0x1F40  }
0x59: {  	[sflag:s13] =	ssyncset.done $0x0  }
0x5a: {  	s22 =	simm.s32 $0x300;
	[sflag:s13] =	ssyncadd.s32 $0xFFFFE0C0  }
0x5b: {  	[tilespmem:s21], [sflag:$0x3] =	stream.indirect.gather [hbm4b:s1+s17], $0x40, s22, s17, $0xb8;
	[tilespmem:$0x16D00] =	vst v63  }
0x5c: {  	_ =	swait.ge [sflag:s30], $0x1F40  }
0x5d: {  	[sflag:s30] =	ssyncset.done $0x0  }
0x5e: {  	s31 =	simm.s32 $0x2980;
	[sflag:s30] =	ssyncadd.s32 $0xFFFFE0C0  }
0x5f: {  	[spmem:s3] =	stream.indirect.scatter.add.f32 [tilespmem:s24], [sflag:$0x5], $0x40, s31, s17, $0xb8;
	[tilespmem:$0x16D00] =	vst v63  }
0x60: {  	_ =	swait.ge [sflag:s13], $0x1F40  }
0x61: {  	[sflag:s13] =	ssyncset.done $0x0  }
0x62: {  	s20 =	simm.s32 $0x800;
	s22 =	simm.s32 $0x380;
	[sflag:s13] =	ssyncadd.s32 $0xFFFFE0C0  }
.LBB2_4:
0x63: {  	[tilespmem:s24], [sflag:$0x4] =	stream.indirect.gather [hbm4b:s1+s17], $0x40, s22, s17, $0xb8;
	[tilespmem:$0x16D00] =	vst v63  }
0x64: {  	s22 =	smov.u32 s20  }
0x65: {  	p0 =	sne.s32 s20, $0x9000;
	s20 =	sadd.s32 $0x800, s20;
	_ =	swait.ge [sflag:s26], $0x1F40  }
0x66: {  	s22 =	sshra.s32 s22, $0x2;
	[sflag:s26] =	ssyncset.done $0x0  }
0x67: {  	s31 =	sadd.s32 $0x2800, s22;
	[sflag:s26] =	ssyncadd.s32 $0xFFFFE0C0  }
0x68: {  	[spmem:s3] =	stream.indirect.scatter.add.f32 [tilespmem:s16], [sflag:$0x5], $0x40, s31, s17, $0xb8;
	[tilespmem:$0x16D00] =	vst v63  }
0x69: {  	_ =	swait.ge [sflag:s13], $0x1F40  }
0x6a: {  	[sflag:s13] =	ssyncset.done $0x0  }
0x6b: {  	s31 =	sadd.s32 $0x200, s22;
	[sflag:s13] =	ssyncadd.s32 $0xFFFFE0C0  }
0x6c: {  	[tilespmem:s16], [sflag:$0x1] =	stream.indirect.gather [hbm4b:s1+s17], $0x40, s31, s17, $0xb8;
	[tilespmem:$0x16D00] =	vst v63  }
0x6d: {  	_ =	swait.ge [sflag:s28], $0x1F40  }
0x6e: {  	[sflag:s28] =	ssyncset.done $0x0  }
0x6f: {  	s31 =	sadd.s32 $0x2880, s22;
	[sflag:s28] =	ssyncadd.s32 $0xFFFFE0C0  }
0x70: {  	[spmem:s3] =	stream.indirect.scatter.add.f32 [tilespmem:s19], [sflag:$0x5], $0x40, s31, s17, $0xb8;
	[tilespmem:$0x16D00] =	vst v63  }
0x71: {  	_ =	swait.ge [sflag:s13], $0x1F40  }
0x72: {  	[sflag:s13] =	ssyncset.done $0x0  }
0x73: {  	s31 =	sadd.s32 $0x280, s22;
	[sflag:s13] =	ssyncadd.s32 $0xFFFFE0C0  }
0x74: {  	[tilespmem:s19], [sflag:$0x2] =	stream.indirect.gather [hbm4b:s1+s17], $0x40, s31, s17, $0xb8;
	[tilespmem:$0x16D00] =	vst v63  }
0x75: {  	_ =	swait.ge [sflag:s29], $0x1F40  }
0x76: {  	[sflag:s29] =	ssyncset.done $0x0  }
0x77: {  	s31 =	sadd.s32 $0x2900, s22;
	[sflag:s29] =	ssyncadd.s32 $0xFFFFE0C0  }
0x78: {  	[spmem:s3] =	stream.indirect.scatter.add.f32 [tilespmem:s21], [sflag:$0x5], $0x40, s31, s17, $0xb8;
	[tilespmem:$0x16D00] =	vst v63  }
0x79: {  	_ =	swait.ge [sflag:s13], $0x1F40  }
0x7a: {  	[sflag:s13] =	ssyncset.done $0x0  }
0x7b: {  	s31 =	sadd.s32 $0x300, s22;
	[sflag:s13] =	ssyncadd.s32 $0xFFFFE0C0  }
0x7c: {  	[tilespmem:s21], [sflag:$0x3] =	stream.indirect.gather [hbm4b:s1+s17], $0x40, s31, s17, $0xb8;
	[tilespmem:$0x16D00] =	vst v63  }
0x7d: {  	_ =	swait.ge [sflag:s30], $0x1F40  }
0x7e: {  	[sflag:s30] =	ssyncset.done $0x0  }
.Ltmp1:
0x7f: {  	s31 =	sadd.s32 $0x2980, s22;
	[sflag:s30] =	ssyncadd.s32 $0xFFFFE0C0;
	(pc) =	sbr.rel @p0 .LBB2_4-.Ltmp1, $4  }
0x80: {  	[spmem:s3] =	stream.indirect.scatter.add.f32 [tilespmem:s24], [sflag:$0x5], $0x40, s31, s17, $0xb8;
	[tilespmem:$0x16D00] =	vst v63  }
0x81: {  	_ =	swait.ge [sflag:s13], $0x1F40  }
0x82: {  	[sflag:s13] =	ssyncset.done $0x0  }
0x83: {  	s22 =	sadd.s32 $0x380, s22;
	[sflag:s13] =	ssyncadd.s32 $0xFFFFE0C0  }
0x84: {  	[tilespmem:s24], [sflag:$0x4] =	stream.indirect.gather [hbm4b:s1+s17], $0x40, s22, s17, $0xb8;
	[tilespmem:$0x16D00] =	vst v63  }
0x85: {  	_ =	swait.ge [sflag:s26], $0x1F40  }
0x86: {  	[sflag:s26] =	ssyncset.done $0x0  }
0x87: {  	s20 =	simm.s32 $0x4E00;
	[sflag:s26] =	ssyncadd.s32 $0xFFFFE0C0  }
0x88: {  	[spmem:s3] =	stream.indirect.scatter.add.f32 [tilespmem:s16], [sflag:$0x5], $0x40, s20, s17, $0xb8;
	[tilespmem:$0x16D00] =	vst v63  }
0x89: {  	_ =	swait.ge [sflag:s13], $0x1F40  }
0x8a: {  	[sflag:s13] =	ssyncset.done $0x0  }
0x8b: {  	[sflag:s13] =	ssyncadd.s32 $0xFFFFE0C0  }
0x8c: {  	_ =	swait.ge [sflag:s28], $0x1F40  }
0x8d: {  	[sflag:s28] =	ssyncset.done $0x0  }
0x8e: {  	[sflag:s28] =	ssyncadd.s32 $0xFFFFE0C0  }
0x8f: {  	[spmem:s3] =	stream.indirect.scatter.add.f32 [tilespmem:s19], [sflag:$0x5], $0x40, s2, s17, $0xb8;
	[tilespmem:$0x16D00] =	vst v63  }
0x90: {  	_ =	swait.ge [sflag:s13], $0x1F40  }
0x91: {  	[sflag:s13] =	ssyncset.done $0x0  }
0x92: {  	[sflag:s13] =	ssyncadd.s32 $0xFFFFE0C0  }
0x93: {  	_ =	swait.ge [sflag:s29], $0x1F40  }
0x94: {  	[sflag:s29] =	ssyncset.done $0x0  }
0x95: {  	[sflag:s29] =	ssyncadd.s32 $0xFFFFE0C0  }
0x96: {  	[spmem:s3] =	stream.indirect.scatter.add.f32 [tilespmem:s21], [sflag:$0x5], $0x40, s0, s17, $0xb8;
	[tilespmem:$0x16D00] =	vst v63  }
0x97: {  	_ =	swait.ge [sflag:s13], $0x1F40  }
0x98: {  	[sflag:s13] =	ssyncset.done $0x0  }
0x99: {  	[sflag:s13] =	ssyncadd.s32 $0xFFFFE0C0  }
0x9a: {  	_ =	swait.ge [sflag:s30], $0x1F40  }
0x9b: {  	[sflag:s30] =	ssyncset.done $0x0  }
0x9c: {  	[sflag:s30] =	ssyncadd.s32 $0xFFFFE0C0  }
0x9d: {  	[spmem:s3] =	stream.indirect.scatter.add.f32 [tilespmem:s24], [sflag:$0x5], $0x40, s15, s17, $0xb8;
	[tilespmem:$0x16D00] =	vst v63  }
0x9e: {  	_ =	swait.ge [sflag:s13], $0x1F40  }
0x9f: {  	s31 =	stileid.u32;
	s18 =	sadd.s32 $0x1, s18;
	[sflag:s13] =	ssyncset.done $0x0  }
0xa0: {  	p0 =	sne.s32 s18, s8;
	s20 =	sshll.u32 s31, $0x6;
	[sflag:s13] =	ssyncadd.s32 $0xFFFFE0C0  }
.Ltmp2:
0xa1: {  	s20 =	sor.u32 $0x1C05, s20;
	[bflag:$0x0] =	sbarrier.arrive $0xFFFF;
	(pc) =	sbr.rel @p0 .LBB2_1-.Ltmp2, $4  }
0xa2: {  	[hbm:s23], [sflag:s20] =	dma.local [spmem:s25], $0x1400  }
0xa3: {  	_ =	swait.ge [sflag:s13], $0x1400  }
0xa4: {  	[sflag:s13] =	ssyncset.done $0x0  }
0xa5: {  	[sflag:s13] =	ssyncadd.s32 $0xFFFFEC00  }
0xa6: {  	_ =	sfence.sel $0x180000  }
0xa7: {  	[bflag:$0x0] =	sbarrier.arrive $0xFFFF  }
0xa8: {  	_ =	strace $0x90000050  }
0xa9: {  	s0 =	stileid.u32;
	[bflag:$0x2] =	sbarrier.arrive $0xFFFF  }
0xaa: {  	p0 =	sne.s32 s0, $0x0;
	s0 =	rddreg [dreg:$0x3]  }
0xab: {  	s0 =	sadd.s32 @!p0 $0x100000, s0  }
0xac: {  	[sflag:s0] =	ssyncadd.tile.s32 @!p0 $0x1;
	_ =	shalt  }
.Lfunc_end2:
_tile_overlayer_lowered:
.L_overlay_start_2:
0xad: {  	(tag) =	ssettag $0x2  }
0xae: {  	s0 =	rddreg [dreg:$0x0];
	s2 =	stileid.u32  }
0xaf: {  	s1 =	rddreg [dreg:$0x1];
	p0 =	sne.s32 s2, $0x0  }
0xb0: {  	s3 =	rddreg [dreg:$0x2];
	[bflag:$0x3] =	sbarrier.arrive $0xFFFF;
	s2 =	simm.s32 @!p0 $0x1C05  }
0xb1: {  	[timem:s3], [sflag:s2] =	dma.local @!p0 [hbm:s0], s1  }
0xb2: {  	s0 =	simm.s32 @!p0 $0x5  }
0xb3: {  	_ =	swait.ge @!p0 [sflag:s0], s1  }
0xb4: {  	s1 =	ssub.s32 @!p0 $0x0, s1;
	[sflag:s0] =	ssyncset.done @!p0 $0x0  }
0xb5: {  	[sflag:s0] =	ssyncadd.s32 @!p0 s1  }
0xb6: {  	[bflag:$0x3] =	sbarrier.arrive $0xFFFF  }
0xb7: {  	_ =	shalt  }

</sc_bundles>
